<compile_context>
chip_gen: v7x
topology: tpu7x:2x2x1
jax: 0.10.2.dev20260603
libtpu: 0.0.44.dev20260713+nightly
codegen_flags: <defaults>
</compile_context>

<pallas_src>
import functools

import jax
import jax.numpy as jnp
from jax import lax
from jax.experimental import pallas as pl
from jax.experimental.pallas import tpu as pltpu
from jax.experimental.pallas import tpu_sc as plsc

_NUM_CLASSES = 128
_B = 16384
_N = 1000
_NC = 2
_NS = 16
_NW = _NC * _NS
_G = 16

_SC_ROWS = 2048
_TC_BLOCK = 1024

_LOG2E = 1.4426950408889634
_MAGIC = 12582912.0
_C0 = 0.9999482342456953
_C1 = 0.6931272626213587
_C2 = 0.2422946311948181
_C3 = 0.05587553514465638


def _fast_exp(x):
    t = x * _LOG2E
    m = t + _MAGIC
    r = m - _MAGIC
    f = t - r
    i = lax.bitcast_convert_type(m, jnp.int32)
    s = lax.bitcast_convert_type((i + 127) << 23, jnp.float32)
    p = _C0 + f * (_C1 + f * (_C2 + f * _C3))
    return s * p


def _shuffle(v, idx):
    return v.at[idx].get(mode="promise_in_bounds")


def _row_body(buf, obuf, r, ci):
    ones = jnp.ones((_G,), jnp.float32)

    def sstep(s, chains):
        base = s * 128
        return tuple(
            chains[j] * (1.0 + _fast_exp(buf[r, pl.ds(base + j * _G, _G)]))
            for j in range(8)
        )

    chains = list(lax.fori_loop(0, 7, sstep, (ones,) * 8))
    for c in range(56, 62):
        chains[c - 56] = chains[c - 56] * (1.0 + _fast_exp(buf[r, pl.ds(c * _G, _G)]))
    xt = buf[r, pl.ds(984, _G)]
    chains[6] = chains[6] * jnp.where(ci >= 8, 1.0 + _fast_exp(xt), 1.0)
    m01 = chains[0] * chains[1]
    m23 = chains[2] * chains[3]
    m45 = chains[4] * chains[5]
    m67 = chains[6] * chains[7]
    pv = 1.0 / ((m01 * m23) * (m45 * m67))
    for d in (1, 2, 4, 8):
        pv = pv * _shuffle(pv, ci ^ d)
    x0 = buf[r, pl.ds(0, _G)]
    sh = _shuffle(x0, jnp.maximum(ci - 1, 0))
    o0 = jnp.where(ci == 0, pv, sh)
    o0 = jnp.where((ci == 5) | (ci == 10), 0.0, o0)
    obuf[r, pl.ds(0, _G)] = o0
    for k in range(1, 8):
        obuf[r, pl.ds(k * _G, _G)] = buf[r, pl.ds(k * _G - 1, _G)]


def _make_sc_kernel(nrows):
    rpw = nrows // _NW
    ngroups = rpw // _G

    @functools.partial(
        pl.kernel,
        mesh=plsc.VectorSubcoreMesh(core_axis_name="c", subcore_axis_name="s"),
        out_type=jax.ShapeDtypeStruct((nrows, _NUM_CLASSES), jnp.float32),
        scratch_types=[
            pltpu.VMEM((_G, _N), jnp.float32),
            pltpu.VMEM((_G, _N), jnp.float32),
            pltpu.VMEM((_G, _NUM_CLASSES), jnp.float32),
            pltpu.VMEM((_G, _NUM_CLASSES), jnp.float32),
            pltpu.SemaphoreType.DMA,
            pltpu.SemaphoreType.DMA,
            pltpu.SemaphoreType.DMA,
            pltpu.SemaphoreType.DMA,
        ],
    )
    def _sc_kernel(x_hbm, out_hbm, buf0, buf1, ob0, ob1, sem0, sem1, osem0, osem1):
        c = lax.axis_index("c")
        s = lax.axis_index("s")
        wid = s * _NC + c
        row0 = wid * rpw
        ci = lax.iota(jnp.int32, _G)
        bufs = (buf0, buf1)
        obufs = (ob0, ob1)
        sems = (sem0, sem1)
        osems = (osem0, osem1)

        def in_copy(g, b):
            return pltpu.make_async_copy(
                x_hbm.at[pl.ds(row0 + g * _G, _G), :], bufs[b], sems[b]
            )

        def out_copy(g, b):
            return pltpu.make_async_copy(
                obufs[b], out_hbm.at[pl.ds(row0 + g * _G, _G), :], osems[b]
            )

        in_copy(0, 0).start()
        in_copy(1, 1).start()

        def group_step(gg, carry):
            for b in range(2):
                g = gg * 2 + b
                in_copy(g, b).wait()

                @pl.when(g >= 2)
                def _():
                    out_copy(g - 2, b).wait()

                def rstep(r, carry2):
                    _row_body(bufs[b], obufs[b], r, ci)
                    return carry2

                lax.fori_loop(0, _G, rstep, 0)

                @pl.when(g + 2 < ngroups)
                def _():
                    in_copy(g + 2, b).start()

                out_copy(g, b).start()
            return carry

        lax.fori_loop(0, ngroups // 2, group_step, 0)
        out_copy(ngroups - 2, 0).wait()
        out_copy(ngroups - 1, 1).wait()

    return _sc_kernel


_sc_kernel_main = _make_sc_kernel(_SC_ROWS)


_TC_CHUNK = 512
_TC_NBUF = 4


def _tc_compute(x):
    q = 1.0 + jnp.exp(x[:, 0:128])
    for k in range(1, 7):
        q = q * (1.0 + jnp.exp(x[:, k * 128 : (k + 1) * 128]))
    mt = 1.0 + jnp.exp(x[:, 896:1000])
    neg_logp = jnp.sum(jnp.log(q), axis=1, keepdims=True) + jnp.sum(
        jnp.log(mt), axis=1, keepdims=True
    )
    p0 = jnp.exp(-neg_logp)
    out = jnp.concatenate([p0, x[:, : _NUM_CLASSES - 1]], axis=1)
    col = jax.lax.broadcasted_iota(jnp.int32, out.shape, 1)
    return jnp.where((col == 5) | (col == 10), 0.0, out)


def _tc_manual_body(x_hbm, o_hbm, *scratch):
    bufs = scratch[0:_TC_NBUF]
    obufs = scratch[_TC_NBUF : 2 * _TC_NBUF]
    sems = scratch[2 * _TC_NBUF : 3 * _TC_NBUF]
    osems = scratch[3 * _TC_NBUF : 4 * _TC_NBUF]
    nchunks = (_B - _SC_ROWS) // _TC_CHUNK

    def in_copy(chunk, b):
        rows = _SC_ROWS + chunk * _TC_CHUNK
        return pltpu.make_async_copy(
            x_hbm.at[pl.ds(rows, _TC_CHUNK), :], bufs[b], sems[b]
        )

    def out_copy(chunk, b):
        rows = _SC_ROWS + chunk * _TC_CHUNK
        return pltpu.make_async_copy(
            obufs[b], o_hbm.at[pl.ds(rows, _TC_CHUNK), :], osems[b]
        )

    for b in range(_TC_NBUF):
        in_copy(b, b).start()

    def gstep(g, carry):
        for b in range(_TC_NBUF):
            chunk = g * _TC_NBUF + b
            in_copy(chunk, b).wait()

            @pl.when(g >= 1)
            def _():
                out_copy(chunk - _TC_NBUF, b).wait()

            obufs[b][...] = _tc_compute(bufs[b][...])

            @pl.when(chunk + _TC_NBUF < nchunks)
            def _():
                in_copy(chunk + _TC_NBUF, b).start()

            out_copy(chunk, b).start()
        return carry

    lax.fori_loop(0, nchunks // _TC_NBUF, gstep, 0)
    for b in range(_TC_NBUF):
        out_copy(nchunks - _TC_NBUF + b, b).wait()


def _tc_call(x):
    return pl.pallas_call(
        _tc_manual_body,
        in_specs=[pl.BlockSpec(memory_space=pl.ANY)],
        out_specs=pl.BlockSpec(memory_space=pl.ANY),
        out_shape=jax.ShapeDtypeStruct((_B, _NUM_CLASSES), jnp.float32),
        scratch_shapes=(
            [pltpu.VMEM((_TC_CHUNK, _N), jnp.float32)] * _TC_NBUF
            + [pltpu.VMEM((_TC_CHUNK, _NUM_CLASSES), jnp.float32)] * _TC_NBUF
            + [pltpu.SemaphoreType.DMA] * (2 * _TC_NBUF)
        ),
    )(x)


def kernel(teacher_logits):
    out_sc = _sc_kernel_main(teacher_logits)
    out_tc = _tc_call(teacher_logits)
    return lax.dynamic_update_slice(out_tc, out_sc, (0, 0))

# --- scband reference (transcript-rebuilt; emitter-appended) ---
"""Pipeline reference for scband-teacher-output-adapter-78615081386282 (READ-ONLY COPY).

The authoritative reference and input builder live on the scoring server;
editing this copy changes nothing except your own understanding.
"""

import jax, jax.numpy as jnp
import numpy as np

TEACHER_INDICES = [None] + list(range(127))
NUM_CLASSES = 128
COMPUTE_NO_FINDING = True
ZERO_INDICES = [5, 10]


def setup_inputs(seed: int = 0) -> dict:
    key = jax.random.key(seed)
    teacher_logits = jax.random.normal(key, (16384, 1000), dtype=jnp.float32)
    return {"teacher_logits": teacher_logits}


def reference(teacher_logits):
    batch_size = teacher_logits.shape[0]
    mapped = jnp.zeros((batch_size, NUM_CLASSES), dtype=jnp.float32)
    if COMPUTE_NO_FINDING:
        mapped = mapped.at[:, 0].set(jnp.prod(1.0 - jax.nn.sigmoid(teacher_logits), axis=1))
    tgt_cols = [i for i, t in enumerate(TEACHER_INDICES) if t is not None]
    src_cols = [TEACHER_INDICES[i] for i in tgt_cols]
    tgt_idx = jnp.array(tgt_cols, dtype=jnp.int32)
    src_idx = jnp.array(src_cols, dtype=jnp.int32)
    mapped = mapped.at[:, tgt_idx].set(jnp.take(teacher_logits, src_idx, axis=1))
    if len(ZERO_INDICES) > 0:
        zero_idx = jnp.array(sorted(ZERO_INDICES), dtype=jnp.int32)
        mapped = mapped.at[:, zero_idx].set(0.0)
    return mapped

if __name__ == "__main__":
    import jax
    _d = setup_inputs()
    print(jax.jit(kernel)(*tuple(_d.values())))

</pallas_src>

<mosaic_0001>
#map = affine_map<(d0, d1) -> (0, 0)>
module attributes {stable_mosaic.version = 14 : i64} {
  func.func @_sc_kernel(%arg0: i32, %arg1: i32, %arg2: memref<16384x1000xf32, #tpu.memory_space<hbm>>, %arg3: memref<2048x128xf32, #tpu.memory_space<hbm>>, %arg4: memref<16x1000xf32, #tpu.memory_space<vmem>>, %arg5: memref<16x1000xf32, #tpu.memory_space<vmem>>, %arg6: memref<16x128xf32, #tpu.memory_space<vmem>>, %arg7: memref<16x128xf32, #tpu.memory_space<vmem>>, %arg8: memref<!tpu.dma_semaphore, #tpu.memory_space<semaphore_mem>>, %arg9: memref<!tpu.dma_semaphore, #tpu.memory_space<semaphore_mem>>, %arg10: memref<!tpu.dma_semaphore, #tpu.memory_space<semaphore_mem>>, %arg11: memref<!tpu.dma_semaphore, #tpu.memory_space<semaphore_mem>>) attributes {dimension_semantics = [#tpu.dimension_semantics<core_parallel>, #tpu.dimension_semantics<subcore_parallel>], iteration_bounds = array<i64: 2, 16>, scalar_prefetch = 0 : i64, scratch_operands = 8 : i64, tpu.core_type = #tpu.core_type<sc_vector_subcore>, window_params = [{transform_indices = #map}, {transform_indices = #map}]} {
    %mul3A = arith.constant 2 : i32
    %mul3A_0 = arith.muli %arg1, %mul3A : i32
    %add3A = arith.addi %mul3A_0, %arg0 : i32
    %mul3A_1 = arith.constant 64 : i32
    %mul3A_2 = arith.muli %add3A, %mul3A_1 : i32
    %iota3A = tpu.iota {dimensions = array<i32: 0>} : vector<16xi32>
    %add3A_3 = arith.constant 0 : i32
    %add3A_4 = arith.addi %mul3A_2, %add3A_3 : i32
    %dma_start3A = arith.constant 0 : i32
    %dma_start3A_5 = tpu.memref_slice %arg2[%add3A_4, %dma_start3A] : memref<16384x1000xf32, #tpu.memory_space<hbm>> -> memref<16x1000xf32, #tpu.memory_space<hbm>>
    %dma_start3A_6 = arith.constant 0 : i32
    %dma_start3A_7 = tpu.memref_slice %arg2[%add3A_4, %dma_start3A_6] : memref<16384x1000xf32, #tpu.memory_space<hbm>> -> memref<16x1000xf32, #tpu.memory_space<hbm>>
    tpu.enqueue_dma source(%dma_start3A_7 : memref<16x1000xf32, #tpu.memory_space<hbm>>) target(%arg4 : memref<16x1000xf32, #tpu.memory_space<vmem>>) target_semaphore(%arg8 : memref<!tpu.dma_semaphore, #tpu.memory_space<semaphore_mem>>)
    %add3A_8 = arith.constant 16 : i32
    %add3A_9 = arith.addi %mul3A_2, %add3A_8 : i32
    %dma_start3A_10 = arith.constant 0 : i32
    %dma_start3A_11 = tpu.memref_slice %arg2[%add3A_9, %dma_start3A_10] : memref<16384x1000xf32, #tpu.memory_space<hbm>> -> memref<16x1000xf32, #tpu.memory_space<hbm>>
    %dma_start3A_12 = arith.constant 0 : i32
    %dma_start3A_13 = tpu.memref_slice %arg2[%add3A_9, %dma_start3A_12] : memref<16384x1000xf32, #tpu.memory_space<hbm>> -> memref<16x1000xf32, #tpu.memory_space<hbm>>
    tpu.enqueue_dma source(%dma_start3A_13 : memref<16x1000xf32, #tpu.memory_space<hbm>>) target(%arg5 : memref<16x1000xf32, #tpu.memory_space<vmem>>) target_semaphore(%arg9 : memref<!tpu.dma_semaphore, #tpu.memory_space<semaphore_mem>>)
    %scan3A = arith.constant 0 : i32
    %scan3A_14 = arith.constant 0 : i32
    %scan3A_15 = arith.constant 2 : i32
    %scan3A_16 = arith.addi %scan3A_14, %scan3A_15 : i32
    %scan3A_17 = arith.constant 1 : i32
    scf.for %scan3A_30 = %scan3A_14 to %scan3A_16 step %scan3A_17  : i32 {
      %mul3A_31 = arith.constant 2 : i32
      %mul3A_32 = arith.muli %scan3A_30, %mul3A_31 : i32
      %add3A_33 = arith.constant 0 : i32
      %add3A_34 = arith.addi %mul3A_32, %add3A_33 : i32
      %mul3A_35 = arith.constant 16 : i32
      %mul3A_36 = arith.muli %add3A_34, %mul3A_35 : i32
      %add3A_37 = arith.addi %mul3A_2, %mul3A_36 : i32
      %dma_wait3A_38 = arith.constant 0 : i32
      %dma_wait3A_39 = tpu.memref_slice %arg2[%add3A_37, %dma_wait3A_38] : memref<16384x1000xf32, #tpu.memory_space<hbm>> -> memref<16x1000xf32, #tpu.memory_space<hbm>>
      %dma_wait3A_40 = arith.constant 0 : i32
      %dma_wait3A_41 = tpu.memref_slice %arg2[%add3A_37, %dma_wait3A_40] : memref<16384x1000xf32, #tpu.memory_space<hbm>> -> memref<16x1000xf32, #tpu.memory_space<hbm>>
      tpu.wait_dma2 semaphore(%arg8 : memref<!tpu.dma_semaphore, #tpu.memory_space<semaphore_mem>>) src(%dma_wait3A_41 : memref<16x1000xf32, #tpu.memory_space<hbm>>) dst(%arg4 : memref<16x1000xf32, #tpu.memory_space<vmem>>)
      %ge3A = arith.constant 2 : i32
      %ge3A_42 = arith.cmpi sge, %add3A_34, %ge3A : i32
      %convert_element_type3A = arith.extui %ge3A_42 : i1 to i32
      %cond3A = arith.constant 0 : i32
      %cond3A_43 = arith.cmpi ne, %convert_element_type3A, %cond3A : i32
      scf.if %cond3A_43 {
        %sub3A = arith.constant 2 : i32
        %sub3A_99 = arith.subi %add3A_34, %sub3A : i32
        %mul3A_100 = arith.constant 16 : i32
        %mul3A_101 = arith.muli %sub3A_99, %mul3A_100 : i32
        %add3A_102 = arith.addi %mul3A_2, %mul3A_101 : i32
        %dma_wait3A_103 = arith.constant 0 : i32
        %dma_wait3A_104 = tpu.memref_slice %arg3[%add3A_102, %dma_wait3A_103] : memref<2048x128xf32, #tpu.memory_space<hbm>> -> memref<16x128xf32, #tpu.memory_space<hbm>>
        %dma_wait3A_105 = arith.constant 0 : i32
        %dma_wait3A_106 = tpu.memref_slice %arg3[%add3A_102, %dma_wait3A_105] : memref<2048x128xf32, #tpu.memory_space<hbm>> -> memref<16x128xf32, #tpu.memory_space<hbm>>
        tpu.wait_dma2 semaphore(%arg10 : memref<!tpu.dma_semaphore, #tpu.memory_space<semaphore_mem>>) src(%arg6 : memref<16x128xf32, #tpu.memory_space<vmem>>) dst(%dma_wait3A_106 : memref<16x128xf32, #tpu.memory_space<hbm>>)
      } else {
      }
      %scan3A_44 = arith.constant 0 : i32
      %scan3A_45 = arith.constant 0 : i32
      %scan3A_46 = arith.constant 16 : i32
      %scan3A_47 = arith.addi %scan3A_45, %scan3A_46 : i32
      %scan3A_48 = arith.constant 1 : i32
      scf.for %scan3A_99 = %scan3A_45 to %scan3A_47 step %scan3A_48  : i32 {
        %broadcast_in_dim3A = arith.constant 1.000000e+00 : f32
        %broadcast_in_dim3A_100 = vector.broadcast %broadcast_in_dim3A : f32 to vector<16xf32>
        %scan3A_101 = arith.constant 0 : i32
        %scan3A_102 = arith.constant 7 : i32
        %scan3A_103 = arith.addi %scan3A_101, %scan3A_102 : i32
        %scan3A_104 = arith.constant 1 : i32
        %scan3A_105:8 = scf.for %scan3A_555 = %scan3A_101 to %scan3A_103 step %scan3A_104 iter_args(%scan3A_556 = %broadcast_in_dim3A_100, %scan3A_557 = %broadcast_in_dim3A_100, %scan3A_558 = %broadcast_in_dim3A_100, %scan3A_559 = %broadcast_in_dim3A_100, %scan3A_560 = %broadcast_in_dim3A_100, %scan3A_561 = %broadcast_in_dim3A_100, %scan3A_562 = %broadcast_in_dim3A_100, %scan3A_563 = %broadcast_in_dim3A_100) -> (vector<16xf32>, vector<16xf32>, vector<16xf32>, vector<16xf32>, vector<16xf32>, vector<16xf32>, vector<16xf32>, vector<16xf32>)  : i32 {
          %mul3A_564 = arith.constant 128 : i32
          %mul3A_565 = arith.muli %scan3A_555, %mul3A_564 : i32
          %add3A_566 = arith.constant 0 : i32
          %add3A_567 = arith.addi %mul3A_565, %add3A_566 : i32
          %get3A_568 = arith.index_cast %scan3A_99 : i32 to index
          %get3A_569 = arith.index_cast %add3A_567 : i32 to index
          %get3A_570 = tpu.vector_load %arg4[%get3A_568, %get3A_569] {strides = array<i32>} : memref<16x1000xf32, #tpu.memory_space<vmem>>, vector<1x16xf32>,
          %get3A_571 = vector.shape_cast %get3A_570 : vector<1x16xf32> to vector<16xf32>
          %mul3A_572 = arith.constant 1.44269502 : f32
          %mul3A_573 = vector.broadcast %mul3A_572 : f32 to vector<16xf32>
          %mul3A_574 = arith.mulf %get3A_571, %mul3A_573 : vector<16xf32>
          %add3A_575 = arith.constant 0x4B400000 : f32
          %add3A_576 = vector.broadcast %add3A_575 : f32 to vector<16xf32>
          %add3A_577 = arith.addf %mul3A_574, %add3A_576 : vector<16xf32>
          %sub3A_578 = arith.constant 0x4B400000 : f32
          %sub3A_579 = vector.broadcast %sub3A_578 : f32 to vector<16xf32>
          %sub3A_580 = arith.subf %add3A_577, %sub3A_579 : vector<16xf32>
          %sub3A_581 = arith.subf %mul3A_574, %sub3A_580 : vector<16xf32>
          %bitcast_convert_type3A_582 = tpu.bitcast %add3A_577 : vector<16xf32> -> vector<16xi32>
          %add3A_583 = arith.constant 127 : i32
          %add3A_584 = vector.broadcast %add3A_583 : i32 to vector<16xi32>
          %add3A_585 = arith.addi %bitcast_convert_type3A_582, %add3A_584 : vector<16xi32>
          %shift_left3A_586 = arith.constant 23 : i32
          %shift_left3A_587 = vector.broadcast %shift_left3A_586 : i32 to vector<16xi32>
          %shift_left3A_588 = arith.shli %add3A_585, %shift_left3A_587 : vector<16xi32>
          %bitcast_convert_type3A_589 = tpu.bitcast %shift_left3A_588 : vector<16xi32> -> vector<16xf32>
          %mul3A_590 = arith.constant 0.0558755361 : f32
          %mul3A_591 = vector.broadcast %mul3A_590 : f32 to vector<16xf32>
          %mul3A_592 = arith.mulf %sub3A_581, %mul3A_591 : vector<16xf32>
          %add3A_593 = arith.constant 0.242294624 : f32
          %add3A_594 = vector.broadcast %add3A_593 : f32 to vector<16xf32>
          %add3A_595 = arith.addf %add3A_594, %mul3A_592 : vector<16xf32>
          %mul3A_596 = arith.mulf %sub3A_581, %add3A_595 : vector<16xf32>
          %add3A_597 = arith.constant 0.693127275 : f32
          %add3A_598 = vector.broadcast %add3A_597 : f32 to vector<16xf32>
          %add3A_599 = arith.addf %add3A_598, %mul3A_596 : vector<16xf32>
          %mul3A_600 = arith.mulf %sub3A_581, %add3A_599 : vector<16xf32>
          %add3A_601 = arith.constant 0.999948263 : f32
          %add3A_602 = vector.broadcast %add3A_601 : f32 to vector<16xf32>
          %add3A_603 = arith.addf %add3A_602, %mul3A_600 : vector<16xf32>
          %mul3A_604 = arith.mulf %bitcast_convert_type3A_589, %add3A_603 : vector<16xf32>
          %add3A_605 = arith.constant 1.000000e+00 : f32
          %add3A_606 = vector.broadcast %add3A_605 : f32 to vector<16xf32>
          %add3A_607 = arith.addf %add3A_606, %mul3A_604 : vector<16xf32>
          %mul3A_608 = arith.mulf %scan3A_556, %add3A_607 : vector<16xf32>
          %add3A_609 = arith.constant 16 : i32
          %add3A_610 = arith.addi %mul3A_565, %add3A_609 : i32
          %get3A_611 = arith.index_cast %scan3A_99 : i32 to index
          %get3A_612 = arith.index_cast %add3A_610 : i32 to index
          %get3A_613 = tpu.vector_load %arg4[%get3A_611, %get3A_612] {strides = array<i32>} : memref<16x1000xf32, #tpu.memory_space<vmem>>, vector<1x16xf32>,
          %get3A_614 = vector.shape_cast %get3A_613 : vector<1x16xf32> to vector<16xf32>
          %mul3A_615 = arith.constant 1.44269502 : f32
          %mul3A_616 = vector.broadcast %mul3A_615 : f32 to vector<16xf32>
          %mul3A_617 = arith.mulf %get3A_614, %mul3A_616 : vector<16xf32>
          %add3A_618 = arith.constant 0x4B400000 : f32
          %add3A_619 = vector.broadcast %add3A_618 : f32 to vector<16xf32>
          %add3A_620 = arith.addf %mul3A_617, %add3A_619 : vector<16xf32>
          %sub3A_621 = arith.constant 0x4B400000 : f32
          %sub3A_622 = vector.broadcast %sub3A_621 : f32 to vector<16xf32>
          %sub3A_623 = arith.subf %add3A_620, %sub3A_622 : vector<16xf32>
          %sub3A_624 = arith.subf %mul3A_617, %sub3A_623 : vector<16xf32>
          %bitcast_convert_type3A_625 = tpu.bitcast %add3A_620 : vector<16xf32> -> vector<16xi32>
          %add3A_626 = arith.constant 127 : i32
          %add3A_627 = vector.broadcast %add3A_626 : i32 to vector<16xi32>
          %add3A_628 = arith.addi %bitcast_convert_type3A_625, %add3A_627 : vector<16xi32>
          %shift_left3A_629 = arith.constant 23 : i32
          %shift_left3A_630 = vector.broadcast %shift_left3A_629 : i32 to vector<16xi32>
          %shift_left3A_631 = arith.shli %add3A_628, %shift_left3A_630 : vector<16xi32>
          %bitcast_convert_type3A_632 = tpu.bitcast %shift_left3A_631 : vector<16xi32> -> vector<16xf32>
          %mul3A_633 = arith.constant 0.0558755361 : f32
          %mul3A_634 = vector.broadcast %mul3A_633 : f32 to vector<16xf32>
          %mul3A_635 = arith.mulf %sub3A_624, %mul3A_634 : vector<16xf32>
          %add3A_636 = arith.constant 0.242294624 : f32
          %add3A_637 = vector.broadcast %add3A_636 : f32 to vector<16xf32>
          %add3A_638 = arith.addf %add3A_637, %mul3A_635 : vector<16xf32>
          %mul3A_639 = arith.mulf %sub3A_624, %add3A_638 : vector<16xf32>
          %add3A_640 = arith.constant 0.693127275 : f32
          %add3A_641 = vector.broadcast %add3A_640 : f32 to vector<16xf32>
          %add3A_642 = arith.addf %add3A_641, %mul3A_639 : vector<16xf32>
          %mul3A_643 = arith.mulf %sub3A_624, %add3A_642 : vector<16xf32>
          %add3A_644 = arith.constant 0.999948263 : f32
          %add3A_645 = vector.broadcast %add3A_644 : f32 to vector<16xf32>
          %add3A_646 = arith.addf %add3A_645, %mul3A_643 : vector<16xf32>
          %mul3A_647 = arith.mulf %bitcast_convert_type3A_632, %add3A_646 : vector<16xf32>
          %add3A_648 = arith.constant 1.000000e+00 : f32
          %add3A_649 = vector.broadcast %add3A_648 : f32 to vector<16xf32>
          %add3A_650 = arith.addf %add3A_649, %mul3A_647 : vector<16xf32>
          %mul3A_651 = arith.mulf %scan3A_557, %add3A_650 : vector<16xf32>
          %add3A_652 = arith.constant 32 : i32
          %add3A_653 = arith.addi %mul3A_565, %add3A_652 : i32
          %get3A_654 = arith.index_cast %scan3A_99 : i32 to index
          %get3A_655 = arith.index_cast %add3A_653 : i32 to index
          %get3A_656 = tpu.vector_load %arg4[%get3A_654, %get3A_655] {strides = array<i32>} : memref<16x1000xf32, #tpu.memory_space<vmem>>, vector<1x16xf32>,
          %get3A_657 = vector.shape_cast %get3A_656 : vector<1x16xf32> to vector<16xf32>
          %mul3A_658 = arith.constant 1.44269502 : f32
          %mul3A_659 = vector.broadcast %mul3A_658 : f32 to vector<16xf32>
          %mul3A_660 = arith.mulf %get3A_657, %mul3A_659 : vector<16xf32>
          %add3A_661 = arith.constant 0x4B400000 : f32
          %add3A_662 = vector.broadcast %add3A_661 : f32 to vector<16xf32>
          %add3A_663 = arith.addf %mul3A_660, %add3A_662 : vector<16xf32>
          %sub3A_664 = arith.constant 0x4B400000 : f32
          %sub3A_665 = vector.broadcast %sub3A_664 : f32 to vector<16xf32>
          %sub3A_666 = arith.subf %add3A_663, %sub3A_665 : vector<16xf32>
          %sub3A_667 = arith.subf %mul3A_660, %sub3A_666 : vector<16xf32>
          %bitcast_convert_type3A_668 = tpu.bitcast %add3A_663 : vector<16xf32> -> vector<16xi32>
          %add3A_669 = arith.constant 127 : i32
          %add3A_670 = vector.broadcast %add3A_669 : i32 to vector<16xi32>
          %add3A_671 = arith.addi %bitcast_convert_type3A_668, %add3A_670 : vector<16xi32>
          %shift_left3A_672 = arith.constant 23 : i32
          %shift_left3A_673 = vector.broadcast %shift_left3A_672 : i32 to vector<16xi32>
          %shift_left3A_674 = arith.shli %add3A_671, %shift_left3A_673 : vector<16xi32>
          %bitcast_convert_type3A_675 = tpu.bitcast %shift_left3A_674 : vector<16xi32> -> vector<16xf32>
          %mul3A_676 = arith.constant 0.0558755361 : f32
          %mul3A_677 = vector.broadcast %mul3A_676 : f32 to vector<16xf32>
          %mul3A_678 = arith.mulf %sub3A_667, %mul3A_677 : vector<16xf32>
          %add3A_679 = arith.constant 0.242294624 : f32
          %add3A_680 = vector.broadcast %add3A_679 : f32 to vector<16xf32>
          %add3A_681 = arith.addf %add3A_680, %mul3A_678 : vector<16xf32>
          %mul3A_682 = arith.mulf %sub3A_667, %add3A_681 : vector<16xf32>
          %add3A_683 = arith.constant 0.693127275 : f32
          %add3A_684 = vector.broadcast %add3A_683 : f32 to vector<16xf32>
          %add3A_685 = arith.addf %add3A_684, %mul3A_682 : vector<16xf32>
          %mul3A_686 = arith.mulf %sub3A_667, %add3A_685 : vector<16xf32>
          %add3A_687 = arith.constant 0.999948263 : f32
          %add3A_688 = vector.broadcast %add3A_687 : f32 to vector<16xf32>
          %add3A_689 = arith.addf %add3A_688, %mul3A_686 : vector<16xf32>
          %mul3A_690 = arith.mulf %bitcast_convert_type3A_675, %add3A_689 : vector<16xf32>
          %add3A_691 = arith.constant 1.000000e+00 : f32
          %add3A_692 = vector.broadcast %add3A_691 : f32 to vector<16xf32>
          %add3A_693 = arith.addf %add3A_692, %mul3A_690 : vector<16xf32>
          %mul3A_694 = arith.mulf %scan3A_558, %add3A_693 : vector<16xf32>
          %add3A_695 = arith.constant 48 : i32
          %add3A_696 = arith.addi %mul3A_565, %add3A_695 : i32
          %get3A_697 = arith.index_cast %scan3A_99 : i32 to index
          %get3A_698 = arith.index_cast %add3A_696 : i32 to index
          %get3A_699 = tpu.vector_load %arg4[%get3A_697, %get3A_698] {strides = array<i32>} : memref<16x1000xf32, #tpu.memory_space<vmem>>, vector<1x16xf32>,
          %get3A_700 = vector.shape_cast %get3A_699 : vector<1x16xf32> to vector<16xf32>
          %mul3A_701 = arith.constant 1.44269502 : f32
          %mul3A_702 = vector.broadcast %mul3A_701 : f32 to vector<16xf32>
          %mul3A_703 = arith.mulf %get3A_700, %mul3A_702 : vector<16xf32>
          %add3A_704 = arith.constant 0x4B400000 : f32
          %add3A_705 = vector.broadcast %add3A_704 : f32 to vector<16xf32>
          %add3A_706 = arith.addf %mul3A_703, %add3A_705 : vector<16xf32>
          %sub3A_707 = arith.constant 0x4B400000 : f32
          %sub3A_708 = vector.broadcast %sub3A_707 : f32 to vector<16xf32>
          %sub3A_709 = arith.subf %add3A_706, %sub3A_708 : vector<16xf32>
          %sub3A_710 = arith.subf %mul3A_703, %sub3A_709 : vector<16xf32>
          %bitcast_convert_type3A_711 = tpu.bitcast %add3A_706 : vector<16xf32> -> vector<16xi32>
          %add3A_712 = arith.constant 127 : i32
          %add3A_713 = vector.broadcast %add3A_712 : i32 to vector<16xi32>
          %add3A_714 = arith.addi %bitcast_convert_type3A_711, %add3A_713 : vector<16xi32>
          %shift_left3A_715 = arith.constant 23 : i32
          %shift_left3A_716 = vector.broadcast %shift_left3A_715 : i32 to vector<16xi32>
          %shift_left3A_717 = arith.shli %add3A_714, %shift_left3A_716 : vector<16xi32>
          %bitcast_convert_type3A_718 = tpu.bitcast %shift_left3A_717 : vector<16xi32> -> vector<16xf32>
          %mul3A_719 = arith.constant 0.0558755361 : f32
          %mul3A_720 = vector.broadcast %mul3A_719 : f32 to vector<16xf32>
          %mul3A_721 = arith.mulf %sub3A_710, %mul3A_720 : vector<16xf32>
          %add3A_722 = arith.constant 0.242294624 : f32
          %add3A_723 = vector.broadcast %add3A_722 : f32 to vector<16xf32>
          %add3A_724 = arith.addf %add3A_723, %mul3A_721 : vector<16xf32>
          %mul3A_725 = arith.mulf %sub3A_710, %add3A_724 : vector<16xf32>
          %add3A_726 = arith.constant 0.693127275 : f32
          %add3A_727 = vector.broadcast %add3A_726 : f32 to vector<16xf32>
          %add3A_728 = arith.addf %add3A_727, %mul3A_725 : vector<16xf32>
          %mul3A_729 = arith.mulf %sub3A_710, %add3A_728 : vector<16xf32>
          %add3A_730 = arith.constant 0.999948263 : f32
          %add3A_731 = vector.broadcast %add3A_730 : f32 to vector<16xf32>
          %add3A_732 = arith.addf %add3A_731, %mul3A_729 : vector<16xf32>
          %mul3A_733 = arith.mulf %bitcast_convert_type3A_718, %add3A_732 : vector<16xf32>
          %add3A_734 = arith.constant 1.000000e+00 : f32
          %add3A_735 = vector.broadcast %add3A_734 : f32 to vector<16xf32>
          %add3A_736 = arith.addf %add3A_735, %mul3A_733 : vector<16xf32>
          %mul3A_737 = arith.mulf %scan3A_559, %add3A_736 : vector<16xf32>
          %add3A_738 = arith.constant 64 : i32
          %add3A_739 = arith.addi %mul3A_565, %add3A_738 : i32
          %get3A_740 = arith.index_cast %scan3A_99 : i32 to index
          %get3A_741 = arith.index_cast %add3A_739 : i32 to index
          %get3A_742 = tpu.vector_load %arg4[%get3A_740, %get3A_741] {strides = array<i32>} : memref<16x1000xf32, #tpu.memory_space<vmem>>, vector<1x16xf32>,
          %get3A_743 = vector.shape_cast %get3A_742 : vector<1x16xf32> to vector<16xf32>
          %mul3A_744 = arith.constant 1.44269502 : f32
          %mul3A_745 = vector.broadcast %mul3A_744 : f32 to vector<16xf32>
          %mul3A_746 = arith.mulf %get3A_743, %mul3A_745 : vector<16xf32>
          %add3A_747 = arith.constant 0x4B400000 : f32
          %add3A_748 = vector.broadcast %add3A_747 : f32 to vector<16xf32>
          %add3A_749 = arith.addf %mul3A_746, %add3A_748 : vector<16xf32>
          %sub3A_750 = arith.constant 0x4B400000 : f32
          %sub3A_751 = vector.broadcast %sub3A_750 : f32 to vector<16xf32>
          %sub3A_752 = arith.subf %add3A_749, %sub3A_751 : vector<16xf32>
          %sub3A_753 = arith.subf %mul3A_746, %sub3A_752 : vector<16xf32>
          %bitcast_convert_type3A_754 = tpu.bitcast %add3A_749 : vector<16xf32> -> vector<16xi32>
          %add3A_755 = arith.constant 127 : i32
          %add3A_756 = vector.broadcast %add3A_755 : i32 to vector<16xi32>
          %add3A_757 = arith.addi %bitcast_convert_type3A_754, %add3A_756 : vector<16xi32>
          %shift_left3A_758 = arith.constant 23 : i32
          %shift_left3A_759 = vector.broadcast %shift_left3A_758 : i32 to vector<16xi32>
          %shift_left3A_760 = arith.shli %add3A_757, %shift_left3A_759 : vector<16xi32>
          %bitcast_convert_type3A_761 = tpu.bitcast %shift_left3A_760 : vector<16xi32> -> vector<16xf32>
          %mul3A_762 = arith.constant 0.0558755361 : f32
          %mul3A_763 = vector.broadcast %mul3A_762 : f32 to vector<16xf32>
          %mul3A_764 = arith.mulf %sub3A_753, %mul3A_763 : vector<16xf32>
          %add3A_765 = arith.constant 0.242294624 : f32
          %add3A_766 = vector.broadcast %add3A_765 : f32 to vector<16xf32>
          %add3A_767 = arith.addf %add3A_766, %mul3A_764 : vector<16xf32>
          %mul3A_768 = arith.mulf %sub3A_753, %add3A_767 : vector<16xf32>
          %add3A_769 = arith.constant 0.693127275 : f32
          %add3A_770 = vector.broadcast %add3A_769 : f32 to vector<16xf32>
          %add3A_771 = arith.addf %add3A_770, %mul3A_768 : vector<16xf32>
          %mul3A_772 = arith.mulf %sub3A_753, %add3A_771 : vector<16xf32>
          %add3A_773 = arith.constant 0.999948263 : f32
          %add3A_774 = vector.broadcast %add3A_773 : f32 to vector<16xf32>
          %add3A_775 = arith.addf %add3A_774, %mul3A_772 : vector<16xf32>
          %mul3A_776 = arith.mulf %bitcast_convert_type3A_761, %add3A_775 : vector<16xf32>
          %add3A_777 = arith.constant 1.000000e+00 : f32
          %add3A_778 = vector.broadcast %add3A_777 : f32 to vector<16xf32>
          %add3A_779 = arith.addf %add3A_778, %mul3A_776 : vector<16xf32>
          %mul3A_780 = arith.mulf %scan3A_560, %add3A_779 : vector<16xf32>
          %add3A_781 = arith.constant 80 : i32
          %add3A_782 = arith.addi %mul3A_565, %add3A_781 : i32
          %get3A_783 = arith.index_cast %scan3A_99 : i32 to index
          %get3A_784 = arith.index_cast %add3A_782 : i32 to index
          %get3A_785 = tpu.vector_load %arg4[%get3A_783, %get3A_784] {strides = array<i32>} : memref<16x1000xf32, #tpu.memory_space<vmem>>, vector<1x16xf32>,
          %get3A_786 = vector.shape_cast %get3A_785 : vector<1x16xf32> to vector<16xf32>
          %mul3A_787 = arith.constant 1.44269502 : f32
          %mul3A_788 = vector.broadcast %mul3A_787 : f32 to vector<16xf32>
          %mul3A_789 = arith.mulf %get3A_786, %mul3A_788 : vector<16xf32>
          %add3A_790 = arith.constant 0x4B400000 : f32
          %add3A_791 = vector.broadcast %add3A_790 : f32 to vector<16xf32>
          %add3A_792 = arith.addf %mul3A_789, %add3A_791 : vector<16xf32>
          %sub3A_793 = arith.constant 0x4B400000 : f32
          %sub3A_794 = vector.broadcast %sub3A_793 : f32 to vector<16xf32>
          %sub3A_795 = arith.subf %add3A_792, %sub3A_794 : vector<16xf32>
          %sub3A_796 = arith.subf %mul3A_789, %sub3A_795 : vector<16xf32>
          %bitcast_convert_type3A_797 = tpu.bitcast %add3A_792 : vector<16xf32> -> vector<16xi32>
          %add3A_798 = arith.constant 127 : i32
          %add3A_799 = vector.broadcast %add3A_798 : i32 to vector<16xi32>
          %add3A_800 = arith.addi %bitcast_convert_type3A_797, %add3A_799 : vector<16xi32>
          %shift_left3A_801 = arith.constant 23 : i32
          %shift_left3A_802 = vector.broadcast %shift_left3A_801 : i32 to vector<16xi32>
          %shift_left3A_803 = arith.shli %add3A_800, %shift_left3A_802 : vector<16xi32>
          %bitcast_convert_type3A_804 = tpu.bitcast %shift_left3A_803 : vector<16xi32> -> vector<16xf32>
          %mul3A_805 = arith.constant 0.0558755361 : f32
          %mul3A_806 = vector.broadcast %mul3A_805 : f32 to vector<16xf32>
          %mul3A_807 = arith.mulf %sub3A_796, %mul3A_806 : vector<16xf32>
          %add3A_808 = arith.constant 0.242294624 : f32
          %add3A_809 = vector.broadcast %add3A_808 : f32 to vector<16xf32>
          %add3A_810 = arith.addf %add3A_809, %mul3A_807 : vector<16xf32>
          %mul3A_811 = arith.mulf %sub3A_796, %add3A_810 : vector<16xf32>
          %add3A_812 = arith.constant 0.693127275 : f32
          %add3A_813 = vector.broadcast %add3A_812 : f32 to vector<16xf32>
          %add3A_814 = arith.addf %add3A_813, %mul3A_811 : vector<16xf32>
          %mul3A_815 = arith.mulf %sub3A_796, %add3A_814 : vector<16xf32>
          %add3A_816 = arith.constant 0.999948263 : f32
          %add3A_817 = vector.broadcast %add3A_816 : f32 to vector<16xf32>
          %add3A_818 = arith.addf %add3A_817, %mul3A_815 : vector<16xf32>
          %mul3A_819 = arith.mulf %bitcast_convert_type3A_804, %add3A_818 : vector<16xf32>
          %add3A_820 = arith.constant 1.000000e+00 : f32
          %add3A_821 = vector.broadcast %add3A_820 : f32 to vector<16xf32>
          %add3A_822 = arith.addf %add3A_821, %mul3A_819 : vector<16xf32>
          %mul3A_823 = arith.mulf %scan3A_561, %add3A_822 : vector<16xf32>
          %add3A_824 = arith.constant 96 : i32
          %add3A_825 = arith.addi %mul3A_565, %add3A_824 : i32
          %get3A_826 = arith.index_cast %scan3A_99 : i32 to index
          %get3A_827 = arith.index_cast %add3A_825 : i32 to index
          %get3A_828 = tpu.vector_load %arg4[%get3A_826, %get3A_827] {strides = array<i32>} : memref<16x1000xf32, #tpu.memory_space<vmem>>, vector<1x16xf32>,
          %get3A_829 = vector.shape_cast %get3A_828 : vector<1x16xf32> to vector<16xf32>
          %mul3A_830 = arith.constant 1.44269502 : f32
          %mul3A_831 = vector.broadcast %mul3A_830 : f32 to vector<16xf32>
          %mul3A_832 = arith.mulf %get3A_829, %mul3A_831 : vector<16xf32>
          %add3A_833 = arith.constant 0x4B400000 : f32
          %add3A_834 = vector.broadcast %add3A_833 : f32 to vector<16xf32>
          %add3A_835 = arith.addf %mul3A_832, %add3A_834 : vector<16xf32>
          %sub3A_836 = arith.constant 0x4B400000 : f32
          %sub3A_837 = vector.broadcast %sub3A_836 : f32 to vector<16xf32>
          %sub3A_838 = arith.subf %add3A_835, %sub3A_837 : vector<16xf32>
          %sub3A_839 = arith.subf %mul3A_832, %sub3A_838 : vector<16xf32>
          %bitcast_convert_type3A_840 = tpu.bitcast %add3A_835 : vector<16xf32> -> vector<16xi32>
          %add3A_841 = arith.constant 127 : i32
          %add3A_842 = vector.broadcast %add3A_841 : i32 to vector<16xi32>
          %add3A_843 = arith.addi %bitcast_convert_type3A_840, %add3A_842 : vector<16xi32>
          %shift_left3A_844 = arith.constant 23 : i32
          %shift_left3A_845 = vector.broadcast %shift_left3A_844 : i32 to vector<16xi32>
          %shift_left3A_846 = arith.shli %add3A_843, %shift_left3A_845 : vector<16xi32>
          %bitcast_convert_type3A_847 = tpu.bitcast %shift_left3A_846 : vector<16xi32> -> vector<16xf32>
          %mul3A_848 = arith.constant 0.0558755361 : f32
          %mul3A_849 = vector.broadcast %mul3A_848 : f32 to vector<16xf32>
          %mul3A_850 = arith.mulf %sub3A_839, %mul3A_849 : vector<16xf32>
          %add3A_851 = arith.constant 0.242294624 : f32
          %add3A_852 = vector.broadcast %add3A_851 : f32 to vector<16xf32>
          %add3A_853 = arith.addf %add3A_852, %mul3A_850 : vector<16xf32>
          %mul3A_854 = arith.mulf %sub3A_839, %add3A_853 : vector<16xf32>
          %add3A_855 = arith.constant 0.693127275 : f32
          %add3A_856 = vector.broadcast %add3A_855 : f32 to vector<16xf32>
          %add3A_857 = arith.addf %add3A_856, %mul3A_854 : vector<16xf32>
          %mul3A_858 = arith.mulf %sub3A_839, %add3A_857 : vector<16xf32>
          %add3A_859 = arith.constant 0.999948263 : f32
          %add3A_860 = vector.broadcast %add3A_859 : f32 to vector<16xf32>
          %add3A_861 = arith.addf %add3A_860, %mul3A_858 : vector<16xf32>
          %mul3A_862 = arith.mulf %bitcast_convert_type3A_847, %add3A_861 : vector<16xf32>
          %add3A_863 = arith.constant 1.000000e+00 : f32
          %add3A_864 = vector.broadcast %add3A_863 : f32 to vector<16xf32>
          %add3A_865 = arith.addf %add3A_864, %mul3A_862 : vector<16xf32>
          %mul3A_866 = arith.mulf %scan3A_562, %add3A_865 : vector<16xf32>
          %add3A_867 = arith.constant 112 : i32
          %add3A_868 = arith.addi %mul3A_565, %add3A_867 : i32
          %get3A_869 = arith.index_cast %scan3A_99 : i32 to index
          %get3A_870 = arith.index_cast %add3A_868 : i32 to index
          %get3A_871 = tpu.vector_load %arg4[%get3A_869, %get3A_870] {strides = array<i32>} : memref<16x1000xf32, #tpu.memory_space<vmem>>, vector<1x16xf32>,
          %get3A_872 = vector.shape_cast %get3A_871 : vector<1x16xf32> to vector<16xf32>
          %mul3A_873 = arith.constant 1.44269502 : f32
          %mul3A_874 = vector.broadcast %mul3A_873 : f32 to vector<16xf32>
          %mul3A_875 = arith.mulf %get3A_872, %mul3A_874 : vector<16xf32>
          %add3A_876 = arith.constant 0x4B400000 : f32
          %add3A_877 = vector.broadcast %add3A_876 : f32 to vector<16xf32>
          %add3A_878 = arith.addf %mul3A_875, %add3A_877 : vector<16xf32>
          %sub3A_879 = arith.constant 0x4B400000 : f32
          %sub3A_880 = vector.broadcast %sub3A_879 : f32 to vector<16xf32>
          %sub3A_881 = arith.subf %add3A_878, %sub3A_880 : vector<16xf32>
          %sub3A_882 = arith.subf %mul3A_875, %sub3A_881 : vector<16xf32>
          %bitcast_convert_type3A_883 = tpu.bitcast %add3A_878 : vector<16xf32> -> vector<16xi32>
          %add3A_884 = arith.constant 127 : i32
          %add3A_885 = vector.broadcast %add3A_884 : i32 to vector<16xi32>
          %add3A_886 = arith.addi %bitcast_convert_type3A_883, %add3A_885 : vector<16xi32>
          %shift_left3A_887 = arith.constant 23 : i32
          %shift_left3A_888 = vector.broadcast %shift_left3A_887 : i32 to vector<16xi32>
          %shift_left3A_889 = arith.shli %add3A_886, %shift_left3A_888 : vector<16xi32>
          %bitcast_convert_type3A_890 = tpu.bitcast %shift_left3A_889 : vector<16xi32> -> vector<16xf32>
          %mul3A_891 = arith.constant 0.0558755361 : f32
          %mul3A_892 = vector.broadcast %mul3A_891 : f32 to vector<16xf32>
          %mul3A_893 = arith.mulf %sub3A_882, %mul3A_892 : vector<16xf32>
          %add3A_894 = arith.constant 0.242294624 : f32
          %add3A_895 = vector.broadcast %add3A_894 : f32 to vector<16xf32>
          %add3A_896 = arith.addf %add3A_895, %mul3A_893 : vector<16xf32>
          %mul3A_897 = arith.mulf %sub3A_882, %add3A_896 : vector<16xf32>
          %add3A_898 = arith.constant 0.693127275 : f32
          %add3A_899 = vector.broadcast %add3A_898 : f32 to vector<16xf32>
          %add3A_900 = arith.addf %add3A_899, %mul3A_897 : vector<16xf32>
          %mul3A_901 = arith.mulf %sub3A_882, %add3A_900 : vector<16xf32>
          %add3A_902 = arith.constant 0.999948263 : f32
          %add3A_903 = vector.broadcast %add3A_902 : f32 to vector<16xf32>
          %add3A_904 = arith.addf %add3A_903, %mul3A_901 : vector<16xf32>
          %mul3A_905 = arith.mulf %bitcast_convert_type3A_890, %add3A_904 : vector<16xf32>
          %add3A_906 = arith.constant 1.000000e+00 : f32
          %add3A_907 = vector.broadcast %add3A_906 : f32 to vector<16xf32>
          %add3A_908 = arith.addf %add3A_907, %mul3A_905 : vector<16xf32>
          %mul3A_909 = arith.mulf %scan3A_563, %add3A_908 : vector<16xf32>
          scf.yield %mul3A_608, %mul3A_651, %mul3A_694, %mul3A_737, %mul3A_780, %mul3A_823, %mul3A_866, %mul3A_909 : vector<16xf32>, vector<16xf32>, vector<16xf32>, vector<16xf32>, vector<16xf32>, vector<16xf32>, vector<16xf32>, vector<16xf32>
        }
        %scan3A_106 = arith.constant 7 : i32
        %get3A = arith.index_cast %scan3A_99 : i32 to index
        %get3A_107 = arith.constant 896 : index
        %get3A_108 = tpu.vector_load %arg4[%get3A, %get3A_107] {strides = array<i32>} : memref<16x1000xf32, #tpu.memory_space<vmem>>, vector<1x16xf32>,
        %get3A_109 = vector.shape_cast %get3A_108 : vector<1x16xf32> to vector<16xf32>
        %mul3A_110 = arith.constant 1.44269502 : f32
        %mul3A_111 = vector.broadcast %mul3A_110 : f32 to vector<16xf32>
        %mul3A_112 = arith.mulf %get3A_109, %mul3A_111 : vector<16xf32>
        %add3A_113 = arith.constant 0x4B400000 : f32
        %add3A_114 = vector.broadcast %add3A_113 : f32 to vector<16xf32>
        %add3A_115 = arith.addf %mul3A_112, %add3A_114 : vector<16xf32>
        %sub3A = arith.constant 0x4B400000 : f32
        %sub3A_116 = vector.broadcast %sub3A : f32 to vector<16xf32>
        %sub3A_117 = arith.subf %add3A_115, %sub3A_116 : vector<16xf32>
        %sub3A_118 = arith.subf %mul3A_112, %sub3A_117 : vector<16xf32>
        %bitcast_convert_type3A = tpu.bitcast %add3A_115 : vector<16xf32> -> vector<16xi32>
        %add3A_119 = arith.constant 127 : i32
        %add3A_120 = vector.broadcast %add3A_119 : i32 to vector<16xi32>
        %add3A_121 = arith.addi %bitcast_convert_type3A, %add3A_120 : vector<16xi32>
        %shift_left3A = arith.constant 23 : i32
        %shift_left3A_122 = vector.broadcast %shift_left3A : i32 to vector<16xi32>
        %shift_left3A_123 = arith.shli %add3A_121, %shift_left3A_122 : vector<16xi32>
        %bitcast_convert_type3A_124 = tpu.bitcast %shift_left3A_123 : vector<16xi32> -> vector<16xf32>
        %mul3A_125 = arith.constant 0.0558755361 : f32
        %mul3A_126 = vector.broadcast %mul3A_125 : f32 to vector<16xf32>
        %mul3A_127 = arith.mulf %sub3A_118, %mul3A_126 : vector<16xf32>
        %add3A_128 = arith.constant 0.242294624 : f32
        %add3A_129 = vector.broadcast %add3A_128 : f32 to vector<16xf32>
        %add3A_130 = arith.addf %add3A_129, %mul3A_127 : vector<16xf32>
        %mul3A_131 = arith.mulf %sub3A_118, %add3A_130 : vector<16xf32>
        %add3A_132 = arith.constant 0.693127275 : f32
        %add3A_133 = vector.broadcast %add3A_132 : f32 to vector<16xf32>
        %add3A_134 = arith.addf %add3A_133, %mul3A_131 : vector<16xf32>
        %mul3A_135 = arith.mulf %sub3A_118, %add3A_134 : vector<16xf32>
        %add3A_136 = arith.constant 0.999948263 : f32
        %add3A_137 = vector.broadcast %add3A_136 : f32 to vector<16xf32>
        %add3A_138 = arith.addf %add3A_137, %mul3A_135 : vector<16xf32>
        %mul3A_139 = arith.mulf %bitcast_convert_type3A_124, %add3A_138 : vector<16xf32>
        %add3A_140 = arith.constant 1.000000e+00 : f32
        %add3A_141 = vector.broadcast %add3A_140 : f32 to vector<16xf32>
        %add3A_142 = arith.addf %add3A_141, %mul3A_139 : vector<16xf32>
        %mul3A_143 = arith.mulf %scan3A_105#0, %add3A_142 : vector<16xf32>
        %get3A_144 = arith.index_cast %scan3A_99 : i32 to index
        %get3A_145 = arith.constant 912 : index
        %get3A_146 = tpu.vector_load %arg4[%get3A_144, %get3A_145] {strides = array<i32>} : memref<16x1000xf32, #tpu.memory_space<vmem>>, vector<1x16xf32>,
        %get3A_147 = vector.shape_cast %get3A_146 : vector<1x16xf32> to vector<16xf32>
        %mul3A_148 = arith.constant 1.44269502 : f32
        %mul3A_149 = vector.broadcast %mul3A_148 : f32 to vector<16xf32>
        %mul3A_150 = arith.mulf %get3A_147, %mul3A_149 : vector<16xf32>
        %add3A_151 = arith.constant 0x4B400000 : f32
        %add3A_152 = vector.broadcast %add3A_151 : f32 to vector<16xf32>
        %add3A_153 = arith.addf %mul3A_150, %add3A_152 : vector<16xf32>
        %sub3A_154 = arith.constant 0x4B400000 : f32
        %sub3A_155 = vector.broadcast %sub3A_154 : f32 to vector<16xf32>
        %sub3A_156 = arith.subf %add3A_153, %sub3A_155 : vector<16xf32>
        %sub3A_157 = arith.subf %mul3A_150, %sub3A_156 : vector<16xf32>
        %bitcast_convert_type3A_158 = tpu.bitcast %add3A_153 : vector<16xf32> -> vector<16xi32>
        %add3A_159 = arith.constant 127 : i32
        %add3A_160 = vector.broadcast %add3A_159 : i32 to vector<16xi32>
        %add3A_161 = arith.addi %bitcast_convert_type3A_158, %add3A_160 : vector<16xi32>
        %shift_left3A_162 = arith.constant 23 : i32
        %shift_left3A_163 = vector.broadcast %shift_left3A_162 : i32 to vector<16xi32>
        %shift_left3A_164 = arith.shli %add3A_161, %shift_left3A_163 : vector<16xi32>
        %bitcast_convert_type3A_165 = tpu.bitcast %shift_left3A_164 : vector<16xi32> -> vector<16xf32>
        %mul3A_166 = arith.constant 0.0558755361 : f32
        %mul3A_167 = vector.broadcast %mul3A_166 : f32 to vector<16xf32>
        %mul3A_168 = arith.mulf %sub3A_157, %mul3A_167 : vector<16xf32>
        %add3A_169 = arith.constant 0.242294624 : f32
        %add3A_170 = vector.broadcast %add3A_169 : f32 to vector<16xf32>
        %add3A_171 = arith.addf %add3A_170, %mul3A_168 : vector<16xf32>
        %mul3A_172 = arith.mulf %sub3A_157, %add3A_171 : vector<16xf32>
        %add3A_173 = arith.constant 0.693127275 : f32
        %add3A_174 = vector.broadcast %add3A_173 : f32 to vector<16xf32>
        %add3A_175 = arith.addf %add3A_174, %mul3A_172 : vector<16xf32>
        %mul3A_176 = arith.mulf %sub3A_157, %add3A_175 : vector<16xf32>
        %add3A_177 = arith.constant 0.999948263 : f32
        %add3A_178 = vector.broadcast %add3A_177 : f32 to vector<16xf32>
        %add3A_179 = arith.addf %add3A_178, %mul3A_176 : vector<16xf32>
        %mul3A_180 = arith.mulf %bitcast_convert_type3A_165, %add3A_179 : vector<16xf32>
        %add3A_181 = arith.constant 1.000000e+00 : f32
        %add3A_182 = vector.broadcast %add3A_181 : f32 to vector<16xf32>
        %add3A_183 = arith.addf %add3A_182, %mul3A_180 : vector<16xf32>
        %mul3A_184 = arith.mulf %scan3A_105#1, %add3A_183 : vector<16xf32>
        %get3A_185 = arith.index_cast %scan3A_99 : i32 to index
        %get3A_186 = arith.constant 928 : index
        %get3A_187 = tpu.vector_load %arg4[%get3A_185, %get3A_186] {strides = array<i32>} : memref<16x1000xf32, #tpu.memory_space<vmem>>, vector<1x16xf32>,
        %get3A_188 = vector.shape_cast %get3A_187 : vector<1x16xf32> to vector<16xf32>
        %mul3A_189 = arith.constant 1.44269502 : f32
        %mul3A_190 = vector.broadcast %mul3A_189 : f32 to vector<16xf32>
        %mul3A_191 = arith.mulf %get3A_188, %mul3A_190 : vector<16xf32>
        %add3A_192 = arith.constant 0x4B400000 : f32
        %add3A_193 = vector.broadcast %add3A_192 : f32 to vector<16xf32>
        %add3A_194 = arith.addf %mul3A_191, %add3A_193 : vector<16xf32>
        %sub3A_195 = arith.constant 0x4B400000 : f32
        %sub3A_196 = vector.broadcast %sub3A_195 : f32 to vector<16xf32>
        %sub3A_197 = arith.subf %add3A_194, %sub3A_196 : vector<16xf32>
        %sub3A_198 = arith.subf %mul3A_191, %sub3A_197 : vector<16xf32>
        %bitcast_convert_type3A_199 = tpu.bitcast %add3A_194 : vector<16xf32> -> vector<16xi32>
        %add3A_200 = arith.constant 127 : i32
        %add3A_201 = vector.broadcast %add3A_200 : i32 to vector<16xi32>
        %add3A_202 = arith.addi %bitcast_convert_type3A_199, %add3A_201 : vector<16xi32>
        %shift_left3A_203 = arith.constant 23 : i32
        %shift_left3A_204 = vector.broadcast %shift_left3A_203 : i32 to vector<16xi32>
        %shift_left3A_205 = arith.shli %add3A_202, %shift_left3A_204 : vector<16xi32>
        %bitcast_convert_type3A_206 = tpu.bitcast %shift_left3A_205 : vector<16xi32> -> vector<16xf32>
        %mul3A_207 = arith.constant 0.0558755361 : f32
        %mul3A_208 = vector.broadcast %mul3A_207 : f32 to vector<16xf32>
        %mul3A_209 = arith.mulf %sub3A_198, %mul3A_208 : vector<16xf32>
        %add3A_210 = arith.constant 0.242294624 : f32
        %add3A_211 = vector.broadcast %add3A_210 : f32 to vector<16xf32>
        %add3A_212 = arith.addf %add3A_211, %mul3A_209 : vector<16xf32>
        %mul3A_213 = arith.mulf %sub3A_198, %add3A_212 : vector<16xf32>
        %add3A_214 = arith.constant 0.693127275 : f32
        %add3A_215 = vector.broadcast %add3A_214 : f32 to vector<16xf32>
        %add3A_216 = arith.addf %add3A_215, %mul3A_213 : vector<16xf32>
        %mul3A_217 = arith.mulf %sub3A_198, %add3A_216 : vector<16xf32>
        %add3A_218 = arith.constant 0.999948263 : f32
        %add3A_219 = vector.broadcast %add3A_218 : f32 to vector<16xf32>
        %add3A_220 = arith.addf %add3A_219, %mul3A_217 : vector<16xf32>
        %mul3A_221 = arith.mulf %bitcast_convert_type3A_206, %add3A_220 : vector<16xf32>
        %add3A_222 = arith.constant 1.000000e+00 : f32
        %add3A_223 = vector.broadcast %add3A_222 : f32 to vector<16xf32>
        %add3A_224 = arith.addf %add3A_223, %mul3A_221 : vector<16xf32>
        %mul3A_225 = arith.mulf %scan3A_105#2, %add3A_224 : vector<16xf32>
        %get3A_226 = arith.index_cast %scan3A_99 : i32 to index
        %get3A_227 = arith.constant 944 : index
        %get3A_228 = tpu.vector_load %arg4[%get3A_226, %get3A_227] {strides = array<i32>} : memref<16x1000xf32, #tpu.memory_space<vmem>>, vector<1x16xf32>,
        %get3A_229 = vector.shape_cast %get3A_228 : vector<1x16xf32> to vector<16xf32>
        %mul3A_230 = arith.constant 1.44269502 : f32
        %mul3A_231 = vector.broadcast %mul3A_230 : f32 to vector<16xf32>
        %mul3A_232 = arith.mulf %get3A_229, %mul3A_231 : vector<16xf32>
        %add3A_233 = arith.constant 0x4B400000 : f32
        %add3A_234 = vector.broadcast %add3A_233 : f32 to vector<16xf32>
        %add3A_235 = arith.addf %mul3A_232, %add3A_234 : vector<16xf32>
        %sub3A_236 = arith.constant 0x4B400000 : f32
        %sub3A_237 = vector.broadcast %sub3A_236 : f32 to vector<16xf32>
        %sub3A_238 = arith.subf %add3A_235, %sub3A_237 : vector<16xf32>
        %sub3A_239 = arith.subf %mul3A_232, %sub3A_238 : vector<16xf32>
        %bitcast_convert_type3A_240 = tpu.bitcast %add3A_235 : vector<16xf32> -> vector<16xi32>
        %add3A_241 = arith.constant 127 : i32
        %add3A_242 = vector.broadcast %add3A_241 : i32 to vector<16xi32>
        %add3A_243 = arith.addi %bitcast_convert_type3A_240, %add3A_242 : vector<16xi32>
        %shift_left3A_244 = arith.constant 23 : i32
        %shift_left3A_245 = vector.broadcast %shift_left3A_244 : i32 to vector<16xi32>
        %shift_left3A_246 = arith.shli %add3A_243, %shift_left3A_245 : vector<16xi32>
        %bitcast_convert_type3A_247 = tpu.bitcast %shift_left3A_246 : vector<16xi32> -> vector<16xf32>
        %mul3A_248 = arith.constant 0.0558755361 : f32
        %mul3A_249 = vector.broadcast %mul3A_248 : f32 to vector<16xf32>
        %mul3A_250 = arith.mulf %sub3A_239, %mul3A_249 : vector<16xf32>
        %add3A_251 = arith.constant 0.242294624 : f32
        %add3A_252 = vector.broadcast %add3A_251 : f32 to vector<16xf32>
        %add3A_253 = arith.addf %add3A_252, %mul3A_250 : vector<16xf32>
        %mul3A_254 = arith.mulf %sub3A_239, %add3A_253 : vector<16xf32>
        %add3A_255 = arith.constant 0.693127275 : f32
        %add3A_256 = vector.broadcast %add3A_255 : f32 to vector<16xf32>
        %add3A_257 = arith.addf %add3A_256, %mul3A_254 : vector<16xf32>
        %mul3A_258 = arith.mulf %sub3A_239, %add3A_257 : vector<16xf32>
        %add3A_259 = arith.constant 0.999948263 : f32
        %add3A_260 = vector.broadcast %add3A_259 : f32 to vector<16xf32>
        %add3A_261 = arith.addf %add3A_260, %mul3A_258 : vector<16xf32>
        %mul3A_262 = arith.mulf %bitcast_convert_type3A_247, %add3A_261 : vector<16xf32>
        %add3A_263 = arith.constant 1.000000e+00 : f32
        %add3A_264 = vector.broadcast %add3A_263 : f32 to vector<16xf32>
        %add3A_265 = arith.addf %add3A_264, %mul3A_262 : vector<16xf32>
        %mul3A_266 = arith.mulf %scan3A_105#3, %add3A_265 : vector<16xf32>
        %get3A_267 = arith.index_cast %scan3A_99 : i32 to index
        %get3A_268 = arith.constant 960 : index
        %get3A_269 = tpu.vector_load %arg4[%get3A_267, %get3A_268] {strides = array<i32>} : memref<16x1000xf32, #tpu.memory_space<vmem>>, vector<1x16xf32>,
        %get3A_270 = vector.shape_cast %get3A_269 : vector<1x16xf32> to vector<16xf32>
        %mul3A_271 = arith.constant 1.44269502 : f32
        %mul3A_272 = vector.broadcast %mul3A_271 : f32 to vector<16xf32>
        %mul3A_273 = arith.mulf %get3A_270, %mul3A_272 : vector<16xf32>
        %add3A_274 = arith.constant 0x4B400000 : f32
        %add3A_275 = vector.broadcast %add3A_274 : f32 to vector<16xf32>
        %add3A_276 = arith.addf %mul3A_273, %add3A_275 : vector<16xf32>
        %sub3A_277 = arith.constant 0x4B400000 : f32
        %sub3A_278 = vector.broadcast %sub3A_277 : f32 to vector<16xf32>
        %sub3A_279 = arith.subf %add3A_276, %sub3A_278 : vector<16xf32>
        %sub3A_280 = arith.subf %mul3A_273, %sub3A_279 : vector<16xf32>
        %bitcast_convert_type3A_281 = tpu.bitcast %add3A_276 : vector<16xf32> -> vector<16xi32>
        %add3A_282 = arith.constant 127 : i32
        %add3A_283 = vector.broadcast %add3A_282 : i32 to vector<16xi32>
        %add3A_284 = arith.addi %bitcast_convert_type3A_281, %add3A_283 : vector<16xi32>
        %shift_left3A_285 = arith.constant 23 : i32
        %shift_left3A_286 = vector.broadcast %shift_left3A_285 : i32 to vector<16xi32>
        %shift_left3A_287 = arith.shli %add3A_284, %shift_left3A_286 : vector<16xi32>
        %bitcast_convert_type3A_288 = tpu.bitcast %shift_left3A_287 : vector<16xi32> -> vector<16xf32>
        %mul3A_289 = arith.constant 0.0558755361 : f32
        %mul3A_290 = vector.broadcast %mul3A_289 : f32 to vector<16xf32>
        %mul3A_291 = arith.mulf %sub3A_280, %mul3A_290 : vector<16xf32>
        %add3A_292 = arith.constant 0.242294624 : f32
        %add3A_293 = vector.broadcast %add3A_292 : f32 to vector<16xf32>
        %add3A_294 = arith.addf %add3A_293, %mul3A_291 : vector<16xf32>
        %mul3A_295 = arith.mulf %sub3A_280, %add3A_294 : vector<16xf32>
        %add3A_296 = arith.constant 0.693127275 : f32
        %add3A_297 = vector.broadcast %add3A_296 : f32 to vector<16xf32>
        %add3A_298 = arith.addf %add3A_297, %mul3A_295 : vector<16xf32>
        %mul3A_299 = arith.mulf %sub3A_280, %add3A_298 : vector<16xf32>
        %add3A_300 = arith.constant 0.999948263 : f32
        %add3A_301 = vector.broadcast %add3A_300 : f32 to vector<16xf32>
        %add3A_302 = arith.addf %add3A_301, %mul3A_299 : vector<16xf32>
        %mul3A_303 = arith.mulf %bitcast_convert_type3A_288, %add3A_302 : vector<16xf32>
        %add3A_304 = arith.constant 1.000000e+00 : f32
        %add3A_305 = vector.broadcast %add3A_304 : f32 to vector<16xf32>
        %add3A_306 = arith.addf %add3A_305, %mul3A_303 : vector<16xf32>
        %mul3A_307 = arith.mulf %scan3A_105#4, %add3A_306 : vector<16xf32>
        %get3A_308 = arith.index_cast %scan3A_99 : i32 to index
        %get3A_309 = arith.constant 976 : index
        %get3A_310 = tpu.vector_load %arg4[%get3A_308, %get3A_309] {strides = array<i32>} : memref<16x1000xf32, #tpu.memory_space<vmem>>, vector<1x16xf32>,
        %get3A_311 = vector.shape_cast %get3A_310 : vector<1x16xf32> to vector<16xf32>
        %mul3A_312 = arith.constant 1.44269502 : f32
        %mul3A_313 = vector.broadcast %mul3A_312 : f32 to vector<16xf32>
        %mul3A_314 = arith.mulf %get3A_311, %mul3A_313 : vector<16xf32>
        %add3A_315 = arith.constant 0x4B400000 : f32
        %add3A_316 = vector.broadcast %add3A_315 : f32 to vector<16xf32>
        %add3A_317 = arith.addf %mul3A_314, %add3A_316 : vector<16xf32>
        %sub3A_318 = arith.constant 0x4B400000 : f32
        %sub3A_319 = vector.broadcast %sub3A_318 : f32 to vector<16xf32>
        %sub3A_320 = arith.subf %add3A_317, %sub3A_319 : vector<16xf32>
        %sub3A_321 = arith.subf %mul3A_314, %sub3A_320 : vector<16xf32>
        %bitcast_convert_type3A_322 = tpu.bitcast %add3A_317 : vector<16xf32> -> vector<16xi32>
        %add3A_323 = arith.constant 127 : i32
        %add3A_324 = vector.broadcast %add3A_323 : i32 to vector<16xi32>
        %add3A_325 = arith.addi %bitcast_convert_type3A_322, %add3A_324 : vector<16xi32>
        %shift_left3A_326 = arith.constant 23 : i32
        %shift_left3A_327 = vector.broadcast %shift_left3A_326 : i32 to vector<16xi32>
        %shift_left3A_328 = arith.shli %add3A_325, %shift_left3A_327 : vector<16xi32>
        %bitcast_convert_type3A_329 = tpu.bitcast %shift_left3A_328 : vector<16xi32> -> vector<16xf32>
        %mul3A_330 = arith.constant 0.0558755361 : f32
        %mul3A_331 = vector.broadcast %mul3A_330 : f32 to vector<16xf32>
        %mul3A_332 = arith.mulf %sub3A_321, %mul3A_331 : vector<16xf32>
        %add3A_333 = arith.constant 0.242294624 : f32
        %add3A_334 = vector.broadcast %add3A_333 : f32 to vector<16xf32>
        %add3A_335 = arith.addf %add3A_334, %mul3A_332 : vector<16xf32>
        %mul3A_336 = arith.mulf %sub3A_321, %add3A_335 : vector<16xf32>
        %add3A_337 = arith.constant 0.693127275 : f32
        %add3A_338 = vector.broadcast %add3A_337 : f32 to vector<16xf32>
        %add3A_339 = arith.addf %add3A_338, %mul3A_336 : vector<16xf32>
        %mul3A_340 = arith.mulf %sub3A_321, %add3A_339 : vector<16xf32>
        %add3A_341 = arith.constant 0.999948263 : f32
        %add3A_342 = vector.broadcast %add3A_341 : f32 to vector<16xf32>
        %add3A_343 = arith.addf %add3A_342, %mul3A_340 : vector<16xf32>
        %mul3A_344 = arith.mulf %bitcast_convert_type3A_329, %add3A_343 : vector<16xf32>
        %add3A_345 = arith.constant 1.000000e+00 : f32
        %add3A_346 = vector.broadcast %add3A_345 : f32 to vector<16xf32>
        %add3A_347 = arith.addf %add3A_346, %mul3A_344 : vector<16xf32>
        %mul3A_348 = arith.mulf %scan3A_105#5, %add3A_347 : vector<16xf32>
        %get3A_349 = arith.index_cast %scan3A_99 : i32 to index
        %get3A_350 = arith.constant 984 : index
        %get3A_351 = tpu.vector_load %arg4[%get3A_349, %get3A_350] {strides = array<i32>} : memref<16x1000xf32, #tpu.memory_space<vmem>>, vector<1x16xf32>,
        %get3A_352 = vector.shape_cast %get3A_351 : vector<1x16xf32> to vector<16xf32>
        %ge3A_353 = arith.constant 8 : i32
        %ge3A_354 = vector.broadcast %ge3A_353 : i32 to vector<16xi32>
        %ge3A_355 = arith.cmpi sge, %iota3A, %ge3A_354 : vector<16xi32>
        %mul3A_356 = arith.constant 1.44269502 : f32
        %mul3A_357 = vector.broadcast %mul3A_356 : f32 to vector<16xf32>
        %mul3A_358 = arith.mulf %get3A_352, %mul3A_357 : vector<16xf32>
        %add3A_359 = arith.constant 0x4B400000 : f32
        %add3A_360 = vector.broadcast %add3A_359 : f32 to vector<16xf32>
        %add3A_361 = arith.addf %mul3A_358, %add3A_360 : vector<16xf32>
        %sub3A_362 = arith.constant 0x4B400000 : f32
        %sub3A_363 = vector.broadcast %sub3A_362 : f32 to vector<16xf32>
        %sub3A_364 = arith.subf %add3A_361, %sub3A_363 : vector<16xf32>
        %sub3A_365 = arith.subf %mul3A_358, %sub3A_364 : vector<16xf32>
        %bitcast_convert_type3A_366 = tpu.bitcast %add3A_361 : vector<16xf32> -> vector<16xi32>
        %add3A_367 = arith.constant 127 : i32
        %add3A_368 = vector.broadcast %add3A_367 : i32 to vector<16xi32>
        %add3A_369 = arith.addi %bitcast_convert_type3A_366, %add3A_368 : vector<16xi32>
        %shift_left3A_370 = arith.constant 23 : i32
        %shift_left3A_371 = vector.broadcast %shift_left3A_370 : i32 to vector<16xi32>
        %shift_left3A_372 = arith.shli %add3A_369, %shift_left3A_371 : vector<16xi32>
        %bitcast_convert_type3A_373 = tpu.bitcast %shift_left3A_372 : vector<16xi32> -> vector<16xf32>
        %mul3A_374 = arith.constant 0.0558755361 : f32
        %mul3A_375 = vector.broadcast %mul3A_374 : f32 to vector<16xf32>
        %mul3A_376 = arith.mulf %sub3A_365, %mul3A_375 : vector<16xf32>
        %add3A_377 = arith.constant 0.242294624 : f32
        %add3A_378 = vector.broadcast %add3A_377 : f32 to vector<16xf32>
        %add3A_379 = arith.addf %add3A_378, %mul3A_376 : vector<16xf32>
        %mul3A_380 = arith.mulf %sub3A_365, %add3A_379 : vector<16xf32>
        %add3A_381 = arith.constant 0.693127275 : f32
        %add3A_382 = vector.broadcast %add3A_381 : f32 to vector<16xf32>
        %add3A_383 = arith.addf %add3A_382, %mul3A_380 : vector<16xf32>
        %mul3A_384 = arith.mulf %sub3A_365, %add3A_383 : vector<16xf32>
        %add3A_385 = arith.constant 0.999948263 : f32
        %add3A_386 = vector.broadcast %add3A_385 : f32 to vector<16xf32>
        %add3A_387 = arith.addf %add3A_386, %mul3A_384 : vector<16xf32>
        %mul3A_388 = arith.mulf %bitcast_convert_type3A_373, %add3A_387 : vector<16xf32>
        %add3A_389 = arith.constant 1.000000e+00 : f32
        %add3A_390 = vector.broadcast %add3A_389 : f32 to vector<16xf32>
        %add3A_391 = arith.addf %add3A_390, %mul3A_388 : vector<16xf32>
        %jit3A = arith.constant 1.000000e+00 : f32
        %broadcast_in_dim3A_392 = vector.broadcast %jit3A : f32 to vector<16xf32>
        %select_n3A = arith.select %ge3A_355, %add3A_391, %broadcast_in_dim3A_392 : vector<16xi1>, vector<16xf32>
        %mul3A_393 = arith.mulf %scan3A_105#6, %select_n3A : vector<16xf32>
        %mul3A_394 = arith.mulf %mul3A_143, %mul3A_184 : vector<16xf32>
        %mul3A_395 = arith.mulf %mul3A_225, %mul3A_266 : vector<16xf32>
        %mul3A_396 = arith.mulf %mul3A_307, %mul3A_348 : vector<16xf32>
        %mul3A_397 = arith.mulf %mul3A_393, %scan3A_105#7 : vector<16xf32>
        %mul3A_398 = arith.mulf %mul3A_394, %mul3A_395 : vector<16xf32>
        %mul3A_399 = arith.mulf %mul3A_396, %mul3A_397 : vector<16xf32>
        %mul3A_400 = arith.mulf %mul3A_398, %mul3A_399 : vector<16xf32>
        %div3A = arith.constant 1.000000e+00 : f32
        %div3A_401 = vector.broadcast %div3A : f32 to vector<16xf32>
        %div3A_402 = arith.divf %div3A_401, %mul3A_400 : vector<16xf32>
        %xor3A = arith.constant 1 : i32
        %xor3A_403 = vector.broadcast %xor3A : i32 to vector<16xi32>
        %xor3A_404 = arith.xori %iota3A, %xor3A_403 : vector<16xi32>
        %lt3A_405 = arith.constant 0 : i32
        %lt3A_406 = vector.broadcast %lt3A_405 : i32 to vector<16xi32>
        %lt3A_407 = arith.cmpi slt, %xor3A_404, %lt3A_406 : vector<16xi32>
        %add3A_408 = arith.constant 16 : i32
        %add3A_409 = vector.broadcast %add3A_408 : i32 to vector<16xi32>
        %add3A_410 = arith.addi %xor3A_404, %add3A_409 : vector<16xi32>
        %select_n3A_411 = arith.select %lt3A_407, %add3A_410, %xor3A_404 : vector<16xi1>, vector<16xi32>
        %broadcast_in_dim3A_412 = vector.shape_cast %select_n3A_411 : vector<16xi32> to vector<16x1xi32>
        %gather3A = vector.shape_cast %broadcast_in_dim3A_412 : vector<16x1xi32> to vector<16xi32>
        %gather3A_413 = tpu.dynamic_gather %div3A_402[%gather3A] in [0] : vector<16xf32>, vector<16xi32> -> vector<16xf32>
        %mul3A_414 = arith.mulf %div3A_402, %gather3A_413 : vector<16xf32>
        %xor3A_415 = arith.constant 2 : i32
        %xor3A_416 = vector.broadcast %xor3A_415 : i32 to vector<16xi32>
        %xor3A_417 = arith.xori %iota3A, %xor3A_416 : vector<16xi32>
        %lt3A_418 = arith.constant 0 : i32
        %lt3A_419 = vector.broadcast %lt3A_418 : i32 to vector<16xi32>
        %lt3A_420 = arith.cmpi slt, %xor3A_417, %lt3A_419 : vector<16xi32>
        %add3A_421 = arith.constant 16 : i32
        %add3A_422 = vector.broadcast %add3A_421 : i32 to vector<16xi32>
        %add3A_423 = arith.addi %xor3A_417, %add3A_422 : vector<16xi32>
        %select_n3A_424 = arith.select %lt3A_420, %add3A_423, %xor3A_417 : vector<16xi1>, vector<16xi32>
        %broadcast_in_dim3A_425 = vector.shape_cast %select_n3A_424 : vector<16xi32> to vector<16x1xi32>
        %gather3A_426 = vector.shape_cast %broadcast_in_dim3A_425 : vector<16x1xi32> to vector<16xi32>
        %gather3A_427 = tpu.dynamic_gather %mul3A_414[%gather3A_426] in [0] : vector<16xf32>, vector<16xi32> -> vector<16xf32>
        %mul3A_428 = arith.mulf %mul3A_414, %gather3A_427 : vector<16xf32>
        %xor3A_429 = arith.constant 4 : i32
        %xor3A_430 = vector.broadcast %xor3A_429 : i32 to vector<16xi32>
        %xor3A_431 = arith.xori %iota3A, %xor3A_430 : vector<16xi32>
        %lt3A_432 = arith.constant 0 : i32
        %lt3A_433 = vector.broadcast %lt3A_432 : i32 to vector<16xi32>
        %lt3A_434 = arith.cmpi slt, %xor3A_431, %lt3A_433 : vector<16xi32>
        %add3A_435 = arith.constant 16 : i32
        %add3A_436 = vector.broadcast %add3A_435 : i32 to vector<16xi32>
        %add3A_437 = arith.addi %xor3A_431, %add3A_436 : vector<16xi32>
        %select_n3A_438 = arith.select %lt3A_434, %add3A_437, %xor3A_431 : vector<16xi1>, vector<16xi32>
        %broadcast_in_dim3A_439 = vector.shape_cast %select_n3A_438 : vector<16xi32> to vector<16x1xi32>
        %gather3A_440 = vector.shape_cast %broadcast_in_dim3A_439 : vector<16x1xi32> to vector<16xi32>
        %gather3A_441 = tpu.dynamic_gather %mul3A_428[%gather3A_440] in [0] : vector<16xf32>, vector<16xi32> -> vector<16xf32>
        %mul3A_442 = arith.mulf %mul3A_428, %gather3A_441 : vector<16xf32>
        %xor3A_443 = arith.constant 8 : i32
        %xor3A_444 = vector.broadcast %xor3A_443 : i32 to vector<16xi32>
        %xor3A_445 = arith.xori %iota3A, %xor3A_444 : vector<16xi32>
        %lt3A_446 = arith.constant 0 : i32
        %lt3A_447 = vector.broadcast %lt3A_446 : i32 to vector<16xi32>
        %lt3A_448 = arith.cmpi slt, %xor3A_445, %lt3A_447 : vector<16xi32>
        %add3A_449 = arith.constant 16 : i32
        %add3A_450 = vector.broadcast %add3A_449 : i32 to vector<16xi32>
        %add3A_451 = arith.addi %xor3A_445, %add3A_450 : vector<16xi32>
        %select_n3A_452 = arith.select %lt3A_448, %add3A_451, %xor3A_445 : vector<16xi1>, vector<16xi32>
        %broadcast_in_dim3A_453 = vector.shape_cast %select_n3A_452 : vector<16xi32> to vector<16x1xi32>
        %gather3A_454 = vector.shape_cast %broadcast_in_dim3A_453 : vector<16x1xi32> to vector<16xi32>
        %gather3A_455 = tpu.dynamic_gather %mul3A_442[%gather3A_454] in [0] : vector<16xf32>, vector<16xi32> -> vector<16xf32>
        %mul3A_456 = arith.mulf %mul3A_442, %gather3A_455 : vector<16xf32>
        %get3A_457 = arith.index_cast %scan3A_99 : i32 to index
        %get3A_458 = arith.constant 0 : index
        %get3A_459 = tpu.vector_load %arg4[%get3A_457, %get3A_458] {strides = array<i32>} : memref<16x1000xf32, #tpu.memory_space<vmem>>, vector<1x16xf32>,
        %get3A_460 = vector.shape_cast %get3A_459 : vector<1x16xf32> to vector<16xf32>
        %sub3A_461 = arith.constant 1 : i32
        %sub3A_462 = vector.broadcast %sub3A_461 : i32 to vector<16xi32>
        %sub3A_463 = arith.subi %iota3A, %sub3A_462 : vector<16xi32>
        %max3A = arith.constant 0 : i32
        %max3A_464 = vector.broadcast %max3A : i32 to vector<16xi32>
        %max3A_465 = arith.maxsi %sub3A_463, %max3A_464 : vector<16xi32>
        %lt3A_466 = arith.constant 0 : i32
        %lt3A_467 = vector.broadcast %lt3A_466 : i32 to vector<16xi32>
        %lt3A_468 = arith.cmpi slt, %max3A_465, %lt3A_467 : vector<16xi32>
        %add3A_469 = arith.constant 16 : i32
        %add3A_470 = vector.broadcast %add3A_469 : i32 to vector<16xi32>
        %add3A_471 = arith.addi %max3A_465, %add3A_470 : vector<16xi32>
        %select_n3A_472 = arith.select %lt3A_468, %add3A_471, %max3A_465 : vector<16xi1>, vector<16xi32>
        %broadcast_in_dim3A_473 = vector.shape_cast %select_n3A_472 : vector<16xi32> to vector<16x1xi32>
        %gather3A_474 = vector.shape_cast %broadcast_in_dim3A_473 : vector<16x1xi32> to vector<16xi32>
        %gather3A_475 = tpu.dynamic_gather %get3A_460[%gather3A_474] in [0] : vector<16xf32>, vector<16xi32> -> vector<16xf32>
        %eq3A = arith.constant 0 : i32
        %eq3A_476 = vector.broadcast %eq3A : i32 to vector<16xi32>
        %eq3A_477 = arith.cmpi eq, %iota3A, %eq3A_476 : vector<16xi32>
        %select_n3A_478 = arith.select %eq3A_477, %mul3A_456, %gather3A_475 : vector<16xi1>, vector<16xf32>
        %eq3A_479 = arith.constant 5 : i32
        %eq3A_480 = vector.broadcast %eq3A_479 : i32 to vector<16xi32>
        %eq3A_481 = arith.cmpi eq, %iota3A, %eq3A_480 : vector<16xi32>
        %eq3A_482 = arith.constant 10 : i32
        %eq3A_483 = vector.broadcast %eq3A_482 : i32 to vector<16xi32>
        %eq3A_484 = arith.cmpi eq, %iota3A, %eq3A_483 : vector<16xi32>
        %or3A = arith.ori %eq3A_481, %eq3A_484 : vector<16xi1>
        %jit3A_485 = arith.constant 0.000000e+00 : f32
        %broadcast_in_dim3A_486 = vector.broadcast %jit3A_485 : f32 to vector<16xf32>
        %select_n3A_487 = arith.select %or3A, %broadcast_in_dim3A_486, %select_n3A_478 : vector<16xi1>, vector<16xf32>
        %swap3A = arith.index_cast %scan3A_99 : i32 to index
        %swap3A_488 = arith.constant 0 : index
        %swap3A_489 = tpu.vector_load %arg6[%swap3A, %swap3A_488] {strides = array<i32>} : memref<16x128xf32, #tpu.memory_space<vmem>>, vector<1x16xf32>,
        %swap3A_490 = vector.shape_cast %swap3A_489 : vector<1x16xf32> to vector<16xf32>
        %swap3A_491 = vector.shape_cast %select_n3A_487 : vector<16xf32> to vector<1x16xf32>
        tpu.vector_store %arg6[%swap3A, %swap3A_488], %swap3A_491 {strides = array<i32>} : memref<16x128xf32, #tpu.memory_space<vmem>>, vector<1x16xf32>,
        %get3A_492 = arith.index_cast %scan3A_99 : i32 to index
        %get3A_493 = arith.constant 15 : index
        %get3A_494 = tpu.vector_load %arg4[%get3A_492, %get3A_493] {strides = array<i32>} : memref<16x1000xf32, #tpu.memory_space<vmem>>, vector<1x16xf32>,
        %get3A_495 = vector.shape_cast %get3A_494 : vector<1x16xf32> to vector<16xf32>
        %swap3A_496 = arith.index_cast %scan3A_99 : i32 to index
        %swap3A_497 = arith.constant 16 : index
        %swap3A_498 = tpu.vector_load %arg6[%swap3A_496, %swap3A_497] {strides = array<i32>} : memref<16x128xf32, #tpu.memory_space<vmem>>, vector<1x16xf32>,
        %swap3A_499 = vector.shape_cast %swap3A_498 : vector<1x16xf32> to vector<16xf32>
        %swap3A_500 = vector.shape_cast %get3A_495 : vector<16xf32> to vector<1x16xf32>
        tpu.vector_store %arg6[%swap3A_496, %swap3A_497], %swap3A_500 {strides = array<i32>} : memref<16x128xf32, #tpu.memory_space<vmem>>, vector<1x16xf32>,
        %get3A_501 = arith.index_cast %scan3A_99 : i32 to index
        %get3A_502 = arith.constant 31 : index
        %get3A_503 = tpu.vector_load %arg4[%get3A_501, %get3A_502] {strides = array<i32>} : memref<16x1000xf32, #tpu.memory_space<vmem>>, vector<1x16xf32>,
        %get3A_504 = vector.shape_cast %get3A_503 : vector<1x16xf32> to vector<16xf32>
        %swap3A_505 = arith.index_cast %scan3A_99 : i32 to index
        %swap3A_506 = arith.constant 32 : index
        %swap3A_507 = tpu.vector_load %arg6[%swap3A_505, %swap3A_506] {strides = array<i32>} : memref<16x128xf32, #tpu.memory_space<vmem>>, vector<1x16xf32>,
        %swap3A_508 = vector.shape_cast %swap3A_507 : vector<1x16xf32> to vector<16xf32>
        %swap3A_509 = vector.shape_cast %get3A_504 : vector<16xf32> to vector<1x16xf32>
        tpu.vector_store %arg6[%swap3A_505, %swap3A_506], %swap3A_509 {strides = array<i32>} : memref<16x128xf32, #tpu.memory_space<vmem>>, vector<1x16xf32>,
        %get3A_510 = arith.index_cast %scan3A_99 : i32 to index
        %get3A_511 = arith.constant 47 : index
        %get3A_512 = tpu.vector_load %arg4[%get3A_510, %get3A_511] {strides = array<i32>} : memref<16x1000xf32, #tpu.memory_space<vmem>>, vector<1x16xf32>,
        %get3A_513 = vector.shape_cast %get3A_512 : vector<1x16xf32> to vector<16xf32>
        %swap3A_514 = arith.index_cast %scan3A_99 : i32 to index
        %swap3A_515 = arith.constant 48 : index
        %swap3A_516 = tpu.vector_load %arg6[%swap3A_514, %swap3A_515] {strides = array<i32>} : memref<16x128xf32, #tpu.memory_space<vmem>>, vector<1x16xf32>,
        %swap3A_517 = vector.shape_cast %swap3A_516 : vector<1x16xf32> to vector<16xf32>
        %swap3A_518 = vector.shape_cast %get3A_513 : vector<16xf32> to vector<1x16xf32>
        tpu.vector_store %arg6[%swap3A_514, %swap3A_515], %swap3A_518 {strides = array<i32>} : memref<16x128xf32, #tpu.memory_space<vmem>>, vector<1x16xf32>,
        %get3A_519 = arith.index_cast %scan3A_99 : i32 to index
        %get3A_520 = arith.constant 63 : index
        %get3A_521 = tpu.vector_load %arg4[%get3A_519, %get3A_520] {strides = array<i32>} : memref<16x1000xf32, #tpu.memory_space<vmem>>, vector<1x16xf32>,
        %get3A_522 = vector.shape_cast %get3A_521 : vector<1x16xf32> to vector<16xf32>
        %swap3A_523 = arith.index_cast %scan3A_99 : i32 to index
        %swap3A_524 = arith.constant 64 : index
        %swap3A_525 = tpu.vector_load %arg6[%swap3A_523, %swap3A_524] {strides = array<i32>} : memref<16x128xf32, #tpu.memory_space<vmem>>, vector<1x16xf32>,
        %swap3A_526 = vector.shape_cast %swap3A_525 : vector<1x16xf32> to vector<16xf32>
        %swap3A_527 = vector.shape_cast %get3A_522 : vector<16xf32> to vector<1x16xf32>
        tpu.vector_store %arg6[%swap3A_523, %swap3A_524], %swap3A_527 {strides = array<i32>} : memref<16x128xf32, #tpu.memory_space<vmem>>, vector<1x16xf32>,
        %get3A_528 = arith.index_cast %scan3A_99 : i32 to index
        %get3A_529 = arith.constant 79 : index
        %get3A_530 = tpu.vector_load %arg4[%get3A_528, %get3A_529] {strides = array<i32>} : memref<16x1000xf32, #tpu.memory_space<vmem>>, vector<1x16xf32>,
        %get3A_531 = vector.shape_cast %get3A_530 : vector<1x16xf32> to vector<16xf32>
        %swap3A_532 = arith.index_cast %scan3A_99 : i32 to index
        %swap3A_533 = arith.constant 80 : index
        %swap3A_534 = tpu.vector_load %arg6[%swap3A_532, %swap3A_533] {strides = array<i32>} : memref<16x128xf32, #tpu.memory_space<vmem>>, vector<1x16xf32>,
        %swap3A_535 = vector.shape_cast %swap3A_534 : vector<1x16xf32> to vector<16xf32>
        %swap3A_536 = vector.shape_cast %get3A_531 : vector<16xf32> to vector<1x16xf32>
        tpu.vector_store %arg6[%swap3A_532, %swap3A_533], %swap3A_536 {strides = array<i32>} : memref<16x128xf32, #tpu.memory_space<vmem>>, vector<1x16xf32>,
        %get3A_537 = arith.index_cast %scan3A_99 : i32 to index
        %get3A_538 = arith.constant 95 : index
        %get3A_539 = tpu.vector_load %arg4[%get3A_537, %get3A_538] {strides = array<i32>} : memref<16x1000xf32, #tpu.memory_space<vmem>>, vector<1x16xf32>,
        %get3A_540 = vector.shape_cast %get3A_539 : vector<1x16xf32> to vector<16xf32>
        %swap3A_541 = arith.index_cast %scan3A_99 : i32 to index
        %swap3A_542 = arith.constant 96 : index
        %swap3A_543 = tpu.vector_load %arg6[%swap3A_541, %swap3A_542] {strides = array<i32>} : memref<16x128xf32, #tpu.memory_space<vmem>>, vector<1x16xf32>,
        %swap3A_544 = vector.shape_cast %swap3A_543 : vector<1x16xf32> to vector<16xf32>
        %swap3A_545 = vector.shape_cast %get3A_540 : vector<16xf32> to vector<1x16xf32>
        tpu.vector_store %arg6[%swap3A_541, %swap3A_542], %swap3A_545 {strides = array<i32>} : memref<16x128xf32, #tpu.memory_space<vmem>>, vector<1x16xf32>,
        %get3A_546 = arith.index_cast %scan3A_99 : i32 to index
        %get3A_547 = arith.constant 111 : index
        %get3A_548 = tpu.vector_load %arg4[%get3A_546, %get3A_547] {strides = array<i32>} : memref<16x1000xf32, #tpu.memory_space<vmem>>, vector<1x16xf32>,
        %get3A_549 = vector.shape_cast %get3A_548 : vector<1x16xf32> to vector<16xf32>
        %swap3A_550 = arith.index_cast %scan3A_99 : i32 to index
        %swap3A_551 = arith.constant 112 : index
        %swap3A_552 = tpu.vector_load %arg6[%swap3A_550, %swap3A_551] {strides = array<i32>} : memref<16x128xf32, #tpu.memory_space<vmem>>, vector<1x16xf32>,
        %swap3A_553 = vector.shape_cast %swap3A_552 : vector<1x16xf32> to vector<16xf32>
        %swap3A_554 = vector.shape_cast %get3A_549 : vector<16xf32> to vector<1x16xf32>
        tpu.vector_store %arg6[%swap3A_550, %swap3A_551], %swap3A_554 {strides = array<i32>} : memref<16x128xf32, #tpu.memory_space<vmem>>, vector<1x16xf32>,
      }
      %scan3A_49 = arith.constant 16 : i32
      %add3A_50 = arith.constant 2 : i32
      %add3A_51 = arith.addi %add3A_34, %add3A_50 : i32
      %lt3A = arith.constant 4 : i32
      %lt3A_52 = arith.cmpi slt, %add3A_51, %lt3A : i32
      %convert_element_type3A_53 = arith.extui %lt3A_52 : i1 to i32
      %cond3A_54 = arith.constant 0 : i32
      %cond3A_55 = arith.cmpi ne, %convert_element_type3A_53, %cond3A_54 : i32
      scf.if %cond3A_55 {
        %add3A_99 = arith.constant 2 : i32
        %add3A_100 = arith.addi %add3A_34, %add3A_99 : i32
        %mul3A_101 = arith.constant 16 : i32
        %mul3A_102 = arith.muli %add3A_100, %mul3A_101 : i32
        %add3A_103 = arith.addi %mul3A_2, %mul3A_102 : i32
        %dma_start3A_104 = arith.constant 0 : i32
        %dma_start3A_105 = tpu.memref_slice %arg2[%add3A_103, %dma_start3A_104] : memref<16384x1000xf32, #tpu.memory_space<hbm>> -> memref<16x1000xf32, #tpu.memory_space<hbm>>
        %dma_start3A_106 = arith.constant 0 : i32
        %dma_start3A_107 = tpu.memref_slice %arg2[%add3A_103, %dma_start3A_106] : memref<16384x1000xf32, #tpu.memory_space<hbm>> -> memref<16x1000xf32, #tpu.memory_space<hbm>>
        tpu.enqueue_dma source(%dma_start3A_107 : memref<16x1000xf32, #tpu.memory_space<hbm>>) target(%arg4 : memref<16x1000xf32, #tpu.memory_space<vmem>>) target_semaphore(%arg8 : memref<!tpu.dma_semaphore, #tpu.memory_space<semaphore_mem>>)
      } else {
      }
      %mul3A_56 = arith.constant 16 : i32
      %mul3A_57 = arith.muli %add3A_34, %mul3A_56 : i32
      %add3A_58 = arith.addi %mul3A_2, %mul3A_57 : i32
      %dma_start3A_59 = arith.constant 0 : i32
      %dma_start3A_60 = tpu.memref_slice %arg3[%add3A_58, %dma_start3A_59] : memref<2048x128xf32, #tpu.memory_space<hbm>> -> memref<16x128xf32, #tpu.memory_space<hbm>>
      %dma_start3A_61 = arith.constant 0 : i32
      %dma_start3A_62 = tpu.memref_slice %arg3[%add3A_58, %dma_start3A_61] : memref<2048x128xf32, #tpu.memory_space<hbm>> -> memref<16x128xf32, #tpu.memory_space<hbm>>
      tpu.enqueue_dma source(%arg6 : memref<16x128xf32, #tpu.memory_space<vmem>>) target(%dma_start3A_62 : memref<16x128xf32, #tpu.memory_space<hbm>>) target_semaphore(%arg10 : memref<!tpu.dma_semaphore, #tpu.memory_space<semaphore_mem>>)
      %mul3A_63 = arith.constant 2 : i32
      %mul3A_64 = arith.muli %scan3A_30, %mul3A_63 : i32
      %add3A_65 = arith.constant 1 : i32
      %add3A_66 = arith.addi %mul3A_64, %add3A_65 : i32
      %mul3A_67 = arith.constant 16 : i32
      %mul3A_68 = arith.muli %add3A_66, %mul3A_67 : i32
      %add3A_69 = arith.addi %mul3A_2, %mul3A_68 : i32
      %dma_wait3A_70 = arith.constant 0 : i32
      %dma_wait3A_71 = tpu.memref_slice %arg2[%add3A_69, %dma_wait3A_70] : memref<16384x1000xf32, #tpu.memory_space<hbm>> -> memref<16x1000xf32, #tpu.memory_space<hbm>>
      %dma_wait3A_72 = arith.constant 0 : i32
      %dma_wait3A_73 = tpu.memref_slice %arg2[%add3A_69, %dma_wait3A_72] : memref<16384x1000xf32, #tpu.memory_space<hbm>> -> memref<16x1000xf32, #tpu.memory_space<hbm>>
      tpu.wait_dma2 semaphore(%arg9 : memref<!tpu.dma_semaphore, #tpu.memory_space<semaphore_mem>>) src(%dma_wait3A_73 : memref<16x1000xf32, #tpu.memory_space<hbm>>) dst(%arg5 : memref<16x1000xf32, #tpu.memory_space<vmem>>)
      %ge3A_74 = arith.constant 2 : i32
      %ge3A_75 = arith.cmpi sge, %add3A_66, %ge3A_74 : i32
      %convert_element_type3A_76 = arith.extui %ge3A_75 : i1 to i32
      %cond3A_77 = arith.constant 0 : i32
      %cond3A_78 = arith.cmpi ne, %convert_element_type3A_76, %cond3A_77 : i32
      scf.if %cond3A_78 {
        %sub3A = arith.constant 2 : i32
        %sub3A_99 = arith.subi %add3A_66, %sub3A : i32
        %mul3A_100 = arith.constant 16 : i32
        %mul3A_101 = arith.muli %sub3A_99, %mul3A_100 : i32
        %add3A_102 = arith.addi %mul3A_2, %mul3A_101 : i32
        %dma_wait3A_103 = arith.constant 0 : i32
        %dma_wait3A_104 = tpu.memref_slice %arg3[%add3A_102, %dma_wait3A_103] : memref<2048x128xf32, #tpu.memory_space<hbm>> -> memref<16x128xf32, #tpu.memory_space<hbm>>
        %dma_wait3A_105 = arith.constant 0 : i32
        %dma_wait3A_106 = tpu.memref_slice %arg3[%add3A_102, %dma_wait3A_105] : memref<2048x128xf32, #tpu.memory_space<hbm>> -> memref<16x128xf32, #tpu.memory_space<hbm>>
        tpu.wait_dma2 semaphore(%arg11 : memref<!tpu.dma_semaphore, #tpu.memory_space<semaphore_mem>>) src(%arg7 : memref<16x128xf32, #tpu.memory_space<vmem>>) dst(%dma_wait3A_106 : memref<16x128xf32, #tpu.memory_space<hbm>>)
      } else {
      }
      %scan3A_79 = arith.constant 0 : i32
      %scan3A_80 = arith.constant 0 : i32
      %scan3A_81 = arith.constant 16 : i32
      %scan3A_82 = arith.addi %scan3A_80, %scan3A_81 : i32
      %scan3A_83 = arith.constant 1 : i32
      scf.for %scan3A_99 = %scan3A_80 to %scan3A_82 step %scan3A_83  : i32 {
        %broadcast_in_dim3A = arith.constant 1.000000e+00 : f32
        %broadcast_in_dim3A_100 = vector.broadcast %broadcast_in_dim3A : f32 to vector<16xf32>
        %scan3A_101 = arith.constant 0 : i32
        %scan3A_102 = arith.constant 7 : i32
        %scan3A_103 = arith.addi %scan3A_101, %scan3A_102 : i32
        %scan3A_104 = arith.constant 1 : i32
        %scan3A_105:8 = scf.for %scan3A_555 = %scan3A_101 to %scan3A_103 step %scan3A_104 iter_args(%scan3A_556 = %broadcast_in_dim3A_100, %scan3A_557 = %broadcast_in_dim3A_100, %scan3A_558 = %broadcast_in_dim3A_100, %scan3A_559 = %broadcast_in_dim3A_100, %scan3A_560 = %broadcast_in_dim3A_100, %scan3A_561 = %broadcast_in_dim3A_100, %scan3A_562 = %broadcast_in_dim3A_100, %scan3A_563 = %broadcast_in_dim3A_100) -> (vector<16xf32>, vector<16xf32>, vector<16xf32>, vector<16xf32>, vector<16xf32>, vector<16xf32>, vector<16xf32>, vector<16xf32>)  : i32 {
          %mul3A_564 = arith.constant 128 : i32
          %mul3A_565 = arith.muli %scan3A_555, %mul3A_564 : i32
          %add3A_566 = arith.constant 0 : i32
          %add3A_567 = arith.addi %mul3A_565, %add3A_566 : i32
          %get3A_568 = arith.index_cast %scan3A_99 : i32 to index
          %get3A_569 = arith.index_cast %add3A_567 : i32 to index
          %get3A_570 = tpu.vector_load %arg5[%get3A_568, %get3A_569] {strides = array<i32>} : memref<16x1000xf32, #tpu.memory_space<vmem>>, vector<1x16xf32>,
          %get3A_571 = vector.shape_cast %get3A_570 : vector<1x16xf32> to vector<16xf32>
          %mul3A_572 = arith.constant 1.44269502 : f32
          %mul3A_573 = vector.broadcast %mul3A_572 : f32 to vector<16xf32>
          %mul3A_574 = arith.mulf %get3A_571, %mul3A_573 : vector<16xf32>
          %add3A_575 = arith.constant 0x4B400000 : f32
          %add3A_576 = vector.broadcast %add3A_575 : f32 to vector<16xf32>
          %add3A_577 = arith.addf %mul3A_574, %add3A_576 : vector<16xf32>
          %sub3A_578 = arith.constant 0x4B400000 : f32
          %sub3A_579 = vector.broadcast %sub3A_578 : f32 to vector<16xf32>
          %sub3A_580 = arith.subf %add3A_577, %sub3A_579 : vector<16xf32>
          %sub3A_581 = arith.subf %mul3A_574, %sub3A_580 : vector<16xf32>
          %bitcast_convert_type3A_582 = tpu.bitcast %add3A_577 : vector<16xf32> -> vector<16xi32>
          %add3A_583 = arith.constant 127 : i32
          %add3A_584 = vector.broadcast %add3A_583 : i32 to vector<16xi32>
          %add3A_585 = arith.addi %bitcast_convert_type3A_582, %add3A_584 : vector<16xi32>
          %shift_left3A_586 = arith.constant 23 : i32
          %shift_left3A_587 = vector.broadcast %shift_left3A_586 : i32 to vector<16xi32>
          %shift_left3A_588 = arith.shli %add3A_585, %shift_left3A_587 : vector<16xi32>
          %bitcast_convert_type3A_589 = tpu.bitcast %shift_left3A_588 : vector<16xi32> -> vector<16xf32>
          %mul3A_590 = arith.constant 0.0558755361 : f32
          %mul3A_591 = vector.broadcast %mul3A_590 : f32 to vector<16xf32>
          %mul3A_592 = arith.mulf %sub3A_581, %mul3A_591 : vector<16xf32>
          %add3A_593 = arith.constant 0.242294624 : f32
          %add3A_594 = vector.broadcast %add3A_593 : f32 to vector<16xf32>
          %add3A_595 = arith.addf %add3A_594, %mul3A_592 : vector<16xf32>
          %mul3A_596 = arith.mulf %sub3A_581, %add3A_595 : vector<16xf32>
          %add3A_597 = arith.constant 0.693127275 : f32
          %add3A_598 = vector.broadcast %add3A_597 : f32 to vector<16xf32>
          %add3A_599 = arith.addf %add3A_598, %mul3A_596 : vector<16xf32>
          %mul3A_600 = arith.mulf %sub3A_581, %add3A_599 : vector<16xf32>
          %add3A_601 = arith.constant 0.999948263 : f32
          %add3A_602 = vector.broadcast %add3A_601 : f32 to vector<16xf32>
          %add3A_603 = arith.addf %add3A_602, %mul3A_600 : vector<16xf32>
          %mul3A_604 = arith.mulf %bitcast_convert_type3A_589, %add3A_603 : vector<16xf32>
          %add3A_605 = arith.constant 1.000000e+00 : f32
          %add3A_606 = vector.broadcast %add3A_605 : f32 to vector<16xf32>
          %add3A_607 = arith.addf %add3A_606, %mul3A_604 : vector<16xf32>
          %mul3A_608 = arith.mulf %scan3A_556, %add3A_607 : vector<16xf32>
          %add3A_609 = arith.constant 16 : i32
          %add3A_610 = arith.addi %mul3A_565, %add3A_609 : i32
          %get3A_611 = arith.index_cast %scan3A_99 : i32 to index
          %get3A_612 = arith.index_cast %add3A_610 : i32 to index
          %get3A_613 = tpu.vector_load %arg5[%get3A_611, %get3A_612] {strides = array<i32>} : memref<16x1000xf32, #tpu.memory_space<vmem>>, vector<1x16xf32>,
          %get3A_614 = vector.shape_cast %get3A_613 : vector<1x16xf32> to vector<16xf32>
          %mul3A_615 = arith.constant 1.44269502 : f32
          %mul3A_616 = vector.broadcast %mul3A_615 : f32 to vector<16xf32>
          %mul3A_617 = arith.mulf %get3A_614, %mul3A_616 : vector<16xf32>
          %add3A_618 = arith.constant 0x4B400000 : f32
          %add3A_619 = vector.broadcast %add3A_618 : f32 to vector<16xf32>
          %add3A_620 = arith.addf %mul3A_617, %add3A_619 : vector<16xf32>
          %sub3A_621 = arith.constant 0x4B400000 : f32
          %sub3A_622 = vector.broadcast %sub3A_621 : f32 to vector<16xf32>
          %sub3A_623 = arith.subf %add3A_620, %sub3A_622 : vector<16xf32>
          %sub3A_624 = arith.subf %mul3A_617, %sub3A_623 : vector<16xf32>
          %bitcast_convert_type3A_625 = tpu.bitcast %add3A_620 : vector<16xf32> -> vector<16xi32>
          %add3A_626 = arith.constant 127 : i32
          %add3A_627 = vector.broadcast %add3A_626 : i32 to vector<16xi32>
          %add3A_628 = arith.addi %bitcast_convert_type3A_625, %add3A_627 : vector<16xi32>
          %shift_left3A_629 = arith.constant 23 : i32
          %shift_left3A_630 = vector.broadcast %shift_left3A_629 : i32 to vector<16xi32>
          %shift_left3A_631 = arith.shli %add3A_628, %shift_left3A_630 : vector<16xi32>
          %bitcast_convert_type3A_632 = tpu.bitcast %shift_left3A_631 : vector<16xi32> -> vector<16xf32>
          %mul3A_633 = arith.constant 0.0558755361 : f32
          %mul3A_634 = vector.broadcast %mul3A_633 : f32 to vector<16xf32>
          %mul3A_635 = arith.mulf %sub3A_624, %mul3A_634 : vector<16xf32>
          %add3A_636 = arith.constant 0.242294624 : f32
          %add3A_637 = vector.broadcast %add3A_636 : f32 to vector<16xf32>
          %add3A_638 = arith.addf %add3A_637, %mul3A_635 : vector<16xf32>
          %mul3A_639 = arith.mulf %sub3A_624, %add3A_638 : vector<16xf32>
          %add3A_640 = arith.constant 0.693127275 : f32
          %add3A_641 = vector.broadcast %add3A_640 : f32 to vector<16xf32>
          %add3A_642 = arith.addf %add3A_641, %mul3A_639 : vector<16xf32>
          %mul3A_643 = arith.mulf %sub3A_624, %add3A_642 : vector<16xf32>
          %add3A_644 = arith.constant 0.999948263 : f32
          %add3A_645 = vector.broadcast %add3A_644 : f32 to vector<16xf32>
          %add3A_646 = arith.addf %add3A_645, %mul3A_643 : vector<16xf32>
          %mul3A_647 = arith.mulf %bitcast_convert_type3A_632, %add3A_646 : vector<16xf32>
          %add3A_648 = arith.constant 1.000000e+00 : f32
          %add3A_649 = vector.broadcast %add3A_648 : f32 to vector<16xf32>
          %add3A_650 = arith.addf %add3A_649, %mul3A_647 : vector<16xf32>
          %mul3A_651 = arith.mulf %scan3A_557, %add3A_650 : vector<16xf32>
          %add3A_652 = arith.constant 32 : i32
          %add3A_653 = arith.addi %mul3A_565, %add3A_652 : i32
          %get3A_654 = arith.index_cast %scan3A_99 : i32 to index
          %get3A_655 = arith.index_cast %add3A_653 : i32 to index
          %get3A_656 = tpu.vector_load %arg5[%get3A_654, %get3A_655] {strides = array<i32>} : memref<16x1000xf32, #tpu.memory_space<vmem>>, vector<1x16xf32>,
          %get3A_657 = vector.shape_cast %get3A_656 : vector<1x16xf32> to vector<16xf32>
          %mul3A_658 = arith.constant 1.44269502 : f32
          %mul3A_659 = vector.broadcast %mul3A_658 : f32 to vector<16xf32>
          %mul3A_660 = arith.mulf %get3A_657, %mul3A_659 : vector<16xf32>
          %add3A_661 = arith.constant 0x4B400000 : f32
          %add3A_662 = vector.broadcast %add3A_661 : f32 to vector<16xf32>
          %add3A_663 = arith.addf %mul3A_660, %add3A_662 : vector<16xf32>
          %sub3A_664 = arith.constant 0x4B400000 : f32
          %sub3A_665 = vector.broadcast %sub3A_664 : f32 to vector<16xf32>
          %sub3A_666 = arith.subf %add3A_663, %sub3A_665 : vector<16xf32>
          %sub3A_667 = arith.subf %mul3A_660, %sub3A_666 : vector<16xf32>
          %bitcast_convert_type3A_668 = tpu.bitcast %add3A_663 : vector<16xf32> -> vector<16xi32>
          %add3A_669 = arith.constant 127 : i32
          %add3A_670 = vector.broadcast %add3A_669 : i32 to vector<16xi32>
          %add3A_671 = arith.addi %bitcast_convert_type3A_668, %add3A_670 : vector<16xi32>
          %shift_left3A_672 = arith.constant 23 : i32
          %shift_left3A_673 = vector.broadcast %shift_left3A_672 : i32 to vector<16xi32>
          %shift_left3A_674 = arith.shli %add3A_671, %shift_left3A_673 : vector<16xi32>
          %bitcast_convert_type3A_675 = tpu.bitcast %shift_left3A_674 : vector<16xi32> -> vector<16xf32>
          %mul3A_676 = arith.constant 0.0558755361 : f32
          %mul3A_677 = vector.broadcast %mul3A_676 : f32 to vector<16xf32>
          %mul3A_678 = arith.mulf %sub3A_667, %mul3A_677 : vector<16xf32>
          %add3A_679 = arith.constant 0.242294624 : f32
          %add3A_680 = vector.broadcast %add3A_679 : f32 to vector<16xf32>
          %add3A_681 = arith.addf %add3A_680, %mul3A_678 : vector<16xf32>
          %mul3A_682 = arith.mulf %sub3A_667, %add3A_681 : vector<16xf32>
          %add3A_683 = arith.constant 0.693127275 : f32
          %add3A_684 = vector.broadcast %add3A_683 : f32 to vector<16xf32>
          %add3A_685 = arith.addf %add3A_684, %mul3A_682 : vector<16xf32>
          %mul3A_686 = arith.mulf %sub3A_667, %add3A_685 : vector<16xf32>
          %add3A_687 = arith.constant 0.999948263 : f32
          %add3A_688 = vector.broadcast %add3A_687 : f32 to vector<16xf32>
          %add3A_689 = arith.addf %add3A_688, %mul3A_686 : vector<16xf32>
          %mul3A_690 = arith.mulf %bitcast_convert_type3A_675, %add3A_689 : vector<16xf32>
          %add3A_691 = arith.constant 1.000000e+00 : f32
          %add3A_692 = vector.broadcast %add3A_691 : f32 to vector<16xf32>
          %add3A_693 = arith.addf %add3A_692, %mul3A_690 : vector<16xf32>
          %mul3A_694 = arith.mulf %scan3A_558, %add3A_693 : vector<16xf32>
          %add3A_695 = arith.constant 48 : i32
          %add3A_696 = arith.addi %mul3A_565, %add3A_695 : i32
          %get3A_697 = arith.index_cast %scan3A_99 : i32 to index
          %get3A_698 = arith.index_cast %add3A_696 : i32 to index
          %get3A_699 = tpu.vector_load %arg5[%get3A_697, %get3A_698] {strides = array<i32>} : memref<16x1000xf32, #tpu.memory_space<vmem>>, vector<1x16xf32>,
          %get3A_700 = vector.shape_cast %get3A_699 : vector<1x16xf32> to vector<16xf32>
          %mul3A_701 = arith.constant 1.44269502 : f32
          %mul3A_702 = vector.broadcast %mul3A_701 : f32 to vector<16xf32>
          %mul3A_703 = arith.mulf %get3A_700, %mul3A_702 : vector<16xf32>
          %add3A_704 = arith.constant 0x4B400000 : f32
          %add3A_705 = vector.broadcast %add3A_704 : f32 to vector<16xf32>
          %add3A_706 = arith.addf %mul3A_703, %add3A_705 : vector<16xf32>
          %sub3A_707 = arith.constant 0x4B400000 : f32
          %sub3A_708 = vector.broadcast %sub3A_707 : f32 to vector<16xf32>
          %sub3A_709 = arith.subf %add3A_706, %sub3A_708 : vector<16xf32>
          %sub3A_710 = arith.subf %mul3A_703, %sub3A_709 : vector<16xf32>
          %bitcast_convert_type3A_711 = tpu.bitcast %add3A_706 : vector<16xf32> -> vector<16xi32>
          %add3A_712 = arith.constant 127 : i32
          %add3A_713 = vector.broadcast %add3A_712 : i32 to vector<16xi32>
          %add3A_714 = arith.addi %bitcast_convert_type3A_711, %add3A_713 : vector<16xi32>
          %shift_left3A_715 = arith.constant 23 : i32
          %shift_left3A_716 = vector.broadcast %shift_left3A_715 : i32 to vector<16xi32>
          %shift_left3A_717 = arith.shli %add3A_714, %shift_left3A_716 : vector<16xi32>
          %bitcast_convert_type3A_718 = tpu.bitcast %shift_left3A_717 : vector<16xi32> -> vector<16xf32>
          %mul3A_719 = arith.constant 0.0558755361 : f32
          %mul3A_720 = vector.broadcast %mul3A_719 : f32 to vector<16xf32>
          %mul3A_721 = arith.mulf %sub3A_710, %mul3A_720 : vector<16xf32>
          %add3A_722 = arith.constant 0.242294624 : f32
          %add3A_723 = vector.broadcast %add3A_722 : f32 to vector<16xf32>
          %add3A_724 = arith.addf %add3A_723, %mul3A_721 : vector<16xf32>
          %mul3A_725 = arith.mulf %sub3A_710, %add3A_724 : vector<16xf32>
          %add3A_726 = arith.constant 0.693127275 : f32
          %add3A_727 = vector.broadcast %add3A_726 : f32 to vector<16xf32>
          %add3A_728 = arith.addf %add3A_727, %mul3A_725 : vector<16xf32>
          %mul3A_729 = arith.mulf %sub3A_710, %add3A_728 : vector<16xf32>
          %add3A_730 = arith.constant 0.999948263 : f32
          %add3A_731 = vector.broadcast %add3A_730 : f32 to vector<16xf32>
          %add3A_732 = arith.addf %add3A_731, %mul3A_729 : vector<16xf32>
          %mul3A_733 = arith.mulf %bitcast_convert_type3A_718, %add3A_732 : vector<16xf32>
          %add3A_734 = arith.constant 1.000000e+00 : f32
          %add3A_735 = vector.broadcast %add3A_734 : f32 to vector<16xf32>
          %add3A_736 = arith.addf %add3A_735, %mul3A_733 : vector<16xf32>
          %mul3A_737 = arith.mulf %scan3A_559, %add3A_736 : vector<16xf32>
          %add3A_738 = arith.constant 64 : i32
          %add3A_739 = arith.addi %mul3A_565, %add3A_738 : i32
          %get3A_740 = arith.index_cast %scan3A_99 : i32 to index
          %get3A_741 = arith.index_cast %add3A_739 : i32 to index
          %get3A_742 = tpu.vector_load %arg5[%get3A_740, %get3A_741] {strides = array<i32>} : memref<16x1000xf32, #tpu.memory_space<vmem>>, vector<1x16xf32>,
          %get3A_743 = vector.shape_cast %get3A_742 : vector<1x16xf32> to vector<16xf32>
          %mul3A_744 = arith.constant 1.44269502 : f32
          %mul3A_745 = vector.broadcast %mul3A_744 : f32 to vector<16xf32>
          %mul3A_746 = arith.mulf %get3A_743, %mul3A_745 : vector<16xf32>
          %add3A_747 = arith.constant 0x4B400000 : f32
          %add3A_748 = vector.broadcast %add3A_747 : f32 to vector<16xf32>
          %add3A_749 = arith.addf %mul3A_746, %add3A_748 : vector<16xf32>
          %sub3A_750 = arith.constant 0x4B400000 : f32
          %sub3A_751 = vector.broadcast %sub3A_750 : f32 to vector<16xf32>
          %sub3A_752 = arith.subf %add3A_749, %sub3A_751 : vector<16xf32>
          %sub3A_753 = arith.subf %mul3A_746, %sub3A_752 : vector<16xf32>
          %bitcast_convert_type3A_754 = tpu.bitcast %add3A_749 : vector<16xf32> -> vector<16xi32>
          %add3A_755 = arith.constant 127 : i32
          %add3A_756 = vector.broadcast %add3A_755 : i32 to vector<16xi32>
          %add3A_757 = arith.addi %bitcast_convert_type3A_754, %add3A_756 : vector<16xi32>
          %shift_left3A_758 = arith.constant 23 : i32
          %shift_left3A_759 = vector.broadcast %shift_left3A_758 : i32 to vector<16xi32>
          %shift_left3A_760 = arith.shli %add3A_757, %shift_left3A_759 : vector<16xi32>
          %bitcast_convert_type3A_761 = tpu.bitcast %shift_left3A_760 : vector<16xi32> -> vector<16xf32>
          %mul3A_762 = arith.constant 0.0558755361 : f32
          %mul3A_763 = vector.broadcast %mul3A_762 : f32 to vector<16xf32>
          %mul3A_764 = arith.mulf %sub3A_753, %mul3A_763 : vector<16xf32>
          %add3A_765 = arith.constant 0.242294624 : f32
          %add3A_766 = vector.broadcast %add3A_765 : f32 to vector<16xf32>
          %add3A_767 = arith.addf %add3A_766, %mul3A_764 : vector<16xf32>
          %mul3A_768 = arith.mulf %sub3A_753, %add3A_767 : vector<16xf32>
          %add3A_769 = arith.constant 0.693127275 : f32
          %add3A_770 = vector.broadcast %add3A_769 : f32 to vector<16xf32>
          %add3A_771 = arith.addf %add3A_770, %mul3A_768 : vector<16xf32>
          %mul3A_772 = arith.mulf %sub3A_753, %add3A_771 : vector<16xf32>
          %add3A_773 = arith.constant 0.999948263 : f32
          %add3A_774 = vector.broadcast %add3A_773 : f32 to vector<16xf32>
          %add3A_775 = arith.addf %add3A_774, %mul3A_772 : vector<16xf32>
          %mul3A_776 = arith.mulf %bitcast_convert_type3A_761, %add3A_775 : vector<16xf32>
          %add3A_777 = arith.constant 1.000000e+00 : f32
          %add3A_778 = vector.broadcast %add3A_777 : f32 to vector<16xf32>
          %add3A_779 = arith.addf %add3A_778, %mul3A_776 : vector<16xf32>
          %mul3A_780 = arith.mulf %scan3A_560, %add3A_779 : vector<16xf32>
          %add3A_781 = arith.constant 80 : i32
          %add3A_782 = arith.addi %mul3A_565, %add3A_781 : i32
          %get3A_783 = arith.index_cast %scan3A_99 : i32 to index
          %get3A_784 = arith.index_cast %add3A_782 : i32 to index
          %get3A_785 = tpu.vector_load %arg5[%get3A_783, %get3A_784] {strides = array<i32>} : memref<16x1000xf32, #tpu.memory_space<vmem>>, vector<1x16xf32>,
          %get3A_786 = vector.shape_cast %get3A_785 : vector<1x16xf32> to vector<16xf32>
          %mul3A_787 = arith.constant 1.44269502 : f32
          %mul3A_788 = vector.broadcast %mul3A_787 : f32 to vector<16xf32>
          %mul3A_789 = arith.mulf %get3A_786, %mul3A_788 : vector<16xf32>
          %add3A_790 = arith.constant 0x4B400000 : f32
          %add3A_791 = vector.broadcast %add3A_790 : f32 to vector<16xf32>
          %add3A_792 = arith.addf %mul3A_789, %add3A_791 : vector<16xf32>
          %sub3A_793 = arith.constant 0x4B400000 : f32
          %sub3A_794 = vector.broadcast %sub3A_793 : f32 to vector<16xf32>
          %sub3A_795 = arith.subf %add3A_792, %sub3A_794 : vector<16xf32>
          %sub3A_796 = arith.subf %mul3A_789, %sub3A_795 : vector<16xf32>
          %bitcast_convert_type3A_797 = tpu.bitcast %add3A_792 : vector<16xf32> -> vector<16xi32>
          %add3A_798 = arith.constant 127 : i32
          %add3A_799 = vector.broadcast %add3A_798 : i32 to vector<16xi32>
          %add3A_800 = arith.addi %bitcast_convert_type3A_797, %add3A_799 : vector<16xi32>
          %shift_left3A_801 = arith.constant 23 : i32
          %shift_left3A_802 = vector.broadcast %shift_left3A_801 : i32 to vector<16xi32>
          %shift_left3A_803 = arith.shli %add3A_800, %shift_left3A_802 : vector<16xi32>
          %bitcast_convert_type3A_804 = tpu.bitcast %shift_left3A_803 : vector<16xi32> -> vector<16xf32>
          %mul3A_805 = arith.constant 0.0558755361 : f32
          %mul3A_806 = vector.broadcast %mul3A_805 : f32 to vector<16xf32>
          %mul3A_807 = arith.mulf %sub3A_796, %mul3A_806 : vector<16xf32>
          %add3A_808 = arith.constant 0.242294624 : f32
          %add3A_809 = vector.broadcast %add3A_808 : f32 to vector<16xf32>
          %add3A_810 = arith.addf %add3A_809, %mul3A_807 : vector<16xf32>
          %mul3A_811 = arith.mulf %sub3A_796, %add3A_810 : vector<16xf32>
          %add3A_812 = arith.constant 0.693127275 : f32
          %add3A_813 = vector.broadcast %add3A_812 : f32 to vector<16xf32>
          %add3A_814 = arith.addf %add3A_813, %mul3A_811 : vector<16xf32>
          %mul3A_815 = arith.mulf %sub3A_796, %add3A_814 : vector<16xf32>
          %add3A_816 = arith.constant 0.999948263 : f32
          %add3A_817 = vector.broadcast %add3A_816 : f32 to vector<16xf32>
          %add3A_818 = arith.addf %add3A_817, %mul3A_815 : vector<16xf32>
          %mul3A_819 = arith.mulf %bitcast_convert_type3A_804, %add3A_818 : vector<16xf32>
          %add3A_820 = arith.constant 1.000000e+00 : f32
          %add3A_821 = vector.broadcast %add3A_820 : f32 to vector<16xf32>
          %add3A_822 = arith.addf %add3A_821, %mul3A_819 : vector<16xf32>
          %mul3A_823 = arith.mulf %scan3A_561, %add3A_822 : vector<16xf32>
          %add3A_824 = arith.constant 96 : i32
          %add3A_825 = arith.addi %mul3A_565, %add3A_824 : i32
          %get3A_826 = arith.index_cast %scan3A_99 : i32 to index
          %get3A_827 = arith.index_cast %add3A_825 : i32 to index
          %get3A_828 = tpu.vector_load %arg5[%get3A_826, %get3A_827] {strides = array<i32>} : memref<16x1000xf32, #tpu.memory_space<vmem>>, vector<1x16xf32>,
          %get3A_829 = vector.shape_cast %get3A_828 : vector<1x16xf32> to vector<16xf32>
          %mul3A_830 = arith.constant 1.44269502 : f32
          %mul3A_831 = vector.broadcast %mul3A_830 : f32 to vector<16xf32>
          %mul3A_832 = arith.mulf %get3A_829, %mul3A_831 : vector<16xf32>
          %add3A_833 = arith.constant 0x4B400000 : f32
          %add3A_834 = vector.broadcast %add3A_833 : f32 to vector<16xf32>
          %add3A_835 = arith.addf %mul3A_832, %add3A_834 : vector<16xf32>
          %sub3A_836 = arith.constant 0x4B400000 : f32
          %sub3A_837 = vector.broadcast %sub3A_836 : f32 to vector<16xf32>
          %sub3A_838 = arith.subf %add3A_835, %sub3A_837 : vector<16xf32>
          %sub3A_839 = arith.subf %mul3A_832, %sub3A_838 : vector<16xf32>
          %bitcast_convert_type3A_840 = tpu.bitcast %add3A_835 : vector<16xf32> -> vector<16xi32>
          %add3A_841 = arith.constant 127 : i32
          %add3A_842 = vector.broadcast %add3A_841 : i32 to vector<16xi32>
          %add3A_843 = arith.addi %bitcast_convert_type3A_840, %add3A_842 : vector<16xi32>
          %shift_left3A_844 = arith.constant 23 : i32
          %shift_left3A_845 = vector.broadcast %shift_left3A_844 : i32 to vector<16xi32>
          %shift_left3A_846 = arith.shli %add3A_843, %shift_left3A_845 : vector<16xi32>
          %bitcast_convert_type3A_847 = tpu.bitcast %shift_left3A_846 : vector<16xi32> -> vector<16xf32>
          %mul3A_848 = arith.constant 0.0558755361 : f32
          %mul3A_849 = vector.broadcast %mul3A_848 : f32 to vector<16xf32>
          %mul3A_850 = arith.mulf %sub3A_839, %mul3A_849 : vector<16xf32>
          %add3A_851 = arith.constant 0.242294624 : f32
          %add3A_852 = vector.broadcast %add3A_851 : f32 to vector<16xf32>
          %add3A_853 = arith.addf %add3A_852, %mul3A_850 : vector<16xf32>
          %mul3A_854 = arith.mulf %sub3A_839, %add3A_853 : vector<16xf32>
          %add3A_855 = arith.constant 0.693127275 : f32
          %add3A_856 = vector.broadcast %add3A_855 : f32 to vector<16xf32>
          %add3A_857 = arith.addf %add3A_856, %mul3A_854 : vector<16xf32>
          %mul3A_858 = arith.mulf %sub3A_839, %add3A_857 : vector<16xf32>
          %add3A_859 = arith.constant 0.999948263 : f32
          %add3A_860 = vector.broadcast %add3A_859 : f32 to vector<16xf32>
          %add3A_861 = arith.addf %add3A_860, %mul3A_858 : vector<16xf32>
          %mul3A_862 = arith.mulf %bitcast_convert_type3A_847, %add3A_861 : vector<16xf32>
          %add3A_863 = arith.constant 1.000000e+00 : f32
          %add3A_864 = vector.broadcast %add3A_863 : f32 to vector<16xf32>
          %add3A_865 = arith.addf %add3A_864, %mul3A_862 : vector<16xf32>
          %mul3A_866 = arith.mulf %scan3A_562, %add3A_865 : vector<16xf32>
          %add3A_867 = arith.constant 112 : i32
          %add3A_868 = arith.addi %mul3A_565, %add3A_867 : i32
          %get3A_869 = arith.index_cast %scan3A_99 : i32 to index
          %get3A_870 = arith.index_cast %add3A_868 : i32 to index
          %get3A_871 = tpu.vector_load %arg5[%get3A_869, %get3A_870] {strides = array<i32>} : memref<16x1000xf32, #tpu.memory_space<vmem>>, vector<1x16xf32>,
          %get3A_872 = vector.shape_cast %get3A_871 : vector<1x16xf32> to vector<16xf32>
          %mul3A_873 = arith.constant 1.44269502 : f32
          %mul3A_874 = vector.broadcast %mul3A_873 : f32 to vector<16xf32>
          %mul3A_875 = arith.mulf %get3A_872, %mul3A_874 : vector<16xf32>
          %add3A_876 = arith.constant 0x4B400000 : f32
          %add3A_877 = vector.broadcast %add3A_876 : f32 to vector<16xf32>
          %add3A_878 = arith.addf %mul3A_875, %add3A_877 : vector<16xf32>
          %sub3A_879 = arith.constant 0x4B400000 : f32
          %sub3A_880 = vector.broadcast %sub3A_879 : f32 to vector<16xf32>
          %sub3A_881 = arith.subf %add3A_878, %sub3A_880 : vector<16xf32>
          %sub3A_882 = arith.subf %mul3A_875, %sub3A_881 : vector<16xf32>
          %bitcast_convert_type3A_883 = tpu.bitcast %add3A_878 : vector<16xf32> -> vector<16xi32>
          %add3A_884 = arith.constant 127 : i32
          %add3A_885 = vector.broadcast %add3A_884 : i32 to vector<16xi32>
          %add3A_886 = arith.addi %bitcast_convert_type3A_883, %add3A_885 : vector<16xi32>
          %shift_left3A_887 = arith.constant 23 : i32
          %shift_left3A_888 = vector.broadcast %shift_left3A_887 : i32 to vector<16xi32>
          %shift_left3A_889 = arith.shli %add3A_886, %shift_left3A_888 : vector<16xi32>
          %bitcast_convert_type3A_890 = tpu.bitcast %shift_left3A_889 : vector<16xi32> -> vector<16xf32>
          %mul3A_891 = arith.constant 0.0558755361 : f32
          %mul3A_892 = vector.broadcast %mul3A_891 : f32 to vector<16xf32>
          %mul3A_893 = arith.mulf %sub3A_882, %mul3A_892 : vector<16xf32>
          %add3A_894 = arith.constant 0.242294624 : f32
          %add3A_895 = vector.broadcast %add3A_894 : f32 to vector<16xf32>
          %add3A_896 = arith.addf %add3A_895, %mul3A_893 : vector<16xf32>
          %mul3A_897 = arith.mulf %sub3A_882, %add3A_896 : vector<16xf32>
          %add3A_898 = arith.constant 0.693127275 : f32
          %add3A_899 = vector.broadcast %add3A_898 : f32 to vector<16xf32>
          %add3A_900 = arith.addf %add3A_899, %mul3A_897 : vector<16xf32>
          %mul3A_901 = arith.mulf %sub3A_882, %add3A_900 : vector<16xf32>
          %add3A_902 = arith.constant 0.999948263 : f32
          %add3A_903 = vector.broadcast %add3A_902 : f32 to vector<16xf32>
          %add3A_904 = arith.addf %add3A_903, %mul3A_901 : vector<16xf32>
          %mul3A_905 = arith.mulf %bitcast_convert_type3A_890, %add3A_904 : vector<16xf32>
          %add3A_906 = arith.constant 1.000000e+00 : f32
          %add3A_907 = vector.broadcast %add3A_906 : f32 to vector<16xf32>
          %add3A_908 = arith.addf %add3A_907, %mul3A_905 : vector<16xf32>
          %mul3A_909 = arith.mulf %scan3A_563, %add3A_908 : vector<16xf32>
          scf.yield %mul3A_608, %mul3A_651, %mul3A_694, %mul3A_737, %mul3A_780, %mul3A_823, %mul3A_866, %mul3A_909 : vector<16xf32>, vector<16xf32>, vector<16xf32>, vector<16xf32>, vector<16xf32>, vector<16xf32>, vector<16xf32>, vector<16xf32>
        }
        %scan3A_106 = arith.constant 7 : i32
        %get3A = arith.index_cast %scan3A_99 : i32 to index
        %get3A_107 = arith.constant 896 : index
        %get3A_108 = tpu.vector_load %arg5[%get3A, %get3A_107] {strides = array<i32>} : memref<16x1000xf32, #tpu.memory_space<vmem>>, vector<1x16xf32>,
        %get3A_109 = vector.shape_cast %get3A_108 : vector<1x16xf32> to vector<16xf32>
        %mul3A_110 = arith.constant 1.44269502 : f32
        %mul3A_111 = vector.broadcast %mul3A_110 : f32 to vector<16xf32>
        %mul3A_112 = arith.mulf %get3A_109, %mul3A_111 : vector<16xf32>
        %add3A_113 = arith.constant 0x4B400000 : f32
        %add3A_114 = vector.broadcast %add3A_113 : f32 to vector<16xf32>
        %add3A_115 = arith.addf %mul3A_112, %add3A_114 : vector<16xf32>
        %sub3A = arith.constant 0x4B400000 : f32
        %sub3A_116 = vector.broadcast %sub3A : f32 to vector<16xf32>
        %sub3A_117 = arith.subf %add3A_115, %sub3A_116 : vector<16xf32>
        %sub3A_118 = arith.subf %mul3A_112, %sub3A_117 : vector<16xf32>
        %bitcast_convert_type3A = tpu.bitcast %add3A_115 : vector<16xf32> -> vector<16xi32>
        %add3A_119 = arith.constant 127 : i32
        %add3A_120 = vector.broadcast %add3A_119 : i32 to vector<16xi32>
        %add3A_121 = arith.addi %bitcast_convert_type3A, %add3A_120 : vector<16xi32>
        %shift_left3A = arith.constant 23 : i32
        %shift_left3A_122 = vector.broadcast %shift_left3A : i32 to vector<16xi32>
        %shift_left3A_123 = arith.shli %add3A_121, %shift_left3A_122 : vector<16xi32>
        %bitcast_convert_type3A_124 = tpu.bitcast %shift_left3A_123 : vector<16xi32> -> vector<16xf32>
        %mul3A_125 = arith.constant 0.0558755361 : f32
        %mul3A_126 = vector.broadcast %mul3A_125 : f32 to vector<16xf32>
        %mul3A_127 = arith.mulf %sub3A_118, %mul3A_126 : vector<16xf32>
        %add3A_128 = arith.constant 0.242294624 : f32
        %add3A_129 = vector.broadcast %add3A_128 : f32 to vector<16xf32>
        %add3A_130 = arith.addf %add3A_129, %mul3A_127 : vector<16xf32>
        %mul3A_131 = arith.mulf %sub3A_118, %add3A_130 : vector<16xf32>
        %add3A_132 = arith.constant 0.693127275 : f32
        %add3A_133 = vector.broadcast %add3A_132 : f32 to vector<16xf32>
        %add3A_134 = arith.addf %add3A_133, %mul3A_131 : vector<16xf32>
        %mul3A_135 = arith.mulf %sub3A_118, %add3A_134 : vector<16xf32>
        %add3A_136 = arith.constant 0.999948263 : f32
        %add3A_137 = vector.broadcast %add3A_136 : f32 to vector<16xf32>
        %add3A_138 = arith.addf %add3A_137, %mul3A_135 : vector<16xf32>
        %mul3A_139 = arith.mulf %bitcast_convert_type3A_124, %add3A_138 : vector<16xf32>
        %add3A_140 = arith.constant 1.000000e+00 : f32
        %add3A_141 = vector.broadcast %add3A_140 : f32 to vector<16xf32>
        %add3A_142 = arith.addf %add3A_141, %mul3A_139 : vector<16xf32>
        %mul3A_143 = arith.mulf %scan3A_105#0, %add3A_142 : vector<16xf32>
        %get3A_144 = arith.index_cast %scan3A_99 : i32 to index
        %get3A_145 = arith.constant 912 : index
        %get3A_146 = tpu.vector_load %arg5[%get3A_144, %get3A_145] {strides = array<i32>} : memref<16x1000xf32, #tpu.memory_space<vmem>>, vector<1x16xf32>,
        %get3A_147 = vector.shape_cast %get3A_146 : vector<1x16xf32> to vector<16xf32>
        %mul3A_148 = arith.constant 1.44269502 : f32
        %mul3A_149 = vector.broadcast %mul3A_148 : f32 to vector<16xf32>
        %mul3A_150 = arith.mulf %get3A_147, %mul3A_149 : vector<16xf32>
        %add3A_151 = arith.constant 0x4B400000 : f32
        %add3A_152 = vector.broadcast %add3A_151 : f32 to vector<16xf32>
        %add3A_153 = arith.addf %mul3A_150, %add3A_152 : vector<16xf32>
        %sub3A_154 = arith.constant 0x4B400000 : f32
        %sub3A_155 = vector.broadcast %sub3A_154 : f32 to vector<16xf32>
        %sub3A_156 = arith.subf %add3A_153, %sub3A_155 : vector<16xf32>
        %sub3A_157 = arith.subf %mul3A_150, %sub3A_156 : vector<16xf32>
        %bitcast_convert_type3A_158 = tpu.bitcast %add3A_153 : vector<16xf32> -> vector<16xi32>
        %add3A_159 = arith.constant 127 : i32
        %add3A_160 = vector.broadcast %add3A_159 : i32 to vector<16xi32>
        %add3A_161 = arith.addi %bitcast_convert_type3A_158, %add3A_160 : vector<16xi32>
        %shift_left3A_162 = arith.constant 23 : i32
        %shift_left3A_163 = vector.broadcast %shift_left3A_162 : i32 to vector<16xi32>
        %shift_left3A_164 = arith.shli %add3A_161, %shift_left3A_163 : vector<16xi32>
        %bitcast_convert_type3A_165 = tpu.bitcast %shift_left3A_164 : vector<16xi32> -> vector<16xf32>
        %mul3A_166 = arith.constant 0.0558755361 : f32
        %mul3A_167 = vector.broadcast %mul3A_166 : f32 to vector<16xf32>
        %mul3A_168 = arith.mulf %sub3A_157, %mul3A_167 : vector<16xf32>
        %add3A_169 = arith.constant 0.242294624 : f32
        %add3A_170 = vector.broadcast %add3A_169 : f32 to vector<16xf32>
        %add3A_171 = arith.addf %add3A_170, %mul3A_168 : vector<16xf32>
        %mul3A_172 = arith.mulf %sub3A_157, %add3A_171 : vector<16xf32>
        %add3A_173 = arith.constant 0.693127275 : f32
        %add3A_174 = vector.broadcast %add3A_173 : f32 to vector<16xf32>
        %add3A_175 = arith.addf %add3A_174, %mul3A_172 : vector<16xf32>
        %mul3A_176 = arith.mulf %sub3A_157, %add3A_175 : vector<16xf32>
        %add3A_177 = arith.constant 0.999948263 : f32
        %add3A_178 = vector.broadcast %add3A_177 : f32 to vector<16xf32>
        %add3A_179 = arith.addf %add3A_178, %mul3A_176 : vector<16xf32>
        %mul3A_180 = arith.mulf %bitcast_convert_type3A_165, %add3A_179 : vector<16xf32>
        %add3A_181 = arith.constant 1.000000e+00 : f32
        %add3A_182 = vector.broadcast %add3A_181 : f32 to vector<16xf32>
        %add3A_183 = arith.addf %add3A_182, %mul3A_180 : vector<16xf32>
        %mul3A_184 = arith.mulf %scan3A_105#1, %add3A_183 : vector<16xf32>
        %get3A_185 = arith.index_cast %scan3A_99 : i32 to index
        %get3A_186 = arith.constant 928 : index
        %get3A_187 = tpu.vector_load %arg5[%get3A_185, %get3A_186] {strides = array<i32>} : memref<16x1000xf32, #tpu.memory_space<vmem>>, vector<1x16xf32>,
        %get3A_188 = vector.shape_cast %get3A_187 : vector<1x16xf32> to vector<16xf32>
        %mul3A_189 = arith.constant 1.44269502 : f32
        %mul3A_190 = vector.broadcast %mul3A_189 : f32 to vector<16xf32>
        %mul3A_191 = arith.mulf %get3A_188, %mul3A_190 : vector<16xf32>
        %add3A_192 = arith.constant 0x4B400000 : f32
        %add3A_193 = vector.broadcast %add3A_192 : f32 to vector<16xf32>
        %add3A_194 = arith.addf %mul3A_191, %add3A_193 : vector<16xf32>
        %sub3A_195 = arith.constant 0x4B400000 : f32
        %sub3A_196 = vector.broadcast %sub3A_195 : f32 to vector<16xf32>
        %sub3A_197 = arith.subf %add3A_194, %sub3A_196 : vector<16xf32>
        %sub3A_198 = arith.subf %mul3A_191, %sub3A_197 : vector<16xf32>
        %bitcast_convert_type3A_199 = tpu.bitcast %add3A_194 : vector<16xf32> -> vector<16xi32>
        %add3A_200 = arith.constant 127 : i32
        %add3A_201 = vector.broadcast %add3A_200 : i32 to vector<16xi32>
        %add3A_202 = arith.addi %bitcast_convert_type3A_199, %add3A_201 : vector<16xi32>
        %shift_left3A_203 = arith.constant 23 : i32
        %shift_left3A_204 = vector.broadcast %shift_left3A_203 : i32 to vector<16xi32>
        %shift_left3A_205 = arith.shli %add3A_202, %shift_left3A_204 : vector<16xi32>
        %bitcast_convert_type3A_206 = tpu.bitcast %shift_left3A_205 : vector<16xi32> -> vector<16xf32>
        %mul3A_207 = arith.constant 0.0558755361 : f32
        %mul3A_208 = vector.broadcast %mul3A_207 : f32 to vector<16xf32>
        %mul3A_209 = arith.mulf %sub3A_198, %mul3A_208 : vector<16xf32>
        %add3A_210 = arith.constant 0.242294624 : f32
        %add3A_211 = vector.broadcast %add3A_210 : f32 to vector<16xf32>
        %add3A_212 = arith.addf %add3A_211, %mul3A_209 : vector<16xf32>
        %mul3A_213 = arith.mulf %sub3A_198, %add3A_212 : vector<16xf32>
        %add3A_214 = arith.constant 0.693127275 : f32
        %add3A_215 = vector.broadcast %add3A_214 : f32 to vector<16xf32>
        %add3A_216 = arith.addf %add3A_215, %mul3A_213 : vector<16xf32>
        %mul3A_217 = arith.mulf %sub3A_198, %add3A_216 : vector<16xf32>
        %add3A_218 = arith.constant 0.999948263 : f32
        %add3A_219 = vector.broadcast %add3A_218 : f32 to vector<16xf32>
        %add3A_220 = arith.addf %add3A_219, %mul3A_217 : vector<16xf32>
        %mul3A_221 = arith.mulf %bitcast_convert_type3A_206, %add3A_220 : vector<16xf32>
        %add3A_222 = arith.constant 1.000000e+00 : f32
        %add3A_223 = vector.broadcast %add3A_222 : f32 to vector<16xf32>
        %add3A_224 = arith.addf %add3A_223, %mul3A_221 : vector<16xf32>
        %mul3A_225 = arith.mulf %scan3A_105#2, %add3A_224 : vector<16xf32>
        %get3A_226 = arith.index_cast %scan3A_99 : i32 to index
        %get3A_227 = arith.constant 944 : index
        %get3A_228 = tpu.vector_load %arg5[%get3A_226, %get3A_227] {strides = array<i32>} : memref<16x1000xf32, #tpu.memory_space<vmem>>, vector<1x16xf32>,
        %get3A_229 = vector.shape_cast %get3A_228 : vector<1x16xf32> to vector<16xf32>
        %mul3A_230 = arith.constant 1.44269502 : f32
        %mul3A_231 = vector.broadcast %mul3A_230 : f32 to vector<16xf32>
        %mul3A_232 = arith.mulf %get3A_229, %mul3A_231 : vector<16xf32>
        %add3A_233 = arith.constant 0x4B400000 : f32
        %add3A_234 = vector.broadcast %add3A_233 : f32 to vector<16xf32>
        %add3A_235 = arith.addf %mul3A_232, %add3A_234 : vector<16xf32>
        %sub3A_236 = arith.constant 0x4B400000 : f32
        %sub3A_237 = vector.broadcast %sub3A_236 : f32 to vector<16xf32>
        %sub3A_238 = arith.subf %add3A_235, %sub3A_237 : vector<16xf32>
        %sub3A_239 = arith.subf %mul3A_232, %sub3A_238 : vector<16xf32>
        %bitcast_convert_type3A_240 = tpu.bitcast %add3A_235 : vector<16xf32> -> vector<16xi32>
        %add3A_241 = arith.constant 127 : i32
        %add3A_242 = vector.broadcast %add3A_241 : i32 to vector<16xi32>
        %add3A_243 = arith.addi %bitcast_convert_type3A_240, %add3A_242 : vector<16xi32>
        %shift_left3A_244 = arith.constant 23 : i32
        %shift_left3A_245 = vector.broadcast %shift_left3A_244 : i32 to vector<16xi32>
        %shift_left3A_246 = arith.shli %add3A_243, %shift_left3A_245 : vector<16xi32>
        %bitcast_convert_type3A_247 = tpu.bitcast %shift_left3A_246 : vector<16xi32> -> vector<16xf32>
        %mul3A_248 = arith.constant 0.0558755361 : f32
        %mul3A_249 = vector.broadcast %mul3A_248 : f32 to vector<16xf32>
        %mul3A_250 = arith.mulf %sub3A_239, %mul3A_249 : vector<16xf32>
        %add3A_251 = arith.constant 0.242294624 : f32
        %add3A_252 = vector.broadcast %add3A_251 : f32 to vector<16xf32>
        %add3A_253 = arith.addf %add3A_252, %mul3A_250 : vector<16xf32>
        %mul3A_254 = arith.mulf %sub3A_239, %add3A_253 : vector<16xf32>
        %add3A_255 = arith.constant 0.693127275 : f32
        %add3A_256 = vector.broadcast %add3A_255 : f32 to vector<16xf32>
        %add3A_257 = arith.addf %add3A_256, %mul3A_254 : vector<16xf32>
        %mul3A_258 = arith.mulf %sub3A_239, %add3A_257 : vector<16xf32>
        %add3A_259 = arith.constant 0.999948263 : f32
        %add3A_260 = vector.broadcast %add3A_259 : f32 to vector<16xf32>
        %add3A_261 = arith.addf %add3A_260, %mul3A_258 : vector<16xf32>
        %mul3A_262 = arith.mulf %bitcast_convert_type3A_247, %add3A_261 : vector<16xf32>
        %add3A_263 = arith.constant 1.000000e+00 : f32
        %add3A_264 = vector.broadcast %add3A_263 : f32 to vector<16xf32>
        %add3A_265 = arith.addf %add3A_264, %mul3A_262 : vector<16xf32>
        %mul3A_266 = arith.mulf %scan3A_105#3, %add3A_265 : vector<16xf32>
        %get3A_267 = arith.index_cast %scan3A_99 : i32 to index
        %get3A_268 = arith.constant 960 : index
        %get3A_269 = tpu.vector_load %arg5[%get3A_267, %get3A_268] {strides = array<i32>} : memref<16x1000xf32, #tpu.memory_space<vmem>>, vector<1x16xf32>,
        %get3A_270 = vector.shape_cast %get3A_269 : vector<1x16xf32> to vector<16xf32>
        %mul3A_271 = arith.constant 1.44269502 : f32
        %mul3A_272 = vector.broadcast %mul3A_271 : f32 to vector<16xf32>
        %mul3A_273 = arith.mulf %get3A_270, %mul3A_272 : vector<16xf32>
        %add3A_274 = arith.constant 0x4B400000 : f32
        %add3A_275 = vector.broadcast %add3A_274 : f32 to vector<16xf32>
        %add3A_276 = arith.addf %mul3A_273, %add3A_275 : vector<16xf32>
        %sub3A_277 = arith.constant 0x4B400000 : f32
        %sub3A_278 = vector.broadcast %sub3A_277 : f32 to vector<16xf32>
        %sub3A_279 = arith.subf %add3A_276, %sub3A_278 : vector<16xf32>
        %sub3A_280 = arith.subf %mul3A_273, %sub3A_279 : vector<16xf32>
        %bitcast_convert_type3A_281 = tpu.bitcast %add3A_276 : vector<16xf32> -> vector<16xi32>
        %add3A_282 = arith.constant 127 : i32
        %add3A_283 = vector.broadcast %add3A_282 : i32 to vector<16xi32>
        %add3A_284 = arith.addi %bitcast_convert_type3A_281, %add3A_283 : vector<16xi32>
        %shift_left3A_285 = arith.constant 23 : i32
        %shift_left3A_286 = vector.broadcast %shift_left3A_285 : i32 to vector<16xi32>
        %shift_left3A_287 = arith.shli %add3A_284, %shift_left3A_286 : vector<16xi32>
        %bitcast_convert_type3A_288 = tpu.bitcast %shift_left3A_287 : vector<16xi32> -> vector<16xf32>
        %mul3A_289 = arith.constant 0.0558755361 : f32
        %mul3A_290 = vector.broadcast %mul3A_289 : f32 to vector<16xf32>
        %mul3A_291 = arith.mulf %sub3A_280, %mul3A_290 : vector<16xf32>
        %add3A_292 = arith.constant 0.242294624 : f32
        %add3A_293 = vector.broadcast %add3A_292 : f32 to vector<16xf32>
        %add3A_294 = arith.addf %add3A_293, %mul3A_291 : vector<16xf32>
        %mul3A_295 = arith.mulf %sub3A_280, %add3A_294 : vector<16xf32>
        %add3A_296 = arith.constant 0.693127275 : f32
        %add3A_297 = vector.broadcast %add3A_296 : f32 to vector<16xf32>
        %add3A_298 = arith.addf %add3A_297, %mul3A_295 : vector<16xf32>
        %mul3A_299 = arith.mulf %sub3A_280, %add3A_298 : vector<16xf32>
        %add3A_300 = arith.constant 0.999948263 : f32
        %add3A_301 = vector.broadcast %add3A_300 : f32 to vector<16xf32>
        %add3A_302 = arith.addf %add3A_301, %mul3A_299 : vector<16xf32>
        %mul3A_303 = arith.mulf %bitcast_convert_type3A_288, %add3A_302 : vector<16xf32>
        %add3A_304 = arith.constant 1.000000e+00 : f32
        %add3A_305 = vector.broadcast %add3A_304 : f32 to vector<16xf32>
        %add3A_306 = arith.addf %add3A_305, %mul3A_303 : vector<16xf32>
        %mul3A_307 = arith.mulf %scan3A_105#4, %add3A_306 : vector<16xf32>
        %get3A_308 = arith.index_cast %scan3A_99 : i32 to index
        %get3A_309 = arith.constant 976 : index
        %get3A_310 = tpu.vector_load %arg5[%get3A_308, %get3A_309] {strides = array<i32>} : memref<16x1000xf32, #tpu.memory_space<vmem>>, vector<1x16xf32>,
        %get3A_311 = vector.shape_cast %get3A_310 : vector<1x16xf32> to vector<16xf32>
        %mul3A_312 = arith.constant 1.44269502 : f32
        %mul3A_313 = vector.broadcast %mul3A_312 : f32 to vector<16xf32>
        %mul3A_314 = arith.mulf %get3A_311, %mul3A_313 : vector<16xf32>
        %add3A_315 = arith.constant 0x4B400000 : f32
        %add3A_316 = vector.broadcast %add3A_315 : f32 to vector<16xf32>
        %add3A_317 = arith.addf %mul3A_314, %add3A_316 : vector<16xf32>
        %sub3A_318 = arith.constant 0x4B400000 : f32
        %sub3A_319 = vector.broadcast %sub3A_318 : f32 to vector<16xf32>
        %sub3A_320 = arith.subf %add3A_317, %sub3A_319 : vector<16xf32>
        %sub3A_321 = arith.subf %mul3A_314, %sub3A_320 : vector<16xf32>
        %bitcast_convert_type3A_322 = tpu.bitcast %add3A_317 : vector<16xf32> -> vector<16xi32>
        %add3A_323 = arith.constant 127 : i32
        %add3A_324 = vector.broadcast %add3A_323 : i32 to vector<16xi32>
        %add3A_325 = arith.addi %bitcast_convert_type3A_322, %add3A_324 : vector<16xi32>
        %shift_left3A_326 = arith.constant 23 : i32
        %shift_left3A_327 = vector.broadcast %shift_left3A_326 : i32 to vector<16xi32>
        %shift_left3A_328 = arith.shli %add3A_325, %shift_left3A_327 : vector<16xi32>
        %bitcast_convert_type3A_329 = tpu.bitcast %shift_left3A_328 : vector<16xi32> -> vector<16xf32>
        %mul3A_330 = arith.constant 0.0558755361 : f32
        %mul3A_331 = vector.broadcast %mul3A_330 : f32 to vector<16xf32>
        %mul3A_332 = arith.mulf %sub3A_321, %mul3A_331 : vector<16xf32>
        %add3A_333 = arith.constant 0.242294624 : f32
        %add3A_334 = vector.broadcast %add3A_333 : f32 to vector<16xf32>
        %add3A_335 = arith.addf %add3A_334, %mul3A_332 : vector<16xf32>
        %mul3A_336 = arith.mulf %sub3A_321, %add3A_335 : vector<16xf32>
        %add3A_337 = arith.constant 0.693127275 : f32
        %add3A_338 = vector.broadcast %add3A_337 : f32 to vector<16xf32>
        %add3A_339 = arith.addf %add3A_338, %mul3A_336 : vector<16xf32>
        %mul3A_340 = arith.mulf %sub3A_321, %add3A_339 : vector<16xf32>
        %add3A_341 = arith.constant 0.999948263 : f32
        %add3A_342 = vector.broadcast %add3A_341 : f32 to vector<16xf32>
        %add3A_343 = arith.addf %add3A_342, %mul3A_340 : vector<16xf32>
        %mul3A_344 = arith.mulf %bitcast_convert_type3A_329, %add3A_343 : vector<16xf32>
        %add3A_345 = arith.constant 1.000000e+00 : f32
        %add3A_346 = vector.broadcast %add3A_345 : f32 to vector<16xf32>
        %add3A_347 = arith.addf %add3A_346, %mul3A_344 : vector<16xf32>
        %mul3A_348 = arith.mulf %scan3A_105#5, %add3A_347 : vector<16xf32>
        %get3A_349 = arith.index_cast %scan3A_99 : i32 to index
        %get3A_350 = arith.constant 984 : index
        %get3A_351 = tpu.vector_load %arg5[%get3A_349, %get3A_350] {strides = array<i32>} : memref<16x1000xf32, #tpu.memory_space<vmem>>, vector<1x16xf32>,
        %get3A_352 = vector.shape_cast %get3A_351 : vector<1x16xf32> to vector<16xf32>
        %ge3A_353 = arith.constant 8 : i32
        %ge3A_354 = vector.broadcast %ge3A_353 : i32 to vector<16xi32>
        %ge3A_355 = arith.cmpi sge, %iota3A, %ge3A_354 : vector<16xi32>
        %mul3A_356 = arith.constant 1.44269502 : f32
        %mul3A_357 = vector.broadcast %mul3A_356 : f32 to vector<16xf32>
        %mul3A_358 = arith.mulf %get3A_352, %mul3A_357 : vector<16xf32>
        %add3A_359 = arith.constant 0x4B400000 : f32
        %add3A_360 = vector.broadcast %add3A_359 : f32 to vector<16xf32>
        %add3A_361 = arith.addf %mul3A_358, %add3A_360 : vector<16xf32>
        %sub3A_362 = arith.constant 0x4B400000 : f32
        %sub3A_363 = vector.broadcast %sub3A_362 : f32 to vector<16xf32>
        %sub3A_364 = arith.subf %add3A_361, %sub3A_363 : vector<16xf32>
        %sub3A_365 = arith.subf %mul3A_358, %sub3A_364 : vector<16xf32>
        %bitcast_convert_type3A_366 = tpu.bitcast %add3A_361 : vector<16xf32> -> vector<16xi32>
        %add3A_367 = arith.constant 127 : i32
        %add3A_368 = vector.broadcast %add3A_367 : i32 to vector<16xi32>
        %add3A_369 = arith.addi %bitcast_convert_type3A_366, %add3A_368 : vector<16xi32>
        %shift_left3A_370 = arith.constant 23 : i32
        %shift_left3A_371 = vector.broadcast %shift_left3A_370 : i32 to vector<16xi32>
        %shift_left3A_372 = arith.shli %add3A_369, %shift_left3A_371 : vector<16xi32>
        %bitcast_convert_type3A_373 = tpu.bitcast %shift_left3A_372 : vector<16xi32> -> vector<16xf32>
        %mul3A_374 = arith.constant 0.0558755361 : f32
        %mul3A_375 = vector.broadcast %mul3A_374 : f32 to vector<16xf32>
        %mul3A_376 = arith.mulf %sub3A_365, %mul3A_375 : vector<16xf32>
        %add3A_377 = arith.constant 0.242294624 : f32
        %add3A_378 = vector.broadcast %add3A_377 : f32 to vector<16xf32>
        %add3A_379 = arith.addf %add3A_378, %mul3A_376 : vector<16xf32>
        %mul3A_380 = arith.mulf %sub3A_365, %add3A_379 : vector<16xf32>
        %add3A_381 = arith.constant 0.693127275 : f32
        %add3A_382 = vector.broadcast %add3A_381 : f32 to vector<16xf32>
        %add3A_383 = arith.addf %add3A_382, %mul3A_380 : vector<16xf32>
        %mul3A_384 = arith.mulf %sub3A_365, %add3A_383 : vector<16xf32>
        %add3A_385 = arith.constant 0.999948263 : f32
        %add3A_386 = vector.broadcast %add3A_385 : f32 to vector<16xf32>
        %add3A_387 = arith.addf %add3A_386, %mul3A_384 : vector<16xf32>
        %mul3A_388 = arith.mulf %bitcast_convert_type3A_373, %add3A_387 : vector<16xf32>
        %add3A_389 = arith.constant 1.000000e+00 : f32
        %add3A_390 = vector.broadcast %add3A_389 : f32 to vector<16xf32>
        %add3A_391 = arith.addf %add3A_390, %mul3A_388 : vector<16xf32>
        %jit3A = arith.constant 1.000000e+00 : f32
        %broadcast_in_dim3A_392 = vector.broadcast %jit3A : f32 to vector<16xf32>
        %select_n3A = arith.select %ge3A_355, %add3A_391, %broadcast_in_dim3A_392 : vector<16xi1>, vector<16xf32>
        %mul3A_393 = arith.mulf %scan3A_105#6, %select_n3A : vector<16xf32>
        %mul3A_394 = arith.mulf %mul3A_143, %mul3A_184 : vector<16xf32>
        %mul3A_395 = arith.mulf %mul3A_225, %mul3A_266 : vector<16xf32>
        %mul3A_396 = arith.mulf %mul3A_307, %mul3A_348 : vector<16xf32>
        %mul3A_397 = arith.mulf %mul3A_393, %scan3A_105#7 : vector<16xf32>
        %mul3A_398 = arith.mulf %mul3A_394, %mul3A_395 : vector<16xf32>
        %mul3A_399 = arith.mulf %mul3A_396, %mul3A_397 : vector<16xf32>
        %mul3A_400 = arith.mulf %mul3A_398, %mul3A_399 : vector<16xf32>
        %div3A = arith.constant 1.000000e+00 : f32
        %div3A_401 = vector.broadcast %div3A : f32 to vector<16xf32>
        %div3A_402 = arith.divf %div3A_401, %mul3A_400 : vector<16xf32>
        %xor3A = arith.constant 1 : i32
        %xor3A_403 = vector.broadcast %xor3A : i32 to vector<16xi32>
        %xor3A_404 = arith.xori %iota3A, %xor3A_403 : vector<16xi32>
        %lt3A_405 = arith.constant 0 : i32
        %lt3A_406 = vector.broadcast %lt3A_405 : i32 to vector<16xi32>
        %lt3A_407 = arith.cmpi slt, %xor3A_404, %lt3A_406 : vector<16xi32>
        %add3A_408 = arith.constant 16 : i32
        %add3A_409 = vector.broadcast %add3A_408 : i32 to vector<16xi32>
        %add3A_410 = arith.addi %xor3A_404, %add3A_409 : vector<16xi32>
        %select_n3A_411 = arith.select %lt3A_407, %add3A_410, %xor3A_404 : vector<16xi1>, vector<16xi32>
        %broadcast_in_dim3A_412 = vector.shape_cast %select_n3A_411 : vector<16xi32> to vector<16x1xi32>
        %gather3A = vector.shape_cast %broadcast_in_dim3A_412 : vector<16x1xi32> to vector<16xi32>
        %gather3A_413 = tpu.dynamic_gather %div3A_402[%gather3A] in [0] : vector<16xf32>, vector<16xi32> -> vector<16xf32>
        %mul3A_414 = arith.mulf %div3A_402, %gather3A_413 : vector<16xf32>
        %xor3A_415 = arith.constant 2 : i32
        %xor3A_416 = vector.broadcast %xor3A_415 : i32 to vector<16xi32>
        %xor3A_417 = arith.xori %iota3A, %xor3A_416 : vector<16xi32>
        %lt3A_418 = arith.constant 0 : i32
        %lt3A_419 = vector.broadcast %lt3A_418 : i32 to vector<16xi32>
        %lt3A_420 = arith.cmpi slt, %xor3A_417, %lt3A_419 : vector<16xi32>
        %add3A_421 = arith.constant 16 : i32
        %add3A_422 = vector.broadcast %add3A_421 : i32 to vector<16xi32>
        %add3A_423 = arith.addi %xor3A_417, %add3A_422 : vector<16xi32>
        %select_n3A_424 = arith.select %lt3A_420, %add3A_423, %xor3A_417 : vector<16xi1>, vector<16xi32>
        %broadcast_in_dim3A_425 = vector.shape_cast %select_n3A_424 : vector<16xi32> to vector<16x1xi32>
        %gather3A_426 = vector.shape_cast %broadcast_in_dim3A_425 : vector<16x1xi32> to vector<16xi32>
        %gather3A_427 = tpu.dynamic_gather %mul3A_414[%gather3A_426] in [0] : vector<16xf32>, vector<16xi32> -> vector<16xf32>
        %mul3A_428 = arith.mulf %mul3A_414, %gather3A_427 : vector<16xf32>
        %xor3A_429 = arith.constant 4 : i32
        %xor3A_430 = vector.broadcast %xor3A_429 : i32 to vector<16xi32>
        %xor3A_431 = arith.xori %iota3A, %xor3A_430 : vector<16xi32>
        %lt3A_432 = arith.constant 0 : i32
        %lt3A_433 = vector.broadcast %lt3A_432 : i32 to vector<16xi32>
        %lt3A_434 = arith.cmpi slt, %xor3A_431, %lt3A_433 : vector<16xi32>
        %add3A_435 = arith.constant 16 : i32
        %add3A_436 = vector.broadcast %add3A_435 : i32 to vector<16xi32>
        %add3A_437 = arith.addi %xor3A_431, %add3A_436 : vector<16xi32>
        %select_n3A_438 = arith.select %lt3A_434, %add3A_437, %xor3A_431 : vector<16xi1>, vector<16xi32>
        %broadcast_in_dim3A_439 = vector.shape_cast %select_n3A_438 : vector<16xi32> to vector<16x1xi32>
        %gather3A_440 = vector.shape_cast %broadcast_in_dim3A_439 : vector<16x1xi32> to vector<16xi32>
        %gather3A_441 = tpu.dynamic_gather %mul3A_428[%gather3A_440] in [0] : vector<16xf32>, vector<16xi32> -> vector<16xf32>
        %mul3A_442 = arith.mulf %mul3A_428, %gather3A_441 : vector<16xf32>
        %xor3A_443 = arith.constant 8 : i32
        %xor3A_444 = vector.broadcast %xor3A_443 : i32 to vector<16xi32>
        %xor3A_445 = arith.xori %iota3A, %xor3A_444 : vector<16xi32>
        %lt3A_446 = arith.constant 0 : i32
        %lt3A_447 = vector.broadcast %lt3A_446 : i32 to vector<16xi32>
        %lt3A_448 = arith.cmpi slt, %xor3A_445, %lt3A_447 : vector<16xi32>
        %add3A_449 = arith.constant 16 : i32
        %add3A_450 = vector.broadcast %add3A_449 : i32 to vector<16xi32>
        %add3A_451 = arith.addi %xor3A_445, %add3A_450 : vector<16xi32>
        %select_n3A_452 = arith.select %lt3A_448, %add3A_451, %xor3A_445 : vector<16xi1>, vector<16xi32>
        %broadcast_in_dim3A_453 = vector.shape_cast %select_n3A_452 : vector<16xi32> to vector<16x1xi32>
        %gather3A_454 = vector.shape_cast %broadcast_in_dim3A_453 : vector<16x1xi32> to vector<16xi32>
        %gather3A_455 = tpu.dynamic_gather %mul3A_442[%gather3A_454] in [0] : vector<16xf32>, vector<16xi32> -> vector<16xf32>
        %mul3A_456 = arith.mulf %mul3A_442, %gather3A_455 : vector<16xf32>
        %get3A_457 = arith.index_cast %scan3A_99 : i32 to index
        %get3A_458 = arith.constant 0 : index
        %get3A_459 = tpu.vector_load %arg5[%get3A_457, %get3A_458] {strides = array<i32>} : memref<16x1000xf32, #tpu.memory_space<vmem>>, vector<1x16xf32>,
        %get3A_460 = vector.shape_cast %get3A_459 : vector<1x16xf32> to vector<16xf32>
        %sub3A_461 = arith.constant 1 : i32
        %sub3A_462 = vector.broadcast %sub3A_461 : i32 to vector<16xi32>
        %sub3A_463 = arith.subi %iota3A, %sub3A_462 : vector<16xi32>
        %max3A = arith.constant 0 : i32
        %max3A_464 = vector.broadcast %max3A : i32 to vector<16xi32>
        %max3A_465 = arith.maxsi %sub3A_463, %max3A_464 : vector<16xi32>
        %lt3A_466 = arith.constant 0 : i32
        %lt3A_467 = vector.broadcast %lt3A_466 : i32 to vector<16xi32>
        %lt3A_468 = arith.cmpi slt, %max3A_465, %lt3A_467 : vector<16xi32>
        %add3A_469 = arith.constant 16 : i32
        %add3A_470 = vector.broadcast %add3A_469 : i32 to vector<16xi32>
        %add3A_471 = arith.addi %max3A_465, %add3A_470 : vector<16xi32>
        %select_n3A_472 = arith.select %lt3A_468, %add3A_471, %max3A_465 : vector<16xi1>, vector<16xi32>
        %broadcast_in_dim3A_473 = vector.shape_cast %select_n3A_472 : vector<16xi32> to vector<16x1xi32>
        %gather3A_474 = vector.shape_cast %broadcast_in_dim3A_473 : vector<16x1xi32> to vector<16xi32>
        %gather3A_475 = tpu.dynamic_gather %get3A_460[%gather3A_474] in [0] : vector<16xf32>, vector<16xi32> -> vector<16xf32>
        %eq3A = arith.constant 0 : i32
        %eq3A_476 = vector.broadcast %eq3A : i32 to vector<16xi32>
        %eq3A_477 = arith.cmpi eq, %iota3A, %eq3A_476 : vector<16xi32>
        %select_n3A_478 = arith.select %eq3A_477, %mul3A_456, %gather3A_475 : vector<16xi1>, vector<16xf32>
        %eq3A_479 = arith.constant 5 : i32
        %eq3A_480 = vector.broadcast %eq3A_479 : i32 to vector<16xi32>
        %eq3A_481 = arith.cmpi eq, %iota3A, %eq3A_480 : vector<16xi32>
        %eq3A_482 = arith.constant 10 : i32
        %eq3A_483 = vector.broadcast %eq3A_482 : i32 to vector<16xi32>
        %eq3A_484 = arith.cmpi eq, %iota3A, %eq3A_483 : vector<16xi32>
        %or3A = arith.ori %eq3A_481, %eq3A_484 : vector<16xi1>
        %jit3A_485 = arith.constant 0.000000e+00 : f32
        %broadcast_in_dim3A_486 = vector.broadcast %jit3A_485 : f32 to vector<16xf32>
        %select_n3A_487 = arith.select %or3A, %broadcast_in_dim3A_486, %select_n3A_478 : vector<16xi1>, vector<16xf32>
        %swap3A = arith.index_cast %scan3A_99 : i32 to index
        %swap3A_488 = arith.constant 0 : index
        %swap3A_489 = tpu.vector_load %arg7[%swap3A, %swap3A_488] {strides = array<i32>} : memref<16x128xf32, #tpu.memory_space<vmem>>, vector<1x16xf32>,
        %swap3A_490 = vector.shape_cast %swap3A_489 : vector<1x16xf32> to vector<16xf32>
        %swap3A_491 = vector.shape_cast %select_n3A_487 : vector<16xf32> to vector<1x16xf32>
        tpu.vector_store %arg7[%swap3A, %swap3A_488], %swap3A_491 {strides = array<i32>} : memref<16x128xf32, #tpu.memory_space<vmem>>, vector<1x16xf32>,
        %get3A_492 = arith.index_cast %scan3A_99 : i32 to index
        %get3A_493 = arith.constant 15 : index
        %get3A_494 = tpu.vector_load %arg5[%get3A_492, %get3A_493] {strides = array<i32>} : memref<16x1000xf32, #tpu.memory_space<vmem>>, vector<1x16xf32>,
        %get3A_495 = vector.shape_cast %get3A_494 : vector<1x16xf32> to vector<16xf32>
        %swap3A_496 = arith.index_cast %scan3A_99 : i32 to index
        %swap3A_497 = arith.constant 16 : index
        %swap3A_498 = tpu.vector_load %arg7[%swap3A_496, %swap3A_497] {strides = array<i32>} : memref<16x128xf32, #tpu.memory_space<vmem>>, vector<1x16xf32>,
        %swap3A_499 = vector.shape_cast %swap3A_498 : vector<1x16xf32> to vector<16xf32>
        %swap3A_500 = vector.shape_cast %get3A_495 : vector<16xf32> to vector<1x16xf32>
        tpu.vector_store %arg7[%swap3A_496, %swap3A_497], %swap3A_500 {strides = array<i32>} : memref<16x128xf32, #tpu.memory_space<vmem>>, vector<1x16xf32>,
        %get3A_501 = arith.index_cast %scan3A_99 : i32 to index
        %get3A_502 = arith.constant 31 : index
        %get3A_503 = tpu.vector_load %arg5[%get3A_501, %get3A_502] {strides = array<i32>} : memref<16x1000xf32, #tpu.memory_space<vmem>>, vector<1x16xf32>,
        %get3A_504 = vector.shape_cast %get3A_503 : vector<1x16xf32> to vector<16xf32>
        %swap3A_505 = arith.index_cast %scan3A_99 : i32 to index
        %swap3A_506 = arith.constant 32 : index
        %swap3A_507 = tpu.vector_load %arg7[%swap3A_505, %swap3A_506] {strides = array<i32>} : memref<16x128xf32, #tpu.memory_space<vmem>>, vector<1x16xf32>,
        %swap3A_508 = vector.shape_cast %swap3A_507 : vector<1x16xf32> to vector<16xf32>
        %swap3A_509 = vector.shape_cast %get3A_504 : vector<16xf32> to vector<1x16xf32>
        tpu.vector_store %arg7[%swap3A_505, %swap3A_506], %swap3A_509 {strides = array<i32>} : memref<16x128xf32, #tpu.memory_space<vmem>>, vector<1x16xf32>,
        %get3A_510 = arith.index_cast %scan3A_99 : i32 to index
        %get3A_511 = arith.constant 47 : index
        %get3A_512 = tpu.vector_load %arg5[%get3A_510, %get3A_511] {strides = array<i32>} : memref<16x1000xf32, #tpu.memory_space<vmem>>, vector<1x16xf32>,
        %get3A_513 = vector.shape_cast %get3A_512 : vector<1x16xf32> to vector<16xf32>
        %swap3A_514 = arith.index_cast %scan3A_99 : i32 to index
        %swap3A_515 = arith.constant 48 : index
        %swap3A_516 = tpu.vector_load %arg7[%swap3A_514, %swap3A_515] {strides = array<i32>} : memref<16x128xf32, #tpu.memory_space<vmem>>, vector<1x16xf32>,
        %swap3A_517 = vector.shape_cast %swap3A_516 : vector<1x16xf32> to vector<16xf32>
        %swap3A_518 = vector.shape_cast %get3A_513 : vector<16xf32> to vector<1x16xf32>
        tpu.vector_store %arg7[%swap3A_514, %swap3A_515], %swap3A_518 {strides = array<i32>} : memref<16x128xf32, #tpu.memory_space<vmem>>, vector<1x16xf32>,
        %get3A_519 = arith.index_cast %scan3A_99 : i32 to index
        %get3A_520 = arith.constant 63 : index
        %get3A_521 = tpu.vector_load %arg5[%get3A_519, %get3A_520] {strides = array<i32>} : memref<16x1000xf32, #tpu.memory_space<vmem>>, vector<1x16xf32>,
        %get3A_522 = vector.shape_cast %get3A_521 : vector<1x16xf32> to vector<16xf32>
        %swap3A_523 = arith.index_cast %scan3A_99 : i32 to index
        %swap3A_524 = arith.constant 64 : index
        %swap3A_525 = tpu.vector_load %arg7[%swap3A_523, %swap3A_524] {strides = array<i32>} : memref<16x128xf32, #tpu.memory_space<vmem>>, vector<1x16xf32>,
        %swap3A_526 = vector.shape_cast %swap3A_525 : vector<1x16xf32> to vector<16xf32>
        %swap3A_527 = vector.shape_cast %get3A_522 : vector<16xf32> to vector<1x16xf32>
        tpu.vector_store %arg7[%swap3A_523, %swap3A_524], %swap3A_527 {strides = array<i32>} : memref<16x128xf32, #tpu.memory_space<vmem>>, vector<1x16xf32>,
        %get3A_528 = arith.index_cast %scan3A_99 : i32 to index
        %get3A_529 = arith.constant 79 : index
        %get3A_530 = tpu.vector_load %arg5[%get3A_528, %get3A_529] {strides = array<i32>} : memref<16x1000xf32, #tpu.memory_space<vmem>>, vector<1x16xf32>,
        %get3A_531 = vector.shape_cast %get3A_530 : vector<1x16xf32> to vector<16xf32>
        %swap3A_532 = arith.index_cast %scan3A_99 : i32 to index
        %swap3A_533 = arith.constant 80 : index
        %swap3A_534 = tpu.vector_load %arg7[%swap3A_532, %swap3A_533] {strides = array<i32>} : memref<16x128xf32, #tpu.memory_space<vmem>>, vector<1x16xf32>,
        %swap3A_535 = vector.shape_cast %swap3A_534 : vector<1x16xf32> to vector<16xf32>
        %swap3A_536 = vector.shape_cast %get3A_531 : vector<16xf32> to vector<1x16xf32>
        tpu.vector_store %arg7[%swap3A_532, %swap3A_533], %swap3A_536 {strides = array<i32>} : memref<16x128xf32, #tpu.memory_space<vmem>>, vector<1x16xf32>,
        %get3A_537 = arith.index_cast %scan3A_99 : i32 to index
        %get3A_538 = arith.constant 95 : index
        %get3A_539 = tpu.vector_load %arg5[%get3A_537, %get3A_538] {strides = array<i32>} : memref<16x1000xf32, #tpu.memory_space<vmem>>, vector<1x16xf32>,
        %get3A_540 = vector.shape_cast %get3A_539 : vector<1x16xf32> to vector<16xf32>
        %swap3A_541 = arith.index_cast %scan3A_99 : i32 to index
        %swap3A_542 = arith.constant 96 : index
        %swap3A_543 = tpu.vector_load %arg7[%swap3A_541, %swap3A_542] {strides = array<i32>} : memref<16x128xf32, #tpu.memory_space<vmem>>, vector<1x16xf32>,
        %swap3A_544 = vector.shape_cast %swap3A_543 : vector<1x16xf32> to vector<16xf32>
        %swap3A_545 = vector.shape_cast %get3A_540 : vector<16xf32> to vector<1x16xf32>
        tpu.vector_store %arg7[%swap3A_541, %swap3A_542], %swap3A_545 {strides = array<i32>} : memref<16x128xf32, #tpu.memory_space<vmem>>, vector<1x16xf32>,
        %get3A_546 = arith.index_cast %scan3A_99 : i32 to index
        %get3A_547 = arith.constant 111 : index
        %get3A_548 = tpu.vector_load %arg5[%get3A_546, %get3A_547] {strides = array<i32>} : memref<16x1000xf32, #tpu.memory_space<vmem>>, vector<1x16xf32>,
        %get3A_549 = vector.shape_cast %get3A_548 : vector<1x16xf32> to vector<16xf32>
        %swap3A_550 = arith.index_cast %scan3A_99 : i32 to index
        %swap3A_551 = arith.constant 112 : index
        %swap3A_552 = tpu.vector_load %arg7[%swap3A_550, %swap3A_551] {strides = array<i32>} : memref<16x128xf32, #tpu.memory_space<vmem>>, vector<1x16xf32>,
        %swap3A_553 = vector.shape_cast %swap3A_552 : vector<1x16xf32> to vector<16xf32>
        %swap3A_554 = vector.shape_cast %get3A_549 : vector<16xf32> to vector<1x16xf32>
        tpu.vector_store %arg7[%swap3A_550, %swap3A_551], %swap3A_554 {strides = array<i32>} : memref<16x128xf32, #tpu.memory_space<vmem>>, vector<1x16xf32>,
      }
      %scan3A_84 = arith.constant 16 : i32
      %add3A_85 = arith.constant 2 : i32
      %add3A_86 = arith.addi %add3A_66, %add3A_85 : i32
      %lt3A_87 = arith.constant 4 : i32
      %lt3A_88 = arith.cmpi slt, %add3A_86, %lt3A_87 : i32
      %convert_element_type3A_89 = arith.extui %lt3A_88 : i1 to i32
      %cond3A_90 = arith.constant 0 : i32
      %cond3A_91 = arith.cmpi ne, %convert_element_type3A_89, %cond3A_90 : i32
      scf.if %cond3A_91 {
        %add3A_99 = arith.constant 2 : i32
        %add3A_100 = arith.addi %add3A_66, %add3A_99 : i32
        %mul3A_101 = arith.constant 16 : i32
        %mul3A_102 = arith.muli %add3A_100, %mul3A_101 : i32
        %add3A_103 = arith.addi %mul3A_2, %mul3A_102 : i32
        %dma_start3A_104 = arith.constant 0 : i32
        %dma_start3A_105 = tpu.memref_slice %arg2[%add3A_103, %dma_start3A_104] : memref<16384x1000xf32, #tpu.memory_space<hbm>> -> memref<16x1000xf32, #tpu.memory_space<hbm>>
        %dma_start3A_106 = arith.constant 0 : i32
        %dma_start3A_107 = tpu.memref_slice %arg2[%add3A_103, %dma_start3A_106] : memref<16384x1000xf32, #tpu.memory_space<hbm>> -> memref<16x1000xf32, #tpu.memory_space<hbm>>
        tpu.enqueue_dma source(%dma_start3A_107 : memref<16x1000xf32, #tpu.memory_space<hbm>>) target(%arg5 : memref<16x1000xf32, #tpu.memory_space<vmem>>) target_semaphore(%arg9 : memref<!tpu.dma_semaphore, #tpu.memory_space<semaphore_mem>>)
      } else {
      }
      %mul3A_92 = arith.constant 16 : i32
      %mul3A_93 = arith.muli %add3A_66, %mul3A_92 : i32
      %add3A_94 = arith.addi %mul3A_2, %mul3A_93 : i32
      %dma_start3A_95 = arith.constant 0 : i32
      %dma_start3A_96 = tpu.memref_slice %arg3[%add3A_94, %dma_start3A_95] : memref<2048x128xf32, #tpu.memory_space<hbm>> -> memref<16x128xf32, #tpu.memory_space<hbm>>
      %dma_start3A_97 = arith.constant 0 : i32
      %dma_start3A_98 = tpu.memref_slice %arg3[%add3A_94, %dma_start3A_97] : memref<2048x128xf32, #tpu.memory_space<hbm>> -> memref<16x128xf32, #tpu.memory_space<hbm>>
      tpu.enqueue_dma source(%arg7 : memref<16x128xf32, #tpu.memory_space<vmem>>) target(%dma_start3A_98 : memref<16x128xf32, #tpu.memory_space<hbm>>) target_semaphore(%arg11 : memref<!tpu.dma_semaphore, #tpu.memory_space<semaphore_mem>>)
    }
    %scan3A_18 = arith.constant 2 : i32
    %add3A_19 = arith.constant 32 : i32
    %add3A_20 = arith.addi %mul3A_2, %add3A_19 : i32
    %dma_wait3A = arith.constant 0 : i32
    %dma_wait3A_21 = tpu.memref_slice %arg3[%add3A_20, %dma_wait3A] : memref<2048x128xf32, #tpu.memory_space<hbm>> -> memref<16x128xf32, #tpu.memory_space<hbm>>
    %dma_wait3A_22 = arith.constant 0 : i32
    %dma_wait3A_23 = tpu.memref_slice %arg3[%add3A_20, %dma_wait3A_22] : memref<2048x128xf32, #tpu.memory_space<hbm>> -> memref<16x128xf32, #tpu.memory_space<hbm>>
    tpu.wait_dma2 semaphore(%arg10 : memref<!tpu.dma_semaphore, #tpu.memory_space<semaphore_mem>>) src(%arg6 : memref<16x128xf32, #tpu.memory_space<vmem>>) dst(%dma_wait3A_23 : memref<16x128xf32, #tpu.memory_space<hbm>>)
    %add3A_24 = arith.constant 48 : i32
    %add3A_25 = arith.addi %mul3A_2, %add3A_24 : i32
    %dma_wait3A_26 = arith.constant 0 : i32
    %dma_wait3A_27 = tpu.memref_slice %arg3[%add3A_25, %dma_wait3A_26] : memref<2048x128xf32, #tpu.memory_space<hbm>> -> memref<16x128xf32, #tpu.memory_space<hbm>>
    %dma_wait3A_28 = arith.constant 0 : i32
    %dma_wait3A_29 = tpu.memref_slice %arg3[%add3A_25, %dma_wait3A_28] : memref<2048x128xf32, #tpu.memory_space<hbm>> -> memref<16x128xf32, #tpu.memory_space<hbm>>
    tpu.wait_dma2 semaphore(%arg11 : memref<!tpu.dma_semaphore, #tpu.memory_space<semaphore_mem>>) src(%arg7 : memref<16x128xf32, #tpu.memory_space<vmem>>) dst(%dma_wait3A_29 : memref<16x128xf32, #tpu.memory_space<hbm>>)
    return
  }
}

module attributes {stable_mosaic.version = 14 : i64} {
  func.func @_tc_manual_body(%arg0: memref<16384x1000xf32, #tpu.memory_space<any>>, %arg1: memref<16384x128xf32, #tpu.memory_space<any>>, %arg2: memref<512x1000xf32, #tpu.memory_space<vmem>>, %arg3: memref<512x1000xf32, #tpu.memory_space<vmem>>, %arg4: memref<512x1000xf32, #tpu.memory_space<vmem>>, %arg5: memref<512x1000xf32, #tpu.memory_space<vmem>>, %arg6: memref<512x128xf32, #tpu.memory_space<vmem>>, %arg7: memref<512x128xf32, #tpu.memory_space<vmem>>, %arg8: memref<512x128xf32, #tpu.memory_space<vmem>>, %arg9: memref<512x128xf32, #tpu.memory_space<vmem>>, %arg10: memref<!tpu.dma_semaphore, #tpu.memory_space<semaphore_mem>>, %arg11: memref<!tpu.dma_semaphore, #tpu.memory_space<semaphore_mem>>, %arg12: memref<!tpu.dma_semaphore, #tpu.memory_space<semaphore_mem>>, %arg13: memref<!tpu.dma_semaphore, #tpu.memory_space<semaphore_mem>>, %arg14: memref<!tpu.dma_semaphore, #tpu.memory_space<semaphore_mem>>, %arg15: memref<!tpu.dma_semaphore, #tpu.memory_space<semaphore_mem>>, %arg16: memref<!tpu.dma_semaphore, #tpu.memory_space<semaphore_mem>>, %arg17: memref<!tpu.dma_semaphore, #tpu.memory_space<semaphore_mem>>) attributes {dimension_semantics = [], scalar_prefetch = 0 : i64, scratch_operands = 16 : i64, tpu.core_type = #tpu.core_type<tc>} {
    %dma_start3A = arith.constant 2048 : i32
    %dma_start3A_0 = arith.constant 0 : i32
    %dma_start3A_1 = tpu.memref_slice %arg0[%dma_start3A, %dma_start3A_0] : memref<16384x1000xf32, #tpu.memory_space<any>> -> memref<512x1000xf32, #tpu.memory_space<any>>
    tpu.enqueue_dma source(%dma_start3A_1 : memref<512x1000xf32, #tpu.memory_space<any>>) target(%arg2 : memref<512x1000xf32, #tpu.memory_space<vmem>>) target_semaphore(%arg10 : memref<!tpu.dma_semaphore, #tpu.memory_space<semaphore_mem>>)
    %dma_start3A_2 = arith.constant 2560 : i32
    %dma_start3A_3 = arith.constant 0 : i32
    %dma_start3A_4 = tpu.memref_slice %arg0[%dma_start3A_2, %dma_start3A_3] : memref<16384x1000xf32, #tpu.memory_space<any>> -> memref<512x1000xf32, #tpu.memory_space<any>>
    tpu.enqueue_dma source(%dma_start3A_4 : memref<512x1000xf32, #tpu.memory_space<any>>) target(%arg3 : memref<512x1000xf32, #tpu.memory_space<vmem>>) target_semaphore(%arg11 : memref<!tpu.dma_semaphore, #tpu.memory_space<semaphore_mem>>)
    %dma_start3A_5 = arith.constant 3072 : i32
    %dma_start3A_6 = arith.constant 0 : i32
    %dma_start3A_7 = tpu.memref_slice %arg0[%dma_start3A_5, %dma_start3A_6] : memref<16384x1000xf32, #tpu.memory_space<any>> -> memref<512x1000xf32, #tpu.memory_space<any>>
    tpu.enqueue_dma source(%dma_start3A_7 : memref<512x1000xf32, #tpu.memory_space<any>>) target(%arg4 : memref<512x1000xf32, #tpu.memory_space<vmem>>) target_semaphore(%arg12 : memref<!tpu.dma_semaphore, #tpu.memory_space<semaphore_mem>>)
    %dma_start3A_8 = arith.constant 3584 : i32
    %dma_start3A_9 = arith.constant 0 : i32
    %dma_start3A_10 = tpu.memref_slice %arg0[%dma_start3A_8, %dma_start3A_9] : memref<16384x1000xf32, #tpu.memory_space<any>> -> memref<512x1000xf32, #tpu.memory_space<any>>
    tpu.enqueue_dma source(%dma_start3A_10 : memref<512x1000xf32, #tpu.memory_space<any>>) target(%arg5 : memref<512x1000xf32, #tpu.memory_space<vmem>>) target_semaphore(%arg13 : memref<!tpu.dma_semaphore, #tpu.memory_space<semaphore_mem>>)
    %scan3A = arith.constant 0 : i32
    %scan3A_11 = arith.constant 7 : i32
    %scan3A_12 = arith.addi %scan3A, %scan3A_11 : i32
    %scan3A_13 = arith.constant 1 : i32
    scf.for %scan3A_26 = %scan3A to %scan3A_12 step %scan3A_13  : i32 {
      %mul3A = arith.constant 4 : i32
      %mul3A_27 = arith.muli %scan3A_26, %mul3A : i32
      %add3A = arith.constant 0 : i32
      %add3A_28 = arith.addi %mul3A_27, %add3A : i32
      %mul3A_29 = arith.constant 512 : i32
      %mul3A_30 = arith.muli %add3A_28, %mul3A_29 : i32
      %add3A_31 = arith.constant 2048 : i32
      %add3A_32 = arith.addi %add3A_31, %mul3A_30 : i32
      %dma_wait3A_33 = arith.constant 0 : i32
      %dma_wait3A_34 = tpu.memref_slice %arg0[%add3A_32, %dma_wait3A_33] : memref<16384x1000xf32, #tpu.memory_space<any>> -> memref<512x1000xf32, #tpu.memory_space<any>>
      tpu.wait_dma2 semaphore(%arg10 : memref<!tpu.dma_semaphore, #tpu.memory_space<semaphore_mem>>) src(%dma_wait3A_34 : memref<512x1000xf32, #tpu.memory_space<any>>) dst(%arg2 : memref<512x1000xf32, #tpu.memory_space<vmem>>)
      %ge3A = arith.constant 1 : i32
      %ge3A_35 = arith.cmpi sge, %scan3A_26, %ge3A : i32
      %convert_element_type3A = arith.extui %ge3A_35 : i1 to i32
      %cond3A = arith.constant 0 : i32
      %cond3A_36 = arith.cmpi ne, %convert_element_type3A, %cond3A : i32
      scf.if %cond3A_36 {
        %sub3A = arith.constant 4 : i32
        %sub3A_431 = arith.subi %add3A_28, %sub3A : i32
        %mul3A_432 = arith.constant 512 : i32
        %mul3A_433 = arith.muli %sub3A_431, %mul3A_432 : i32
        %add3A_434 = arith.constant 2048 : i32
        %add3A_435 = arith.addi %add3A_434, %mul3A_433 : i32
        %dma_wait3A_436 = arith.constant 0 : i32
        %dma_wait3A_437 = tpu.memref_slice %arg1[%add3A_435, %dma_wait3A_436] : memref<16384x128xf32, #tpu.memory_space<any>> -> memref<512x128xf32, #tpu.memory_space<any>>
        tpu.wait_dma2 semaphore(%arg14 : memref<!tpu.dma_semaphore, #tpu.memory_space<semaphore_mem>>) src(%arg6 : memref<512x128xf32, #tpu.memory_space<vmem>>) dst(%dma_wait3A_437 : memref<512x128xf32, #tpu.memory_space<any>>)
      } else {
      }
      %get3A = arith.constant 0 : index
      %get3A_37 = arith.constant 0 : index
      %get3A_38 = vector.load %arg2[%get3A, %get3A_37] : memref<512x1000xf32, #tpu.memory_space<vmem>>, vector<512x1000xf32>
      %slice3A = vector.extract_strided_slice %get3A_38 {offsets = [0, 0], sizes = [512, 128], strides = [1, 1]} : vector<512x1000xf32> to vector<512x128xf32>
      %exp3A = math.exp %slice3A : vector<512x128xf32>
      %add3A_39 = arith.constant 1.000000e+00 : f32
      %add3A_40 = vector.broadcast %add3A_39 : f32 to vector<512x128xf32>
      %add3A_41 = arith.addf %add3A_40, %exp3A : vector<512x128xf32>
      %slice3A_42 = vector.extract_strided_slice %get3A_38 {offsets = [0, 128], sizes = [512, 128], strides = [1, 1]} : vector<512x1000xf32> to vector<512x128xf32>
      %exp3A_43 = math.exp %slice3A_42 : vector<512x128xf32>
      %add3A_44 = arith.constant 1.000000e+00 : f32
      %add3A_45 = vector.broadcast %add3A_44 : f32 to vector<512x128xf32>
      %add3A_46 = arith.addf %add3A_45, %exp3A_43 : vector<512x128xf32>
      %mul3A_47 = arith.mulf %add3A_41, %add3A_46 : vector<512x128xf32>
      %slice3A_48 = vector.extract_strided_slice %get3A_38 {offsets = [0, 256], sizes = [512, 128], strides = [1, 1]} : vector<512x1000xf32> to vector<512x128xf32>
      %exp3A_49 = math.exp %slice3A_48 : vector<512x128xf32>
      %add3A_50 = arith.constant 1.000000e+00 : f32
      %add3A_51 = vector.broadcast %add3A_50 : f32 to vector<512x128xf32>
      %add3A_52 = arith.addf %add3A_51, %exp3A_49 : vector<512x128xf32>
      %mul3A_53 = arith.mulf %mul3A_47, %add3A_52 : vector<512x128xf32>
      %slice3A_54 = vector.extract_strided_slice %get3A_38 {offsets = [0, 384], sizes = [512, 128], strides = [1, 1]} : vector<512x1000xf32> to vector<512x128xf32>
      %exp3A_55 = math.exp %slice3A_54 : vector<512x128xf32>
      %add3A_56 = arith.constant 1.000000e+00 : f32
      %add3A_57 = vector.broadcast %add3A_56 : f32 to vector<512x128xf32>
      %add3A_58 = arith.addf %add3A_57, %exp3A_55 : vector<512x128xf32>
      %mul3A_59 = arith.mulf %mul3A_53, %add3A_58 : vector<512x128xf32>
      %slice3A_60 = vector.extract_strided_slice %get3A_38 {offsets = [0, 512], sizes = [512, 128], strides = [1, 1]} : vector<512x1000xf32> to vector<512x128xf32>
      %exp3A_61 = math.exp %slice3A_60 : vector<512x128xf32>
      %add3A_62 = arith.constant 1.000000e+00 : f32
      %add3A_63 = vector.broadcast %add3A_62 : f32 to vector<512x128xf32>
      %add3A_64 = arith.addf %add3A_63, %exp3A_61 : vector<512x128xf32>
      %mul3A_65 = arith.mulf %mul3A_59, %add3A_64 : vector<512x128xf32>
      %slice3A_66 = vector.extract_strided_slice %get3A_38 {offsets = [0, 640], sizes = [512, 128], strides = [1, 1]} : vector<512x1000xf32> to vector<512x128xf32>
      %exp3A_67 = math.exp %slice3A_66 : vector<512x128xf32>
      %add3A_68 = arith.constant 1.000000e+00 : f32
      %add3A_69 = vector.broadcast %add3A_68 : f32 to vector<512x128xf32>
      %add3A_70 = arith.addf %add3A_69, %exp3A_67 : vector<512x128xf32>
      %mul3A_71 = arith.mulf %mul3A_65, %add3A_70 : vector<512x128xf32>
      %slice3A_72 = vector.extract_strided_slice %get3A_38 {offsets = [0, 768], sizes = [512, 128], strides = [1, 1]} : vector<512x1000xf32> to vector<512x128xf32>
      %exp3A_73 = math.exp %slice3A_72 : vector<512x128xf32>
      %add3A_74 = arith.constant 1.000000e+00 : f32
      %add3A_75 = vector.broadcast %add3A_74 : f32 to vector<512x128xf32>
      %add3A_76 = arith.addf %add3A_75, %exp3A_73 : vector<512x128xf32>
      %mul3A_77 = arith.mulf %mul3A_71, %add3A_76 : vector<512x128xf32>
      %slice3A_78 = vector.extract_strided_slice %get3A_38 {offsets = [0, 896], sizes = [512, 104], strides = [1, 1]} : vector<512x1000xf32> to vector<512x104xf32>
      %exp3A_79 = math.exp %slice3A_78 : vector<512x104xf32>
      %add3A_80 = arith.constant 1.000000e+00 : f32
      %add3A_81 = vector.broadcast %add3A_80 : f32 to vector<512x104xf32>
      %add3A_82 = arith.addf %add3A_81, %exp3A_79 : vector<512x104xf32>
      %log3A = math.log %mul3A_77 : vector<512x128xf32>
      %reduce_sum3A = arith.constant dense<0.000000e+00> : vector<512xf32>
      %reduce_sum3A_83 = vector.multi_reduction <add>, %log3A, %reduce_sum3A [1] : vector<512x128xf32> to vector<512xf32>
      %broadcast_in_dim3A = vector.shape_cast %reduce_sum3A_83 : vector<512xf32> to vector<512x1xf32>
      %log3A_84 = math.log %add3A_82 : vector<512x104xf32>
      %reduce_sum3A_85 = arith.constant dense<0.000000e+00> : vector<512xf32>
      %reduce_sum3A_86 = vector.multi_reduction <add>, %log3A_84, %reduce_sum3A_85 [1] : vector<512x104xf32> to vector<512xf32>
      %broadcast_in_dim3A_87 = vector.shape_cast %reduce_sum3A_86 : vector<512xf32> to vector<512x1xf32>
      %add3A_88 = arith.addf %broadcast_in_dim3A, %broadcast_in_dim3A_87 : vector<512x1xf32>
      %neg3A = arith.constant 0.000000e+00 : f32
      %neg3A_89 = vector.broadcast %neg3A : f32 to vector<512x1xf32>
      %neg3A_90 = arith.subf %neg3A_89, %add3A_88 : vector<512x1xf32>
      %exp3A_91 = math.exp %neg3A_90 : vector<512x1xf32>
      %slice3A_92 = vector.extract_strided_slice %get3A_38 {offsets = [0, 0], sizes = [512, 127], strides = [1, 1]} : vector<512x1000xf32> to vector<512x127xf32>
      %concatenate3A = tpu.concatenate %exp3A_91, %slice3A_92 in 1 : vector<512x1xf32>, vector<512x127xf32> -> vector<512x128xf32>
      %iota3A = tpu.iota {dimensions = array<i32: 1>} : vector<512x128xi32>
      %eq3A = arith.constant 5 : i32
      %eq3A_93 = vector.broadcast %eq3A : i32 to vector<512x128xi32>
      %eq3A_94 = arith.cmpi eq, %iota3A, %eq3A_93 : vector<512x128xi32>
      %eq3A_95 = arith.constant 10 : i32
      %eq3A_96 = vector.broadcast %eq3A_95 : i32 to vector<512x128xi32>
      %eq3A_97 = arith.cmpi eq, %iota3A, %eq3A_96 : vector<512x128xi32>
      %or3A = arith.ori %eq3A_94, %eq3A_97 : vector<512x128xi1>
      %jit3A = arith.constant 0.000000e+00 : f32
      %broadcast_in_dim3A_98 = vector.broadcast %jit3A : f32 to vector<512x128xf32>
      %select_n3A = arith.select %or3A, %broadcast_in_dim3A_98, %concatenate3A : vector<512x128xi1>, vector<512x128xf32>
      %swap3A = arith.constant 0 : index
      %swap3A_99 = arith.constant 0 : index
      %swap3A_100 = vector.load %arg6[%swap3A, %swap3A_99] : memref<512x128xf32, #tpu.memory_space<vmem>>, vector<512x128xf32>
      tpu.vector_store %arg6[%swap3A, %swap3A_99], %select_n3A {strides = array<i32>} : memref<512x128xf32, #tpu.memory_space<vmem>>, vector<512x128xf32>,
      %add3A_101 = arith.constant 4 : i32
      %add3A_102 = arith.addi %add3A_28, %add3A_101 : i32
      %lt3A = arith.constant 28 : i32
      %lt3A_103 = arith.cmpi slt, %add3A_102, %lt3A : i32
      %convert_element_type3A_104 = arith.extui %lt3A_103 : i1 to i32
      %cond3A_105 = arith.constant 0 : i32
      %cond3A_106 = arith.cmpi ne, %convert_element_type3A_104, %cond3A_105 : i32
      scf.if %cond3A_106 {
        %add3A_431 = arith.constant 4 : i32
        %add3A_432 = arith.addi %add3A_28, %add3A_431 : i32
        %mul3A_433 = arith.constant 512 : i32
        %mul3A_434 = arith.muli %add3A_432, %mul3A_433 : i32
        %add3A_435 = arith.constant 2048 : i32
        %add3A_436 = arith.addi %add3A_435, %mul3A_434 : i32
        %dma_start3A_437 = arith.constant 0 : i32
        %dma_start3A_438 = tpu.memref_slice %arg0[%add3A_436, %dma_start3A_437] : memref<16384x1000xf32, #tpu.memory_space<any>> -> memref<512x1000xf32, #tpu.memory_space<any>>
        tpu.enqueue_dma source(%dma_start3A_438 : memref<512x1000xf32, #tpu.memory_space<any>>) target(%arg2 : memref<512x1000xf32, #tpu.memory_space<vmem>>) target_semaphore(%arg10 : memref<!tpu.dma_semaphore, #tpu.memory_space<semaphore_mem>>)
      } else {
      }
      %mul3A_107 = arith.constant 512 : i32
      %mul3A_108 = arith.muli %add3A_28, %mul3A_107 : i32
      %add3A_109 = arith.constant 2048 : i32
      %add3A_110 = arith.addi %add3A_109, %mul3A_108 : i32
      %dma_start3A_111 = arith.constant 0 : i32
      %dma_start3A_112 = tpu.memref_slice %arg1[%add3A_110, %dma_start3A_111] : memref<16384x128xf32, #tpu.memory_space<any>> -> memref<512x128xf32, #tpu.memory_space<any>>
      tpu.enqueue_dma source(%arg6 : memref<512x128xf32, #tpu.memory_space<vmem>>) target(%dma_start3A_112 : memref<512x128xf32, #tpu.memory_space<any>>) target_semaphore(%arg14 : memref<!tpu.dma_semaphore, #tpu.memory_space<semaphore_mem>>)
      %mul3A_113 = arith.constant 4 : i32
      %mul3A_114 = arith.muli %scan3A_26, %mul3A_113 : i32
      %add3A_115 = arith.constant 1 : i32
      %add3A_116 = arith.addi %mul3A_114, %add3A_115 : i32
      %mul3A_117 = arith.constant 512 : i32
      %mul3A_118 = arith.muli %add3A_116, %mul3A_117 : i32
      %add3A_119 = arith.constant 2048 : i32
      %add3A_120 = arith.addi %add3A_119, %mul3A_118 : i32
      %dma_wait3A_121 = arith.constant 0 : i32
      %dma_wait3A_122 = tpu.memref_slice %arg0[%add3A_120, %dma_wait3A_121] : memref<16384x1000xf32, #tpu.memory_space<any>> -> memref<512x1000xf32, #tpu.memory_space<any>>
      tpu.wait_dma2 semaphore(%arg11 : memref<!tpu.dma_semaphore, #tpu.memory_space<semaphore_mem>>) src(%dma_wait3A_122 : memref<512x1000xf32, #tpu.memory_space<any>>) dst(%arg3 : memref<512x1000xf32, #tpu.memory_space<vmem>>)
      %ge3A_123 = arith.constant 1 : i32
      %ge3A_124 = arith.cmpi sge, %scan3A_26, %ge3A_123 : i32
      %convert_element_type3A_125 = arith.extui %ge3A_124 : i1 to i32
      %cond3A_126 = arith.constant 0 : i32
      %cond3A_127 = arith.cmpi ne, %convert_element_type3A_125, %cond3A_126 : i32
      scf.if %cond3A_127 {
        %sub3A = arith.constant 4 : i32
        %sub3A_431 = arith.subi %add3A_116, %sub3A : i32
        %mul3A_432 = arith.constant 512 : i32
        %mul3A_433 = arith.muli %sub3A_431, %mul3A_432 : i32
        %add3A_434 = arith.constant 2048 : i32
        %add3A_435 = arith.addi %add3A_434, %mul3A_433 : i32
        %dma_wait3A_436 = arith.constant 0 : i32
        %dma_wait3A_437 = tpu.memref_slice %arg1[%add3A_435, %dma_wait3A_436] : memref<16384x128xf32, #tpu.memory_space<any>> -> memref<512x128xf32, #tpu.memory_space<any>>
        tpu.wait_dma2 semaphore(%arg15 : memref<!tpu.dma_semaphore, #tpu.memory_space<semaphore_mem>>) src(%arg7 : memref<512x128xf32, #tpu.memory_space<vmem>>) dst(%dma_wait3A_437 : memref<512x128xf32, #tpu.memory_space<any>>)
      } else {
      }
      %get3A_128 = arith.constant 0 : index
      %get3A_129 = arith.constant 0 : index
      %get3A_130 = vector.load %arg3[%get3A_128, %get3A_129] : memref<512x1000xf32, #tpu.memory_space<vmem>>, vector<512x1000xf32>
      %slice3A_131 = vector.extract_strided_slice %get3A_130 {offsets = [0, 0], sizes = [512, 128], strides = [1, 1]} : vector<512x1000xf32> to vector<512x128xf32>
      %exp3A_132 = math.exp %slice3A_131 : vector<512x128xf32>
      %add3A_133 = arith.constant 1.000000e+00 : f32
      %add3A_134 = vector.broadcast %add3A_133 : f32 to vector<512x128xf32>
      %add3A_135 = arith.addf %add3A_134, %exp3A_132 : vector<512x128xf32>
      %slice3A_136 = vector.extract_strided_slice %get3A_130 {offsets = [0, 128], sizes = [512, 128], strides = [1, 1]} : vector<512x1000xf32> to vector<512x128xf32>
      %exp3A_137 = math.exp %slice3A_136 : vector<512x128xf32>
      %add3A_138 = arith.constant 1.000000e+00 : f32
      %add3A_139 = vector.broadcast %add3A_138 : f32 to vector<512x128xf32>
      %add3A_140 = arith.addf %add3A_139, %exp3A_137 : vector<512x128xf32>
      %mul3A_141 = arith.mulf %add3A_135, %add3A_140 : vector<512x128xf32>
      %slice3A_142 = vector.extract_strided_slice %get3A_130 {offsets = [0, 256], sizes = [512, 128], strides = [1, 1]} : vector<512x1000xf32> to vector<512x128xf32>
      %exp3A_143 = math.exp %slice3A_142 : vector<512x128xf32>
      %add3A_144 = arith.constant 1.000000e+00 : f32
      %add3A_145 = vector.broadcast %add3A_144 : f32 to vector<512x128xf32>
      %add3A_146 = arith.addf %add3A_145, %exp3A_143 : vector<512x128xf32>
      %mul3A_147 = arith.mulf %mul3A_141, %add3A_146 : vector<512x128xf32>
      %slice3A_148 = vector.extract_strided_slice %get3A_130 {offsets = [0, 384], sizes = [512, 128], strides = [1, 1]} : vector<512x1000xf32> to vector<512x128xf32>
      %exp3A_149 = math.exp %slice3A_148 : vector<512x128xf32>
      %add3A_150 = arith.constant 1.000000e+00 : f32
      %add3A_151 = vector.broadcast %add3A_150 : f32 to vector<512x128xf32>
      %add3A_152 = arith.addf %add3A_151, %exp3A_149 : vector<512x128xf32>
      %mul3A_153 = arith.mulf %mul3A_147, %add3A_152 : vector<512x128xf32>
      %slice3A_154 = vector.extract_strided_slice %get3A_130 {offsets = [0, 512], sizes = [512, 128], strides = [1, 1]} : vector<512x1000xf32> to vector<512x128xf32>
      %exp3A_155 = math.exp %slice3A_154 : vector<512x128xf32>
      %add3A_156 = arith.constant 1.000000e+00 : f32
      %add3A_157 = vector.broadcast %add3A_156 : f32 to vector<512x128xf32>
      %add3A_158 = arith.addf %add3A_157, %exp3A_155 : vector<512x128xf32>
      %mul3A_159 = arith.mulf %mul3A_153, %add3A_158 : vector<512x128xf32>
      %slice3A_160 = vector.extract_strided_slice %get3A_130 {offsets = [0, 640], sizes = [512, 128], strides = [1, 1]} : vector<512x1000xf32> to vector<512x128xf32>
      %exp3A_161 = math.exp %slice3A_160 : vector<512x128xf32>
      %add3A_162 = arith.constant 1.000000e+00 : f32
      %add3A_163 = vector.broadcast %add3A_162 : f32 to vector<512x128xf32>
      %add3A_164 = arith.addf %add3A_163, %exp3A_161 : vector<512x128xf32>
      %mul3A_165 = arith.mulf %mul3A_159, %add3A_164 : vector<512x128xf32>
      %slice3A_166 = vector.extract_strided_slice %get3A_130 {offsets = [0, 768], sizes = [512, 128], strides = [1, 1]} : vector<512x1000xf32> to vector<512x128xf32>
      %exp3A_167 = math.exp %slice3A_166 : vector<512x128xf32>
      %add3A_168 = arith.constant 1.000000e+00 : f32
      %add3A_169 = vector.broadcast %add3A_168 : f32 to vector<512x128xf32>
      %add3A_170 = arith.addf %add3A_169, %exp3A_167 : vector<512x128xf32>
      %mul3A_171 = arith.mulf %mul3A_165, %add3A_170 : vector<512x128xf32>
      %slice3A_172 = vector.extract_strided_slice %get3A_130 {offsets = [0, 896], sizes = [512, 104], strides = [1, 1]} : vector<512x1000xf32> to vector<512x104xf32>
      %exp3A_173 = math.exp %slice3A_172 : vector<512x104xf32>
      %add3A_174 = arith.constant 1.000000e+00 : f32
      %add3A_175 = vector.broadcast %add3A_174 : f32 to vector<512x104xf32>
      %add3A_176 = arith.addf %add3A_175, %exp3A_173 : vector<512x104xf32>
      %log3A_177 = math.log %mul3A_171 : vector<512x128xf32>
      %reduce_sum3A_178 = arith.constant dense<0.000000e+00> : vector<512xf32>
      %reduce_sum3A_179 = vector.multi_reduction <add>, %log3A_177, %reduce_sum3A_178 [1] : vector<512x128xf32> to vector<512xf32>
      %broadcast_in_dim3A_180 = vector.shape_cast %reduce_sum3A_179 : vector<512xf32> to vector<512x1xf32>
      %log3A_181 = math.log %add3A_176 : vector<512x104xf32>
      %reduce_sum3A_182 = arith.constant dense<0.000000e+00> : vector<512xf32>
      %reduce_sum3A_183 = vector.multi_reduction <add>, %log3A_181, %reduce_sum3A_182 [1] : vector<512x104xf32> to vector<512xf32>
      %broadcast_in_dim3A_184 = vector.shape_cast %reduce_sum3A_183 : vector<512xf32> to vector<512x1xf32>
      %add3A_185 = arith.addf %broadcast_in_dim3A_180, %broadcast_in_dim3A_184 : vector<512x1xf32>
      %neg3A_186 = arith.constant 0.000000e+00 : f32
      %neg3A_187 = vector.broadcast %neg3A_186 : f32 to vector<512x1xf32>
      %neg3A_188 = arith.subf %neg3A_187, %add3A_185 : vector<512x1xf32>
      %exp3A_189 = math.exp %neg3A_188 : vector<512x1xf32>
      %slice3A_190 = vector.extract_strided_slice %get3A_130 {offsets = [0, 0], sizes = [512, 127], strides = [1, 1]} : vector<512x1000xf32> to vector<512x127xf32>
      %concatenate3A_191 = tpu.concatenate %exp3A_189, %slice3A_190 in 1 : vector<512x1xf32>, vector<512x127xf32> -> vector<512x128xf32>
      %iota3A_192 = tpu.iota {dimensions = array<i32: 1>} : vector<512x128xi32>
      %eq3A_193 = arith.constant 5 : i32
      %eq3A_194 = vector.broadcast %eq3A_193 : i32 to vector<512x128xi32>
      %eq3A_195 = arith.cmpi eq, %iota3A_192, %eq3A_194 : vector<512x128xi32>
      %eq3A_196 = arith.constant 10 : i32
      %eq3A_197 = vector.broadcast %eq3A_196 : i32 to vector<512x128xi32>
      %eq3A_198 = arith.cmpi eq, %iota3A_192, %eq3A_197 : vector<512x128xi32>
      %or3A_199 = arith.ori %eq3A_195, %eq3A_198 : vector<512x128xi1>
      %jit3A_200 = arith.constant 0.000000e+00 : f32
      %broadcast_in_dim3A_201 = vector.broadcast %jit3A_200 : f32 to vector<512x128xf32>
      %select_n3A_202 = arith.select %or3A_199, %broadcast_in_dim3A_201, %concatenate3A_191 : vector<512x128xi1>, vector<512x128xf32>
      %swap3A_203 = arith.constant 0 : index
      %swap3A_204 = arith.constant 0 : index
      %swap3A_205 = vector.load %arg7[%swap3A_203, %swap3A_204] : memref<512x128xf32, #tpu.memory_space<vmem>>, vector<512x128xf32>
      tpu.vector_store %arg7[%swap3A_203, %swap3A_204], %select_n3A_202 {strides = array<i32>} : memref<512x128xf32, #tpu.memory_space<vmem>>, vector<512x128xf32>,
      %add3A_206 = arith.constant 4 : i32
      %add3A_207 = arith.addi %add3A_116, %add3A_206 : i32
      %lt3A_208 = arith.constant 28 : i32
      %lt3A_209 = arith.cmpi slt, %add3A_207, %lt3A_208 : i32
      %convert_element_type3A_210 = arith.extui %lt3A_209 : i1 to i32
      %cond3A_211 = arith.constant 0 : i32
      %cond3A_212 = arith.cmpi ne, %convert_element_type3A_210, %cond3A_211 : i32
      scf.if %cond3A_212 {
        %add3A_431 = arith.constant 4 : i32
        %add3A_432 = arith.addi %add3A_116, %add3A_431 : i32
        %mul3A_433 = arith.constant 512 : i32
        %mul3A_434 = arith.muli %add3A_432, %mul3A_433 : i32
        %add3A_435 = arith.constant 2048 : i32
        %add3A_436 = arith.addi %add3A_435, %mul3A_434 : i32
        %dma_start3A_437 = arith.constant 0 : i32
        %dma_start3A_438 = tpu.memref_slice %arg0[%add3A_436, %dma_start3A_437] : memref<16384x1000xf32, #tpu.memory_space<any>> -> memref<512x1000xf32, #tpu.memory_space<any>>
        tpu.enqueue_dma source(%dma_start3A_438 : memref<512x1000xf32, #tpu.memory_space<any>>) target(%arg3 : memref<512x1000xf32, #tpu.memory_space<vmem>>) target_semaphore(%arg11 : memref<!tpu.dma_semaphore, #tpu.memory_space<semaphore_mem>>)
      } else {
      }
      %mul3A_213 = arith.constant 512 : i32
      %mul3A_214 = arith.muli %add3A_116, %mul3A_213 : i32
      %add3A_215 = arith.constant 2048 : i32
      %add3A_216 = arith.addi %add3A_215, %mul3A_214 : i32
      %dma_start3A_217 = arith.constant 0 : i32
      %dma_start3A_218 = tpu.memref_slice %arg1[%add3A_216, %dma_start3A_217] : memref<16384x128xf32, #tpu.memory_space<any>> -> memref<512x128xf32, #tpu.memory_space<any>>
      tpu.enqueue_dma source(%arg7 : memref<512x128xf32, #tpu.memory_space<vmem>>) target(%dma_start3A_218 : memref<512x128xf32, #tpu.memory_space<any>>) target_semaphore(%arg15 : memref<!tpu.dma_semaphore, #tpu.memory_space<semaphore_mem>>)
      %mul3A_219 = arith.constant 4 : i32
      %mul3A_220 = arith.muli %scan3A_26, %mul3A_219 : i32
      %add3A_221 = arith.constant 2 : i32
      %add3A_222 = arith.addi %mul3A_220, %add3A_221 : i32
      %mul3A_223 = arith.constant 512 : i32
      %mul3A_224 = arith.muli %add3A_222, %mul3A_223 : i32
      %add3A_225 = arith.constant 2048 : i32
      %add3A_226 = arith.addi %add3A_225, %mul3A_224 : i32
      %dma_wait3A_227 = arith.constant 0 : i32
      %dma_wait3A_228 = tpu.memref_slice %arg0[%add3A_226, %dma_wait3A_227] : memref<16384x1000xf32, #tpu.memory_space<any>> -> memref<512x1000xf32, #tpu.memory_space<any>>
      tpu.wait_dma2 semaphore(%arg12 : memref<!tpu.dma_semaphore, #tpu.memory_space<semaphore_mem>>) src(%dma_wait3A_228 : memref<512x1000xf32, #tpu.memory_space<any>>) dst(%arg4 : memref<512x1000xf32, #tpu.memory_space<vmem>>)
      %ge3A_229 = arith.constant 1 : i32
      %ge3A_230 = arith.cmpi sge, %scan3A_26, %ge3A_229 : i32
      %convert_element_type3A_231 = arith.extui %ge3A_230 : i1 to i32
      %cond3A_232 = arith.constant 0 : i32
      %cond3A_233 = arith.cmpi ne, %convert_element_type3A_231, %cond3A_232 : i32
      scf.if %cond3A_233 {
        %sub3A = arith.constant 4 : i32
        %sub3A_431 = arith.subi %add3A_222, %sub3A : i32
        %mul3A_432 = arith.constant 512 : i32
        %mul3A_433 = arith.muli %sub3A_431, %mul3A_432 : i32
        %add3A_434 = arith.constant 2048 : i32
        %add3A_435 = arith.addi %add3A_434, %mul3A_433 : i32
        %dma_wait3A_436 = arith.constant 0 : i32
        %dma_wait3A_437 = tpu.memref_slice %arg1[%add3A_435, %dma_wait3A_436] : memref<16384x128xf32, #tpu.memory_space<any>> -> memref<512x128xf32, #tpu.memory_space<any>>
        tpu.wait_dma2 semaphore(%arg16 : memref<!tpu.dma_semaphore, #tpu.memory_space<semaphore_mem>>) src(%arg8 : memref<512x128xf32, #tpu.memory_space<vmem>>) dst(%dma_wait3A_437 : memref<512x128xf32, #tpu.memory_space<any>>)
      } else {
      }
      %get3A_234 = arith.constant 0 : index
      %get3A_235 = arith.constant 0 : index
      %get3A_236 = vector.load %arg4[%get3A_234, %get3A_235] : memref<512x1000xf32, #tpu.memory_space<vmem>>, vector<512x1000xf32>
      %slice3A_237 = vector.extract_strided_slice %get3A_236 {offsets = [0, 0], sizes = [512, 128], strides = [1, 1]} : vector<512x1000xf32> to vector<512x128xf32>
      %exp3A_238 = math.exp %slice3A_237 : vector<512x128xf32>
      %add3A_239 = arith.constant 1.000000e+00 : f32
      %add3A_240 = vector.broadcast %add3A_239 : f32 to vector<512x128xf32>
      %add3A_241 = arith.addf %add3A_240, %exp3A_238 : vector<512x128xf32>
      %slice3A_242 = vector.extract_strided_slice %get3A_236 {offsets = [0, 128], sizes = [512, 128], strides = [1, 1]} : vector<512x1000xf32> to vector<512x128xf32>
      %exp3A_243 = math.exp %slice3A_242 : vector<512x128xf32>
      %add3A_244 = arith.constant 1.000000e+00 : f32
      %add3A_245 = vector.broadcast %add3A_244 : f32 to vector<512x128xf32>
      %add3A_246 = arith.addf %add3A_245, %exp3A_243 : vector<512x128xf32>
      %mul3A_247 = arith.mulf %add3A_241, %add3A_246 : vector<512x128xf32>
      %slice3A_248 = vector.extract_strided_slice %get3A_236 {offsets = [0, 256], sizes = [512, 128], strides = [1, 1]} : vector<512x1000xf32> to vector<512x128xf32>
      %exp3A_249 = math.exp %slice3A_248 : vector<512x128xf32>
      %add3A_250 = arith.constant 1.000000e+00 : f32
      %add3A_251 = vector.broadcast %add3A_250 : f32 to vector<512x128xf32>
      %add3A_252 = arith.addf %add3A_251, %exp3A_249 : vector<512x128xf32>
      %mul3A_253 = arith.mulf %mul3A_247, %add3A_252 : vector<512x128xf32>
      %slice3A_254 = vector.extract_strided_slice %get3A_236 {offsets = [0, 384], sizes = [512, 128], strides = [1, 1]} : vector<512x1000xf32> to vector<512x128xf32>
      %exp3A_255 = math.exp %slice3A_254 : vector<512x128xf32>
      %add3A_256 = arith.constant 1.000000e+00 : f32
      %add3A_257 = vector.broadcast %add3A_256 : f32 to vector<512x128xf32>
      %add3A_258 = arith.addf %add3A_257, %exp3A_255 : vector<512x128xf32>
      %mul3A_259 = arith.mulf %mul3A_253, %add3A_258 : vector<512x128xf32>
      %slice3A_260 = vector.extract_strided_slice %get3A_236 {offsets = [0, 512], sizes = [512, 128], strides = [1, 1]} : vector<512x1000xf32> to vector<512x128xf32>
      %exp3A_261 = math.exp %slice3A_260 : vector<512x128xf32>
      %add3A_262 = arith.constant 1.000000e+00 : f32
      %add3A_263 = vector.broadcast %add3A_262 : f32 to vector<512x128xf32>
      %add3A_264 = arith.addf %add3A_263, %exp3A_261 : vector<512x128xf32>
      %mul3A_265 = arith.mulf %mul3A_259, %add3A_264 : vector<512x128xf32>
      %slice3A_266 = vector.extract_strided_slice %get3A_236 {offsets = [0, 640], sizes = [512, 128], strides = [1, 1]} : vector<512x1000xf32> to vector<512x128xf32>
      %exp3A_267 = math.exp %slice3A_266 : vector<512x128xf32>
      %add3A_268 = arith.constant 1.000000e+00 : f32
      %add3A_269 = vector.broadcast %add3A_268 : f32 to vector<512x128xf32>
      %add3A_270 = arith.addf %add3A_269, %exp3A_267 : vector<512x128xf32>
      %mul3A_271 = arith.mulf %mul3A_265, %add3A_270 : vector<512x128xf32>
      %slice3A_272 = vector.extract_strided_slice %get3A_236 {offsets = [0, 768], sizes = [512, 128], strides = [1, 1]} : vector<512x1000xf32> to vector<512x128xf32>
      %exp3A_273 = math.exp %slice3A_272 : vector<512x128xf32>
      %add3A_274 = arith.constant 1.000000e+00 : f32
      %add3A_275 = vector.broadcast %add3A_274 : f32 to vector<512x128xf32>
      %add3A_276 = arith.addf %add3A_275, %exp3A_273 : vector<512x128xf32>
      %mul3A_277 = arith.mulf %mul3A_271, %add3A_276 : vector<512x128xf32>
      %slice3A_278 = vector.extract_strided_slice %get3A_236 {offsets = [0, 896], sizes = [512, 104], strides = [1, 1]} : vector<512x1000xf32> to vector<512x104xf32>
      %exp3A_279 = math.exp %slice3A_278 : vector<512x104xf32>
      %add3A_280 = arith.constant 1.000000e+00 : f32
      %add3A_281 = vector.broadcast %add3A_280 : f32 to vector<512x104xf32>
      %add3A_282 = arith.addf %add3A_281, %exp3A_279 : vector<512x104xf32>
      %log3A_283 = math.log %mul3A_277 : vector<512x128xf32>
      %reduce_sum3A_284 = arith.constant dense<0.000000e+00> : vector<512xf32>
      %reduce_sum3A_285 = vector.multi_reduction <add>, %log3A_283, %reduce_sum3A_284 [1] : vector<512x128xf32> to vector<512xf32>
      %broadcast_in_dim3A_286 = vector.shape_cast %reduce_sum3A_285 : vector<512xf32> to vector<512x1xf32>
      %log3A_287 = math.log %add3A_282 : vector<512x104xf32>
      %reduce_sum3A_288 = arith.constant dense<0.000000e+00> : vector<512xf32>
      %reduce_sum3A_289 = vector.multi_reduction <add>, %log3A_287, %reduce_sum3A_288 [1] : vector<512x104xf32> to vector<512xf32>
      %broadcast_in_dim3A_290 = vector.shape_cast %reduce_sum3A_289 : vector<512xf32> to vector<512x1xf32>
      %add3A_291 = arith.addf %broadcast_in_dim3A_286, %broadcast_in_dim3A_290 : vector<512x1xf32>
      %neg3A_292 = arith.constant 0.000000e+00 : f32
      %neg3A_293 = vector.broadcast %neg3A_292 : f32 to vector<512x1xf32>
      %neg3A_294 = arith.subf %neg3A_293, %add3A_291 : vector<512x1xf32>
      %exp3A_295 = math.exp %neg3A_294 : vector<512x1xf32>
      %slice3A_296 = vector.extract_strided_slice %get3A_236 {offsets = [0, 0], sizes = [512, 127], strides = [1, 1]} : vector<512x1000xf32> to vector<512x127xf32>
      %concatenate3A_297 = tpu.concatenate %exp3A_295, %slice3A_296 in 1 : vector<512x1xf32>, vector<512x127xf32> -> vector<512x128xf32>
      %iota3A_298 = tpu.iota {dimensions = array<i32: 1>} : vector<512x128xi32>
      %eq3A_299 = arith.constant 5 : i32
      %eq3A_300 = vector.broadcast %eq3A_299 : i32 to vector<512x128xi32>
      %eq3A_301 = arith.cmpi eq, %iota3A_298, %eq3A_300 : vector<512x128xi32>
      %eq3A_302 = arith.constant 10 : i32
      %eq3A_303 = vector.broadcast %eq3A_302 : i32 to vector<512x128xi32>
      %eq3A_304 = arith.cmpi eq, %iota3A_298, %eq3A_303 : vector<512x128xi32>
      %or3A_305 = arith.ori %eq3A_301, %eq3A_304 : vector<512x128xi1>
      %jit3A_306 = arith.constant 0.000000e+00 : f32
      %broadcast_in_dim3A_307 = vector.broadcast %jit3A_306 : f32 to vector<512x128xf32>
      %select_n3A_308 = arith.select %or3A_305, %broadcast_in_dim3A_307, %concatenate3A_297 : vector<512x128xi1>, vector<512x128xf32>
      %swap3A_309 = arith.constant 0 : index
      %swap3A_310 = arith.constant 0 : index
      %swap3A_311 = vector.load %arg8[%swap3A_309, %swap3A_310] : memref<512x128xf32, #tpu.memory_space<vmem>>, vector<512x128xf32>
      tpu.vector_store %arg8[%swap3A_309, %swap3A_310], %select_n3A_308 {strides = array<i32>} : memref<512x128xf32, #tpu.memory_space<vmem>>, vector<512x128xf32>,
      %add3A_312 = arith.constant 4 : i32
      %add3A_313 = arith.addi %add3A_222, %add3A_312 : i32
      %lt3A_314 = arith.constant 28 : i32
      %lt3A_315 = arith.cmpi slt, %add3A_313, %lt3A_314 : i32
      %convert_element_type3A_316 = arith.extui %lt3A_315 : i1 to i32
      %cond3A_317 = arith.constant 0 : i32
      %cond3A_318 = arith.cmpi ne, %convert_element_type3A_316, %cond3A_317 : i32
      scf.if %cond3A_318 {
        %add3A_431 = arith.constant 4 : i32
        %add3A_432 = arith.addi %add3A_222, %add3A_431 : i32
        %mul3A_433 = arith.constant 512 : i32
        %mul3A_434 = arith.muli %add3A_432, %mul3A_433 : i32
        %add3A_435 = arith.constant 2048 : i32
        %add3A_436 = arith.addi %add3A_435, %mul3A_434 : i32
        %dma_start3A_437 = arith.constant 0 : i32
        %dma_start3A_438 = tpu.memref_slice %arg0[%add3A_436, %dma_start3A_437] : memref<16384x1000xf32, #tpu.memory_space<any>> -> memref<512x1000xf32, #tpu.memory_space<any>>
        tpu.enqueue_dma source(%dma_start3A_438 : memref<512x1000xf32, #tpu.memory_space<any>>) target(%arg4 : memref<512x1000xf32, #tpu.memory_space<vmem>>) target_semaphore(%arg12 : memref<!tpu.dma_semaphore, #tpu.memory_space<semaphore_mem>>)
      } else {
      }
      %mul3A_319 = arith.constant 512 : i32
      %mul3A_320 = arith.muli %add3A_222, %mul3A_319 : i32
      %add3A_321 = arith.constant 2048 : i32
      %add3A_322 = arith.addi %add3A_321, %mul3A_320 : i32
      %dma_start3A_323 = arith.constant 0 : i32
      %dma_start3A_324 = tpu.memref_slice %arg1[%add3A_322, %dma_start3A_323] : memref<16384x128xf32, #tpu.memory_space<any>> -> memref<512x128xf32, #tpu.memory_space<any>>
      tpu.enqueue_dma source(%arg8 : memref<512x128xf32, #tpu.memory_space<vmem>>) target(%dma_start3A_324 : memref<512x128xf32, #tpu.memory_space<any>>) target_semaphore(%arg16 : memref<!tpu.dma_semaphore, #tpu.memory_space<semaphore_mem>>)
      %mul3A_325 = arith.constant 4 : i32
      %mul3A_326 = arith.muli %scan3A_26, %mul3A_325 : i32
      %add3A_327 = arith.constant 3 : i32
      %add3A_328 = arith.addi %mul3A_326, %add3A_327 : i32
      %mul3A_329 = arith.constant 512 : i32
      %mul3A_330 = arith.muli %add3A_328, %mul3A_329 : i32
      %add3A_331 = arith.constant 2048 : i32
      %add3A_332 = arith.addi %add3A_331, %mul3A_330 : i32
      %dma_wait3A_333 = arith.constant 0 : i32
      %dma_wait3A_334 = tpu.memref_slice %arg0[%add3A_332, %dma_wait3A_333] : memref<16384x1000xf32, #tpu.memory_space<any>> -> memref<512x1000xf32, #tpu.memory_space<any>>
      tpu.wait_dma2 semaphore(%arg13 : memref<!tpu.dma_semaphore, #tpu.memory_space<semaphore_mem>>) src(%dma_wait3A_334 : memref<512x1000xf32, #tpu.memory_space<any>>) dst(%arg5 : memref<512x1000xf32, #tpu.memory_space<vmem>>)
      %ge3A_335 = arith.constant 1 : i32
      %ge3A_336 = arith.cmpi sge, %scan3A_26, %ge3A_335 : i32
      %convert_element_type3A_337 = arith.extui %ge3A_336 : i1 to i32
      %cond3A_338 = arith.constant 0 : i32
      %cond3A_339 = arith.cmpi ne, %convert_element_type3A_337, %cond3A_338 : i32
      scf.if %cond3A_339 {
        %sub3A = arith.constant 4 : i32
        %sub3A_431 = arith.subi %add3A_328, %sub3A : i32
        %mul3A_432 = arith.constant 512 : i32
        %mul3A_433 = arith.muli %sub3A_431, %mul3A_432 : i32
        %add3A_434 = arith.constant 2048 : i32
        %add3A_435 = arith.addi %add3A_434, %mul3A_433 : i32
        %dma_wait3A_436 = arith.constant 0 : i32
        %dma_wait3A_437 = tpu.memref_slice %arg1[%add3A_435, %dma_wait3A_436] : memref<16384x128xf32, #tpu.memory_space<any>> -> memref<512x128xf32, #tpu.memory_space<any>>
        tpu.wait_dma2 semaphore(%arg17 : memref<!tpu.dma_semaphore, #tpu.memory_space<semaphore_mem>>) src(%arg9 : memref<512x128xf32, #tpu.memory_space<vmem>>) dst(%dma_wait3A_437 : memref<512x128xf32, #tpu.memory_space<any>>)
      } else {
      }
      %get3A_340 = arith.constant 0 : index
      %get3A_341 = arith.constant 0 : index
      %get3A_342 = vector.load %arg5[%get3A_340, %get3A_341] : memref<512x1000xf32, #tpu.memory_space<vmem>>, vector<512x1000xf32>
      %slice3A_343 = vector.extract_strided_slice %get3A_342 {offsets = [0, 0], sizes = [512, 128], strides = [1, 1]} : vector<512x1000xf32> to vector<512x128xf32>
      %exp3A_344 = math.exp %slice3A_343 : vector<512x128xf32>
      %add3A_345 = arith.constant 1.000000e+00 : f32
      %add3A_346 = vector.broadcast %add3A_345 : f32 to vector<512x128xf32>
      %add3A_347 = arith.addf %add3A_346, %exp3A_344 : vector<512x128xf32>
      %slice3A_348 = vector.extract_strided_slice %get3A_342 {offsets = [0, 128], sizes = [512, 128], strides = [1, 1]} : vector<512x1000xf32> to vector<512x128xf32>
      %exp3A_349 = math.exp %slice3A_348 : vector<512x128xf32>
      %add3A_350 = arith.constant 1.000000e+00 : f32
      %add3A_351 = vector.broadcast %add3A_350 : f32 to vector<512x128xf32>
      %add3A_352 = arith.addf %add3A_351, %exp3A_349 : vector<512x128xf32>
      %mul3A_353 = arith.mulf %add3A_347, %add3A_352 : vector<512x128xf32>
      %slice3A_354 = vector.extract_strided_slice %get3A_342 {offsets = [0, 256], sizes = [512, 128], strides = [1, 1]} : vector<512x1000xf32> to vector<512x128xf32>
      %exp3A_355 = math.exp %slice3A_354 : vector<512x128xf32>
      %add3A_356 = arith.constant 1.000000e+00 : f32
      %add3A_357 = vector.broadcast %add3A_356 : f32 to vector<512x128xf32>
      %add3A_358 = arith.addf %add3A_357, %exp3A_355 : vector<512x128xf32>
      %mul3A_359 = arith.mulf %mul3A_353, %add3A_358 : vector<512x128xf32>
      %slice3A_360 = vector.extract_strided_slice %get3A_342 {offsets = [0, 384], sizes = [512, 128], strides = [1, 1]} : vector<512x1000xf32> to vector<512x128xf32>
      %exp3A_361 = math.exp %slice3A_360 : vector<512x128xf32>
      %add3A_362 = arith.constant 1.000000e+00 : f32
      %add3A_363 = vector.broadcast %add3A_362 : f32 to vector<512x128xf32>
      %add3A_364 = arith.addf %add3A_363, %exp3A_361 : vector<512x128xf32>
      %mul3A_365 = arith.mulf %mul3A_359, %add3A_364 : vector<512x128xf32>
      %slice3A_366 = vector.extract_strided_slice %get3A_342 {offsets = [0, 512], sizes = [512, 128], strides = [1, 1]} : vector<512x1000xf32> to vector<512x128xf32>
      %exp3A_367 = math.exp %slice3A_366 : vector<512x128xf32>
      %add3A_368 = arith.constant 1.000000e+00 : f32
      %add3A_369 = vector.broadcast %add3A_368 : f32 to vector<512x128xf32>
      %add3A_370 = arith.addf %add3A_369, %exp3A_367 : vector<512x128xf32>
      %mul3A_371 = arith.mulf %mul3A_365, %add3A_370 : vector<512x128xf32>
      %slice3A_372 = vector.extract_strided_slice %get3A_342 {offsets = [0, 640], sizes = [512, 128], strides = [1, 1]} : vector<512x1000xf32> to vector<512x128xf32>
      %exp3A_373 = math.exp %slice3A_372 : vector<512x128xf32>
      %add3A_374 = arith.constant 1.000000e+00 : f32
      %add3A_375 = vector.broadcast %add3A_374 : f32 to vector<512x128xf32>
      %add3A_376 = arith.addf %add3A_375, %exp3A_373 : vector<512x128xf32>
      %mul3A_377 = arith.mulf %mul3A_371, %add3A_376 : vector<512x128xf32>
      %slice3A_378 = vector.extract_strided_slice %get3A_342 {offsets = [0, 768], sizes = [512, 128], strides = [1, 1]} : vector<512x1000xf32> to vector<512x128xf32>
      %exp3A_379 = math.exp %slice3A_378 : vector<512x128xf32>
      %add3A_380 = arith.constant 1.000000e+00 : f32
      %add3A_381 = vector.broadcast %add3A_380 : f32 to vector<512x128xf32>
      %add3A_382 = arith.addf %add3A_381, %exp3A_379 : vector<512x128xf32>
      %mul3A_383 = arith.mulf %mul3A_377, %add3A_382 : vector<512x128xf32>
      %slice3A_384 = vector.extract_strided_slice %get3A_342 {offsets = [0, 896], sizes = [512, 104], strides = [1, 1]} : vector<512x1000xf32> to vector<512x104xf32>
      %exp3A_385 = math.exp %slice3A_384 : vector<512x104xf32>
      %add3A_386 = arith.constant 1.000000e+00 : f32
      %add3A_387 = vector.broadcast %add3A_386 : f32 to vector<512x104xf32>
      %add3A_388 = arith.addf %add3A_387, %exp3A_385 : vector<512x104xf32>
      %log3A_389 = math.log %mul3A_383 : vector<512x128xf32>
      %reduce_sum3A_390 = arith.constant dense<0.000000e+00> : vector<512xf32>
      %reduce_sum3A_391 = vector.multi_reduction <add>, %log3A_389, %reduce_sum3A_390 [1] : vector<512x128xf32> to vector<512xf32>
      %broadcast_in_dim3A_392 = vector.shape_cast %reduce_sum3A_391 : vector<512xf32> to vector<512x1xf32>
      %log3A_393 = math.log %add3A_388 : vector<512x104xf32>
      %reduce_sum3A_394 = arith.constant dense<0.000000e+00> : vector<512xf32>
      %reduce_sum3A_395 = vector.multi_reduction <add>, %log3A_393, %reduce_sum3A_394 [1] : vector<512x104xf32> to vector<512xf32>
      %broadcast_in_dim3A_396 = vector.shape_cast %reduce_sum3A_395 : vector<512xf32> to vector<512x1xf32>
      %add3A_397 = arith.addf %broadcast_in_dim3A_392, %broadcast_in_dim3A_396 : vector<512x1xf32>
      %neg3A_398 = arith.constant 0.000000e+00 : f32
      %neg3A_399 = vector.broadcast %neg3A_398 : f32 to vector<512x1xf32>
      %neg3A_400 = arith.subf %neg3A_399, %add3A_397 : vector<512x1xf32>
      %exp3A_401 = math.exp %neg3A_400 : vector<512x1xf32>
      %slice3A_402 = vector.extract_strided_slice %get3A_342 {offsets = [0, 0], sizes = [512, 127], strides = [1, 1]} : vector<512x1000xf32> to vector<512x127xf32>
      %concatenate3A_403 = tpu.concatenate %exp3A_401, %slice3A_402 in 1 : vector<512x1xf32>, vector<512x127xf32> -> vector<512x128xf32>
      %iota3A_404 = tpu.iota {dimensions = array<i32: 1>} : vector<512x128xi32>
      %eq3A_405 = arith.constant 5 : i32
      %eq3A_406 = vector.broadcast %eq3A_405 : i32 to vector<512x128xi32>
      %eq3A_407 = arith.cmpi eq, %iota3A_404, %eq3A_406 : vector<512x128xi32>
      %eq3A_408 = arith.constant 10 : i32
      %eq3A_409 = vector.broadcast %eq3A_408 : i32 to vector<512x128xi32>
      %eq3A_410 = arith.cmpi eq, %iota3A_404, %eq3A_409 : vector<512x128xi32>
      %or3A_411 = arith.ori %eq3A_407, %eq3A_410 : vector<512x128xi1>
      %jit3A_412 = arith.constant 0.000000e+00 : f32
      %broadcast_in_dim3A_413 = vector.broadcast %jit3A_412 : f32 to vector<512x128xf32>
      %select_n3A_414 = arith.select %or3A_411, %broadcast_in_dim3A_413, %concatenate3A_403 : vector<512x128xi1>, vector<512x128xf32>
      %swap3A_415 = arith.constant 0 : index
      %swap3A_416 = arith.constant 0 : index
      %swap3A_417 = vector.load %arg9[%swap3A_415, %swap3A_416] : memref<512x128xf32, #tpu.memory_space<vmem>>, vector<512x128xf32>
      tpu.vector_store %arg9[%swap3A_415, %swap3A_416], %select_n3A_414 {strides = array<i32>} : memref<512x128xf32, #tpu.memory_space<vmem>>, vector<512x128xf32>,
      %add3A_418 = arith.constant 4 : i32
      %add3A_419 = arith.addi %add3A_328, %add3A_418 : i32
      %lt3A_420 = arith.constant 28 : i32
      %lt3A_421 = arith.cmpi slt, %add3A_419, %lt3A_420 : i32
      %convert_element_type3A_422 = arith.extui %lt3A_421 : i1 to i32
      %cond3A_423 = arith.constant 0 : i32
      %cond3A_424 = arith.cmpi ne, %convert_element_type3A_422, %cond3A_423 : i32
      scf.if %cond3A_424 {
        %add3A_431 = arith.constant 4 : i32
        %add3A_432 = arith.addi %add3A_328, %add3A_431 : i32
        %mul3A_433 = arith.constant 512 : i32
        %mul3A_434 = arith.muli %add3A_432, %mul3A_433 : i32
        %add3A_435 = arith.constant 2048 : i32
        %add3A_436 = arith.addi %add3A_435, %mul3A_434 : i32
        %dma_start3A_437 = arith.constant 0 : i32
        %dma_start3A_438 = tpu.memref_slice %arg0[%add3A_436, %dma_start3A_437] : memref<16384x1000xf32, #tpu.memory_space<any>> -> memref<512x1000xf32, #tpu.memory_space<any>>
        tpu.enqueue_dma source(%dma_start3A_438 : memref<512x1000xf32, #tpu.memory_space<any>>) target(%arg5 : memref<512x1000xf32, #tpu.memory_space<vmem>>) target_semaphore(%arg13 : memref<!tpu.dma_semaphore, #tpu.memory_space<semaphore_mem>>)
      } else {
      }
      %mul3A_425 = arith.constant 512 : i32
      %mul3A_426 = arith.muli %add3A_328, %mul3A_425 : i32
      %add3A_427 = arith.constant 2048 : i32
      %add3A_428 = arith.addi %add3A_427, %mul3A_426 : i32
      %dma_start3A_429 = arith.constant 0 : i32
      %dma_start3A_430 = tpu.memref_slice %arg1[%add3A_428, %dma_start3A_429] : memref<16384x128xf32, #tpu.memory_space<any>> -> memref<512x128xf32, #tpu.memory_space<any>>
      tpu.enqueue_dma source(%arg9 : memref<512x128xf32, #tpu.memory_space<vmem>>) target(%dma_start3A_430 : memref<512x128xf32, #tpu.memory_space<any>>) target_semaphore(%arg17 : memref<!tpu.dma_semaphore, #tpu.memory_space<semaphore_mem>>)
    }
    %scan3A_14 = arith.constant 7 : i32
    %dma_wait3A = arith.constant 14336 : i32
    %dma_wait3A_15 = arith.constant 0 : i32
    %dma_wait3A_16 = tpu.memref_slice %arg1[%dma_wait3A, %dma_wait3A_15] : memref<16384x128xf32, #tpu.memory_space<any>> -> memref<512x128xf32, #tpu.memory_space<any>>
    tpu.wait_dma2 semaphore(%arg14 : memref<!tpu.dma_semaphore, #tpu.memory_space<semaphore_mem>>) src(%arg6 : memref<512x128xf32, #tpu.memory_space<vmem>>) dst(%dma_wait3A_16 : memref<512x128xf32, #tpu.memory_space<any>>)
    %dma_wait3A_17 = arith.constant 14848 : i32
    %dma_wait3A_18 = arith.constant 0 : i32
    %dma_wait3A_19 = tpu.memref_slice %arg1[%dma_wait3A_17, %dma_wait3A_18] : memref<16384x128xf32, #tpu.memory_space<any>> -> memref<512x128xf32, #tpu.memory_space<any>>
    tpu.wait_dma2 semaphore(%arg15 : memref<!tpu.dma_semaphore, #tpu.memory_space<semaphore_mem>>) src(%arg7 : memref<512x128xf32, #tpu.memory_space<vmem>>) dst(%dma_wait3A_19 : memref<512x128xf32, #tpu.memory_space<any>>)
    %dma_wait3A_20 = arith.constant 15360 : i32
    %dma_wait3A_21 = arith.constant 0 : i32
    %dma_wait3A_22 = tpu.memref_slice %arg1[%dma_wait3A_20, %dma_wait3A_21] : memref<16384x128xf32, #tpu.memory_space<any>> -> memref<512x128xf32, #tpu.memory_space<any>>
    tpu.wait_dma2 semaphore(%arg16 : memref<!tpu.dma_semaphore, #tpu.memory_space<semaphore_mem>>) src(%arg8 : memref<512x128xf32, #tpu.memory_space<vmem>>) dst(%dma_wait3A_22 : memref<512x128xf32, #tpu.memory_space<any>>)
    %dma_wait3A_23 = arith.constant 15872 : i32
    %dma_wait3A_24 = arith.constant 0 : i32
    %dma_wait3A_25 = tpu.memref_slice %arg1[%dma_wait3A_23, %dma_wait3A_24] : memref<16384x128xf32, #tpu.memory_space<any>> -> memref<512x128xf32, #tpu.memory_space<any>>
    tpu.wait_dma2 semaphore(%arg17 : memref<!tpu.dma_semaphore, #tpu.memory_space<semaphore_mem>>) src(%arg9 : memref<512x128xf32, #tpu.memory_space<vmem>>) dst(%dma_wait3A_25 : memref<512x128xf32, #tpu.memory_space<any>>)
    return
  }
}

</mosaic_0001>

<sc_bundles>
// kernel: kernel.4.cloned.1.call-start
scs
__scs_entry_jumppad:
0x0: {  	(pc) =	sbr.rel $0x88, $3  }
0x1: {  	(tag) =	ssettag $0x0;
	lr =	simm.s32 $0x1  }
0x2: {  	[smem:$0x3FA0] =	sst lr;
	_ =	strace $0xD0000000  }
0x3: {  	_ = 	snop  }
0x4: {  	_ = 	snop  }
0x5: {  	_ = 	snop  }
0x6: {  	_ = 	snop  }
0x7: {  	_ = 	snop  }
__scs_overlays_trampoline_lowered:
0x8: {  	[smem:$0x3FAF] =	sst s0  }
0x9: {  	[smem:$0x3FB0] =	sst s1  }
0xa: {  	[smem:$0x3FB1] =	sst s2  }
0xb: {  	[smem:$0x3FB2] =	sst s3  }
0xc: {  	[smem:$0x3FB3] =	sst s4  }
0xd: {  	[smem:$0x3FB4] =	sst s5  }
0xe: {  	[smem:$0x3FB5] =	sst s6  }
0xf: {  	[smem:$0x3FB6] =	sst s7  }
0x10: {  	[smem:$0x3FB7] =	sst s8  }
0x11: {  	[smem:$0x3FB8] =	sst s9;
	s0 =	simm.s32 @!p0 $0x0  }
0x12: {  	s1 =	sld [smem:$0x3F9E];
	s0 =	simm.s32 @p0 $0x1  }
0x13: {  	[smem:$0x3FB9] =	sst s0;
	s0 =	simm.s32 @!p1 $0x0  }
0x14: {  	s2 =	sld [smem:$0x3F9D];
	s0 =	simm.s32 @p1 $0x1  }
0x15: {  	[smem:$0x3FBA] =	sst s0;
	s0 =	simm.s32 @!p2 $0x0  }
0x16: {  	s3 =	sld [smem:$0x3FDB];
	s0 =	simm.s32 @p2 $0x1  }
0x17: {  	s4 =	simm.s32 $0x1BF5;
	[smem:$0x3FBC] =	sst s0  }
0x18: {  	s0 =	sld [smem:$0x3F9F];
	_ =	swait.ge [sflag:s4], $0x0  }
0x19: {  	s7 =	sld [smem:$0x3FA0]  }
0x1a: {  	s8 =	sadd.s32 $0xFFFFE003, lr  }
0x1b: {  	s9 =	sadd.s32 $0xFFFFFEF7, lr;
	s5 =	simm.s32 $0xFFFFFFFF;
	p2 =	slt.u32 s8, $0xFFFFF086  }
0x1c: {  	p1 =	slt.u32 s9, $0xF7A;
	s5 =	simm.s32 @!p2 $0x0  }
0x1d: {  	s5 =	simm.s32 @p1 $0x1;
	p0 =	seq.s32 s7, s2  }
0x1e: {  	s7 =	smul.u32 @!p0 $0xF7A, s2;
	p2 =	seq.s32 @!p0 s5, $0x0  }
0x1f: {  	s9 =	smul.u32 $0xF7A, s1;
	s8 =	simm.s32 @!p0 $0x1BF5;
	p2 =	por !p2, p0  }
0x20: {  	[sflag:s8] =	ssyncset.s32 @!p0 $0xFFFFF086;
	s6 =	sadd.s32 @!p0 s3, s7;
	s7 =	simm.s32 @!p0 $0x108  }
0x21: {  	s3 =	sadd.s32 s3, s9;
	s6 =	sadd.s32 @!p0 $0x88, s6;
	s7 =	simm.s32 @p2 $0x1082  }
0x22: {  	[simem:s7], [sflag:s8] =	dma.local @!p0 [hbm:s6], $0xF7A  }
0x23: {  	s9 =	sor.u32 $0xD0000000, s2;
	s6 =	simm.s32 $0x108;
	_ =	swait.ge @!p0 [sflag:s8], $0x0  }
0x24: {  	s3 =	sadd.s32 $0x88, s3;
	s6 =	simm.s32 @!p1 $0x1082;
	[sflag:s4] =	ssyncset.s32 $0xFFFFF086  }
0x25: {  	[simem:s6], [sflag:s4] =	dma.local [hbm:s3], $0xF7A  }
0x26: {  	[smem:$0x3FA0] =	sst s1;
	(tag) =	ssettag s2;
	_ =	strace s9  }
0x27: {  	s1 =	sld [smem:$0x3FB0]  }
0x28: {  	s2 =	sld [smem:$0x3FB1]  }
0x29: {  	s4 =	sld [smem:$0x3FB3]  }
0x2a: {  	p0 =	seq.s32 s5, $0x0;
	s5 =	sld [smem:$0x3FB4]  }
0x2b: {  	s6 =	sld [smem:$0x3FB5]  }
0x2c: {  	s7 =	sld [smem:$0x3FB6]  }
0x2d: {  	s3 =	simm.s32 $0x108;
	s8 =	sld [smem:$0x3FB7]  }
0x2e: {  	s3 =	simm.s32 @!p0 $0x1082;
	s9 =	sld [smem:$0x3FB8]  }
0x2f: {  	lr =	sadd.s32 s0, s3;
	s0 =	sld [smem:$0x3FAF]  }
0x30: {  	s3 =	sld [smem:$0x3FB2]  }
0x31: {  	[smem:$0x3FBB] =	sst s10  }
0x32: {  	s10 =	sld [smem:$0x3FB9];
	_ =	sdelay $0x3  }
0x33: {  	p0 =	seq.s32 s10, $0x1;
	s10 =	sld [smem:$0x3FBB];
	_ =	sdelay $0x3  }
0x34: {  	[smem:$0x3FBB] =	sst s10  }
0x35: {  	s10 =	sld [smem:$0x3FBA];
	_ =	sdelay $0x3  }
0x36: {  	p1 =	seq.s32 s10, $0x1;
	s10 =	sld [smem:$0x3FBB];
	_ =	sdelay $0x3  }
0x37: {  	[smem:$0x3FBB] =	sst s10  }
0x38: {  	s10 =	sld [smem:$0x3FBC]  }
0x39: {  	_ = 	snop;
	(pc) =	sbr.ind lr, $3  }
0x3a: {  	_ = 	snop  }
0x3b: {  	_ = 	snop  }
0x3c: {  	p2 =	seq.s32 s10, $0x1;
	s10 =	sld [smem:$0x3FBB]  }
0x3d: {  	_ =	shalt  }
0x3e: {  	_ =	shalt  }
0x3f: {  	_ =	shalt  }
0x40: {  	_ =	shalt  }
0x41: {  	_ =	shalt  }
0x42: {  	_ =	shalt  }
0x43: {  	_ =	shalt  }
0x44: {  	_ =	shalt  }
0x45: {  	_ =	shalt  }
0x46: {  	_ =	shalt  }
0x47: {  	_ =	shalt  }
0x48: {  	_ =	shalt  }
0x49: {  	_ =	shalt  }
0x4a: {  	_ =	shalt  }
0x4b: {  	_ =	shalt  }
0x4c: {  	_ =	shalt  }
0x4d: {  	_ =	shalt  }
0x4e: {  	_ =	shalt  }
0x4f: {  	_ =	shalt  }
0x50: {  	_ =	shalt  }
0x51: {  	_ =	shalt  }
0x52: {  	_ =	shalt  }
0x53: {  	_ =	shalt  }
0x54: {  	_ =	shalt  }
0x55: {  	_ =	shalt  }
0x56: {  	_ =	shalt  }
0x57: {  	_ =	shalt  }
0x58: {  	_ =	shalt  }
0x59: {  	_ =	shalt  }
0x5a: {  	_ =	shalt  }
0x5b: {  	_ =	shalt  }
0x5c: {  	_ =	shalt  }
0x5d: {  	_ =	shalt  }
0x5e: {  	_ =	shalt  }
0x5f: {  	_ =	shalt  }
0x60: {  	_ =	shalt  }
0x61: {  	_ =	shalt  }
0x62: {  	_ =	shalt  }
0x63: {  	_ =	shalt  }
0x64: {  	_ =	shalt  }
0x65: {  	_ =	shalt  }
0x66: {  	_ =	shalt  }
0x67: {  	_ =	shalt  }
0x68: {  	_ =	shalt  }
0x69: {  	_ =	shalt  }
0x6a: {  	_ =	shalt  }
0x6b: {  	_ =	shalt  }
0x6c: {  	_ =	shalt  }
0x6d: {  	_ =	shalt  }
0x6e: {  	_ =	shalt  }
0x6f: {  	_ =	shalt  }
0x70: {  	_ =	shalt  }
0x71: {  	_ =	shalt  }
0x72: {  	_ =	shalt  }
0x73: {  	_ =	shalt  }
0x74: {  	_ =	shalt  }
0x75: {  	_ =	shalt  }
0x76: {  	_ =	shalt  }
0x77: {  	_ =	shalt  }
0x78: {  	_ =	shalt  }
0x79: {  	_ =	shalt  }
0x7a: {  	_ =	shalt  }
0x7b: {  	_ =	shalt  }
0x7c: {  	_ =	shalt  }
0x7d: {  	_ =	shalt  }
0x7e: {  	_ =	shalt  }
0x7f: {  	_ =	shalt  }
0x80: {  	_ =	shalt  }
0x81: {  	_ =	shalt  }
0x82: {  	_ =	shalt  }
0x83: {  	_ =	shalt  }
0x84: {  	_ =	shalt  }
0x85: {  	_ =	shalt  }
0x86: {  	_ =	shalt  }
0x87: {  	_ =	shalt  }
.Lfunc_end0:
.L_simem_size_0:
called_computation_lowered:
.L_overlay_start_0:
0x88: {  	s2 =	sld [smem:$0x3FD9]  }
0x89: {  	s3 =	sld [smem:$0x3FFE];
	_ =	sdelay $0x1  }
0x8a: {  	s1 =	srdreg.scid  }
0x8b: {  	s0 =	sand.u32 $0x1, s1  }
0x8c: {  	s16 =	sshll.u32 s0, $0xA;
	s2 =	sadd.s32 s3, s2  }
0x8d: {  	s2 =	sadd.s32 s2, s16  }
0x8e: {  	[smem:$0x3FC7] =	sst s2  }
0x8f: {  	_ = 	snop  }
0x90: {  	(tm) =	ssettm $0x1  }
0x91: {  	s17 =	sld [smem:$0x3FFB];
	_ =	sdelay $0x3  }
0x92: {  	_ =	strace s17  }
0x93: {  	s2 =	sld [smem:$0x3FFC];
	_ =	sdelay $0x3  }
0x94: {  	_ =	strace s2  }
0x95: {  	s2 =	sld [smem:$0x3FFD];
	_ =	sdelay $0x3  }
0x96: {  	_ =	strace s2  }
0x97: {  	_ =	strace $0x8FFFFFFF  }
0x98: {  	s18 =	sld [smem:$0x3FDB];
	_ =	sdelay $0x1  }
0x99: {  	s19 =	simm.s32 $_scs_section_size  }
0x9a: {  	s4 =	simm.s32 $_size__tile_overlayer_lowered;
	s5 =	simm.s32 $_tile_overlayer_lowered  }
0x9b: {  	s22 =	simm.s32 $0x1BFF;
	s21 =	sshll.u32 s5, $0x1;
	s2 =	sadd.s32 s19, s18  }
0x9c: {  	s6 =	simm.s32 $0x0;
	s20 =	sshll.u32 s4, $0x1;
	s4 =	sadd.s32 s21, s2  }
0x9d: {  	[timem:s6], [sflag:s22] =	dma.local [hbm:s4], s20  }
0x9e: {  	_ =	swait.ge [sflag:s22], s20  }
0x9f: {  	s3 =	ssub.s32 $0x0, s20;
	[sflag:s22] =	ssyncset.done $0x0  }
0xa0: {  	[sflag:s22] =	ssyncadd.s32 s3;
	_ =	sdelay $0x1  }
0xa1: {  	s23 =	simm.s32 $0x1B8B  }
0xa2: {  	_ =	swait.ge [sflag:s23], $0x1  }
0xa3: {  	[sflag:s23] =	ssyncset.done $0x0  }
0xa4: {  	s25 =	simm.s32 $0x1B8E;
	s24 =	sld [smem:$0x3FFE];
	[sflag:s23] =	ssyncadd.s32 $0xFFFFFFFF  }
0xa5: {  	s26 =	simm.s32 $execute0_lowered;
	[smem:$0x3FD2] =	sst s25  }
0xa6: {  	s4 =	sshll.u32 s26, $0x1;
	_ =	strace $0x80000046;
	[dreg:$0x1] =	wrdreg $0xFFFFFFFF  }
0xa7: {  	s28 =	simm.s32 $_size_execute0_lowered;
	s2 =	sadd.s32 s2, s4;
	[dreg:$0x0] =	wrdreg $0x0  }
0xa8: {  	s4 =	sshll.u32 s28, $0x1;
	[dreg:$0x2] =	wrdreg s2  }
0xa9: {  	[dreg:$0x3] =	wrdreg s4  }
0xaa: {  	[dreg:$0x4] =	wrdreg $0xC0  }
0xab: {  	_ =	task [dreg:s6], $0x5FFFF  }
0xac: {  	[dreg:$0x1] =	wrdreg $0xFFFFFFFF  }
0xad: {  	[dreg:$0x0] =	wrdreg $0x60  }
0xae: {  	[dreg:$0x2] =	wrdreg s24  }
0xaf: {  	[dreg:$0x3] =	wrdreg $0x9  }
0xb0: {  	_ =	task.clear_ibuf [dreg:s6], $0x4FFFF;
	_ =	strace $0x90000046  }
0xb1: {  	s29 =	simm.s32 $0x9;
	_ =	strace $0x80000048  }
0xb2: {  	_ =	swait.ge [sflag:s29], $0x1  }
0xb3: {  	[sflag:s29] =	ssyncadd.s32 $0xFFFFFFFF  }
0xb4: {  	_ =	strace $0x90000048  }
0xb5: {  	_ =	sfence  }
0xb6: {  	s30 =	sld [smem:$0x0];
	_ =	sdelay $0x2  }
0xb7: {  	s31 =	sshll.u32 s1, $0xD;
	s1 =	sshrl.u32 s1, $0x2  }
0xb8: {  	s3 =	sand.u32 $0x4000, s31;
	s1 =	sadd.s32 s1, s30  }
0xb9: {  	s0 =	sor.u32 s3, s0;
	s1 =	sshll.u32 s1, $0x11  }
0xba: {  	s0 =	sor.u32 s1, s0  }
0xbb: {  	s0 =	sadd.s32 $0x8F2B, s0  }
0xbc: {  	[sflag:s0] =	ssyncadd.remote.s32 $0x1  }
0xbd: {  	_ =	sfence.sel $0xFFFF  }
0xbe: {  	[dreg:$0x0] =	wrdreg $0xFFFFFFFF;
	(pc) =	sbr.abs _section_cstart, $3  }
0xbf: {  	[dreg:$0x1] =	wrdreg $0xFFFFFFFF  }
0xc0: {  	_ =	task.clear_ibuf [dreg:s6], $0x2FFFF;
	_ =	strace $0x9FFFFFFF  }
0xc1: {  	(tm) =	ssettm $0x7FFFFFFF  }
tec
execute0_lowered:
.L_overlay_start_1:
0x0: {  	(tag) =	ssettag $0x1  }
0x1: {  	v0 =	vimm.s32 $0xFEDCBA98;
	v1 =	vimm.s32 $0x76543210  }
0x2: {  	v2 =	vimm.s32 $0xEFCDAB89;
	v3 =	vimm.s32 $0x67452301;
	v4 =	vimm.s32 $0xDCFE98BA  }
0x3: {  	v5 =	vimm.s32 $0x54761032;
	v6 =	vimm.s32 $0x32107654;
	v0 =	vunpack.c.l.s4.s8 v0  }
0x4: {  	v7 =	vimm.s32 $0xEDCBA987;
	v8 =	vimm.s32 $0x6543210F;
	v1 =	vunpack.c.l.s4.s8 v1  }
0x5: {  	v9 =	vimm.s32 $0x65432100;
	vm0 =	vmmov $0xff;
	v0 =	vunpack.c.0.s8.s32 v0  }
0x6: {  	s3 =	rddreg [dreg:$0x0];
	s2 =	srdreg.scid;
	v2 =	vunpack.c.l.s4.s8 v2;
	v3 =	vunpack.c.l.s4.s8 v3;
	v1 =	vunpack.c.0.s8.s32 v1  }
0x7: {  	s0 =	rddreg [dreg:$0x1];
	s1 =	stileid.u32;
	s10 =	simm.s32 $0x4000;
	v4 =	vunpack.c.l.s4.s8 v4;
	v6 =	vunpack.c.l.s4.s8 v6;
	v0 =	vand.u32 $0xF, v0  }
0x8: {  	s11 =	simm.s32 $0x1;
	s12 =	simm.s32 $0x8800;
	s13 =	simm.s32 $0x3;
	v7 =	vunpack.c.l.s4.s8 v7;
	v8 =	vunpack.c.l.s4.s8 v8;
	v0 =	vcombine.low v0, v1  }
0x9: {  	s14 =	simm.s32 $0x4;
	s15 =	simm.s32 $0x0;
	s4 =	sand.u32 $0x1, s2;
	v1 =	vunpack.c.0.s8.s32 v2;
	v2 =	vunpack.c.l.s4.s8 v5;
	v5 =	vimm.s32 $0xBA98FEDC  }
0xa: {  	s2 =	simm.s32 $0x0;
	s5 =	sshll.u32 s1, $0x7;
	v9 =	vunpack.c.l.s4.s8 v9;
	s6 =	sshll.u32 s4, $0x6;
	v3 =	vunpack.c.0.s8.s32 v3;
	v5 =	vunpack.c.l.s4.s8 v5  }
0xb: {  	[smem:$0x7FF] =	sst s2;
	s4 =	ssub.s32 $0x2, s4;
	v4 =	vunpack.c.0.s8.s32 v4;
	s5 =	sor.u32 s6, s5;
	v6 =	vunpack.c.0.s8.s32 v6;
	v2 =	vunpack.c.0.s8.s32 v2  }
.Ltmp0:
0xc: {  	_ =	strace $0x80000047;
	s31 =	sshrl.u32 s4, $0x1;
	v7 =	vunpack.c.0.s8.s32 v7;
	v8 =	vunpack.c.0.s8.s32 v8;
	v5 =	vunpack.c.0.s8.s32 v5;
	(pc) =	sbr.rel .LBB2_1-.Ltmp0, $4  }
0xd: {  	vm2 =	vcmask $0x2718;
	s6 =	sshll.u32 s5, $0x7;
	s5 =	sshll.u32 s5, $0x4;
	s8 =	ssub.s32 s4, s31;
	v1 =	vcombine.low v3, v1;
	v2 =	vcombine.low v2, v4  }
0xe: {  	s7 =	sadd.s32 s6, s3;
	s9 =	sadd.s32 s5, s3;
	s8 =	smax.u32 s8, $0x1;
	v4 =	vunpack.c.0.s8.s32 v9;
	v3 =	vcombine.low v6, v5;
	v5 =	vcombine.low v8, v7  }
0xf: {  	vm3 =	vcmask $0x132C;
	vm1 =	vmmov $0x1;
	s3 =	sadd.s32 $0x400, s7;
	s4 =	sadd.s32 $0xC00, s7;
	s6 =	sadd.s32 $0x200400, s9;
	v6 =	vand.u32 $0xF, v7  }
0x10: {  	vm2 =	vmor vm3, vm2;
	s5 =	sadd.s32 $0x1400, s7;
	s7 =	sadd.s32 $0x1C00, s7;
	s9 =	sadd.s32 $0x200500, s9;
	v4 =	vcombine.low v4, v6;
	v5 =	vand.u32 $0xF, v5  }
.LBB2_12:
0x11: {  	[hbm4b:s16+s2] =	stream.linear.scatter [tilespmem:s12], [sflag:$0x4], $0x800, $0x38;
	[tilespmem:$0x9000] =	vst v63  }
0x12: {  	s15 =	sadd.s32 $0x1, s15  }
0x13: {  	_ =	swait.ge [sflag:s13], $0x800;
	p0 =	sne.s32 s15, s8  }
.Ltmp1:
0x14: {  	[sflag:s13] =	ssyncset.done $0x0;
	(pc) =	sbr.rel @!p0 .LBB2_13-.Ltmp1, $4  }
0x15: {  	[sflag:s13] =	ssyncadd.s32 $0xFFFFF800  }
0x16: {  	_ =	swait.ge [sflag:s14], $0x800  }
0x17: {  	[sflag:s14] =	ssyncset.done $0x0  }
0x18: {  	[sflag:s14] =	ssyncadd.s32 $0xFFFFF800  }
.LBB2_1:
0x19: {  	[tilespmem:s2], [sflag:$0x1] =	stream.linear.gather [hbm4b:s3+s2], $0x4000, $0x38;
	[tilespmem:$0x9000] =	vst v63  }
0x1a: {  	p0 =	por $0x1, $0x1;
	s16 =	simm.s32 $0x0  }
0x1b: {  	[tilespmem:s10], [sflag:$0x2] =	stream.linear.gather [hbm4b:s4+s2], $0x4000, $0x38;
	[tilespmem:$0x9000] =	vst v63  }
.LBB2_2:
0x1c: {  	_ =	swait.ge [sflag:s11], $0x4000  }
0x1d: {  	[sflag:s11] =	ssyncset.done $0x0  }
0x1e: {  	s17 =	simm.s32 @!p0 $0x3;
	[sflag:s11] =	ssyncadd.s32 $0xFFFFC000  }
0x1f: {  	_ =	swait.ge @!p0 [sflag:s17], $0x800  }
0x20: {  	s18 =	simm.s32 $0x0;
	[sflag:s17] =	ssyncset.done @!p0 $0x0  }
0x21: {  	s19 =	simm.s32 $0x0;
	[sflag:s17] =	ssyncadd.s32 @!p0 $0xFFFFF800;
	s17 =	simm.s32 $0x0  }
.LBB2_3:
0x22: {  	s20 =	sshll.u32 s18, $0x2;
	s21 =	sand.u32 $0x7, s17  }
0x23: {  	s20 =	sand.u32 $0xFFFF8000, s20;
	s21 =	sshll.u32 s21, $0x9  }
0x24: {  	s20 =	sor.u32 s21, s20  }
0x25: {  	s20 =	sshrl.u32 s20, $0x2  }
0x26: {  	s20 =	sor.u32 $0x40, s20  }
0x27: {  	v9 =	vmov s20;
	_ =	sdelay $0x3  }
0x28: {  	s30 =	simm.s32 $0x0  }
0x29: {  	v6 =	vld.idx.msk [tilespmem:v9+s30+$0x0 ss:$0x1], $0xffff  }
0x2a: {  	v7 =	vld.idx.msk [tilespmem:v9+s30+$0x30 ss:$0x1], $0xffff  }
0x2b: {  	v10 =	vld.idx.msk [tilespmem:v9+s30+$0x20 ss:$0x1], $0xffff  }
0x2c: {  	v11 =	vld.idx.msk [tilespmem:v9+s30+$0xFFFFFFD0 ss:$0x1], $0xffff  }
0x2d: {  	v14 =	vld.idx.msk [tilespmem:v9+s30+$0x10 ss:$0x1], $0xffff  }
0x2e: {  	v17 =	vld.idx.msk [tilespmem:v9+s30+$0xFFFFFFF0 ss:$0x1], $0xffff;
	v6 =	vmul.f32 $1.442695020e+00, v6  }
0x2f: {  	v18 =	vld.idx.msk [tilespmem:v9+s30+$0xFFFFFFE0 ss:$0x1], $0xffff;
	v7 =	vmul.f32 $1.442695020e+00, v7  }
0x30: {  	v13 =	vld.idx.msk [tilespmem:v9+s30+$0xFFFFFFC0 ss:$0x1], $0xffff;
	v12 =	vadd.f32 $1.258291200e+07, v6  }
0x31: {  	v16 =	vadd.f32 $1.258291200e+07, v7  }
0x32: {  	v10 =	vmul.f32 $1.442695020e+00, v10;
	v14 =	vmul.f32 $1.442695020e+00, v14;
	v8 =	vadd.f32 $-1.258291200e+07, v12  }
0x33: {  	v11 =	vmul.f32 $1.442695020e+00, v11;
	v22 =	vmul.f32 $1.442695020e+00, v17;
	v15 =	vadd.f32 $-1.258291200e+07, v16  }
0x34: {  	v27 =	vmul.f32 $1.442695020e+00, v18;
	v24 =	vadd.f32 $1.258291200e+07, v14;
	v6 =	vsub.f32 v6, v8  }
0x35: {  	v13 =	vmul.f32 $1.442695020e+00, v13;
	v18 =	vadd.f32 $1.258291200e+07, v22;
	v7 =	vsub.f32 v7, v15  }
0x36: {  	v28 =	vadd.f32 $1.258291200e+07, v27;
	v20 =	vshll.u32 v16, $0x17;
	v19 =	vmul.f32 $5.587553610e-02, v6  }
0x37: {  	v16 =	vadd.f32 $1.258291200e+07, v13;
	v25 =	vadd.f32 $-1.258291200e+07, v24;
	v21 =	vmul.f32 $5.587553610e-02, v7  }
0x38: {  	v29 =	vshll.u32 v18, $0x17;
	v12 =	vshll.u32 v12, $0x17;
	v19 =	vadd.f32 $2.422946240e-01, v19  }
0x39: {  	v18 =	vadd.f32 $-1.258291200e+07, v18;
	v12 =	vadd.s32 $0x3F800000, v12;
	v21 =	vadd.f32 $2.422946240e-01, v21  }
0x3a: {  	v15 =	vadd.f32 $1.258291200e+07, v10;
	v17 =	vshll.u32 v16, $0x17;
	v19 =	vmul.f32 v19, v6  }
0x3b: {  	v26 =	vadd.f32 $-1.258291200e+07, v16;
	v14 =	vsub.f32 v14, v25;
	v21 =	vmul.f32 v21, v7  }
0x3c: {  	v16 =	vshll.u32 v24, $0x17;
	v24 =	vadd.f32 $1.258291200e+07, v11;
	v19 =	vadd.f32 $6.931272750e-01, v19  }
0x3d: {  	v8 =	vimm.f32 $1.000000000e+00;
	v23 =	vadd.f32 $-1.258291200e+07, v15;
	v21 =	vadd.f32 $6.931272750e-01, v21  }
0x3e: {  	v30 =	vsub.f32 v22, v18;
	v25 =	vadd.s32 $0x3F800000, v29;
	v6 =	vmul.f32 v19, v6  }
0x3f: {  	v22 =	vsub.f32 v13, v26;
	v18 =	vsub.f32 v10, v23;
	v7 =	vmul.f32 v21, v7  }
0x40: {  	v19 =	vadd.s32 $0x3F800000, v20;
	v20 =	vmul.f32 $5.587553610e-02, v30;
	v6 =	vadd.f32 $9.999482630e-01, v6  }
0x41: {  	v13 =	vadd.f32 $-1.258291200e+07, v28;
	v26 =	vmul.f32 $5.587553610e-02, v18;
	v7 =	vadd.f32 $9.999482630e-01, v7  }
0x42: {  	v10 =	vadd.f32 $2.422946240e-01, v20;
	v20 =	vmul.f32 $5.587553610e-02, v22;
	v6 =	vmul.f32 v12, v6  }
0x43: {  	v23 =	vadd.f32 $-1.258291200e+07, v24;
	v12 =	vmul.f32 $5.587553610e-02, v14;
	v7 =	vmul.f32 v19, v7  }
0x44: {  	v19 =	vshll.u32 v24, $0x17;
	v10 =	vmul.f32 v10, v30;
	v20 =	vadd.f32 $2.422946240e-01, v20  }
0x45: {  	v24 =	vsub.f32 v11, v23;
	v23 =	vshll.u32 v28, $0x17;
	v6 =	vadd.f32 $1.000000000e+00, v6  }
0x46: {  	v12 =	vadd.f32 $2.422946240e-01, v12;
	v21 =	vadd.f32 $1.000000000e+00, v7;
	v11 =	vmul.f32 v20, v22  }
0x47: {  	v10 =	vadd.f32 $6.931272750e-01, v10;
	v29 =	vmul.f32 $5.587553610e-02, v24;
	v7 =	vmul.f32 v6, v8  }
0x48: {  	v12 =	vmul.f32 v12, v14;
	v6 =	vmul.f32 v21, v8;
	v21 =	vsub.f32 v27, v13  }
0x49: {  	v10 =	vmul.f32 v10, v30;
	v27 =	vadd.f32 $6.931272750e-01, v11;
	v29 =	vadd.f32 $2.422946240e-01, v29  }
0x4a: {  	s22 =	sshll.u32 s19, $0xA;
	s20 =	sshll.u32 s19, $0x7;
	v13 =	vimm.f32 $1.000000000e+00;
	v11 =	vimm.f32 $1.000000000e+00;
	v12 =	vadd.f32 $6.931272750e-01, v12  }
0x4b: {  	s31 =	sand.u32 $0x2000, s22;
	s23 =	sand.u32 $0x380, s20;
	v28 =	vmul.f32 $5.587553610e-02, v21;
	v30 =	vadd.f32 $9.999482630e-01, v10;
	v10 =	vimm.f32 $1.000000000e+00  }
0x4c: {  	s24 =	simm.s32 $0x1000;
	s21 =	sor.u32 s23, s31;
	v20 =	vmul.f32 v12, v14;
	v14 =	vimm.f32 $1.000000000e+00;
	v12 =	vimm.f32 $1.000000000e+00  }
.LBB2_4:
0x4d: {  	s25 =	sshra.s32 s24, $0x2;
	p1 =	sne.s32 s24, $0x6000;
	s24 =	sadd.s32 $0x1000, s24;
	v22 =	vmul.f32 v27, v22;
	v15 =	vshll.u32 v15, $0x17;
	v26 =	vadd.f32 $2.422946240e-01, v26  }
0x4e: {  	v27 =	vld.idx.msk [tilespmem:v9+s25+$0x20 ss:$0x1], $0xffff;
	v29 =	vmul.f32 v29, v24;
	v28 =	vadd.f32 $2.422946240e-01, v28;
	v25 =	vmul.f32 v25, v30  }
0x4f: {  	v31 =	vadd.s32 $0x3F800000, v15;
	v30 =	vld.idx.msk [tilespmem:v9+s25+$0x30 ss:$0x1], $0xffff;
	v22 =	vadd.f32 $9.999482630e-01, v22;
	v15 =	vmul.f32 v26, v18  }
0x50: {  	v17 =	vadd.s32 $0x3F800000, v17;
	v26 =	vld.idx.msk [tilespmem:v9+s25+$0x0 ss:$0x1], $0xffff;
	v29 =	vadd.f32 $6.931272750e-01, v29;
	v25 =	vadd.f32 $1.000000000e+00, v25  }
0x51: {  	v32 =	vld.idx.msk [tilespmem:v9+s25+$0xFFFFFFD0 ss:$0x1], $0xffff;
	v17 =	vmul.f32 v17, v22;
	v22 =	vmul.f32 v28, v21;
	v15 =	vadd.f32 $6.931272750e-01, v15  }
0x52: {  	v16 =	vadd.s32 $0x3F800000, v16;
	v28 =	vld.idx.msk [tilespmem:v9+s25+$0xFFFFFFC0 ss:$0x1], $0xffff;
	v24 =	vmul.f32 v29, v24;
	v8 =	vmul.f32 v25, v8  }
0x53: {  	v25 =	vld.idx.msk [tilespmem:v9+s25+$0x10 ss:$0x1], $0xffff;
	v17 =	vadd.f32 $1.000000000e+00, v17;
	v22 =	vadd.f32 $6.931272750e-01, v22;
	v15 =	vmul.f32 v15, v18  }
0x54: {  	v19 =	vadd.s32 $0x3F800000, v19;
	v23 =	vadd.s32 $0x3F800000, v23;
	v18 =	vld.idx.msk [tilespmem:v9+s25+$0xFFFFFFE0 ss:$0x1], $0xffff;
	v24 =	vadd.f32 $9.999482630e-01, v24  }
0x55: {  	v14 =	vmul.f32 v17, v14;
	v17 =	vmul.f32 v22, v21;
	v21 =	vadd.f32 $9.999482630e-01, v15  }
0x56: {  	v22 =	vmul.f32 $1.442695020e+00, v26;
	v15 =	vmul.f32 v19, v24;
	v19 =	vadd.f32 $9.999482630e-01, v20  }
0x57: {  	v20 =	vmul.f32 $1.442695020e+00, v27;
	v24 =	vmul.f32 $1.442695020e+00, v30;
	v17 =	vadd.f32 $9.999482630e-01, v17  }
0x58: {  	v26 =	vmul.f32 $1.442695020e+00, v32;
	v27 =	vadd.f32 $1.258291200e+07, v22;
	v29 =	vadd.f32 $1.000000000e+00, v15  }
0x59: {  	v15 =	vadd.f32 $1.258291200e+07, v20;
	v30 =	vadd.f32 $1.258291200e+07, v24;
	v17 =	vmul.f32 v23, v17  }
0x5a: {  	v21 =	vmul.f32 v31, v21;
	v23 =	vmul.f32 $1.442695020e+00, v28;
	v32 =	vadd.f32 $-1.258291200e+07, v27;
	v28 =	vld.idx.msk [tilespmem:v9+s25+$0xFFFFFFF0 ss:$0x1], $0xffff  }
0x5b: {  	v25 =	vmul.f32 $1.442695020e+00, v25;
	v16 =	vmul.f32 v16, v19;
	v31 =	vadd.f32 $-1.258291200e+07, v30  }
0x5c: {  	v21 =	vadd.f32 $1.000000000e+00, v21;
	v19 =	vsub.f32 v22, v32;
	v22 =	vshll.u32 v30, $0x17  }
0x5d: {  	v13 =	vmul.f32 v29, v13;
	v16 =	vadd.f32 $1.000000000e+00, v16;
	v24 =	vsub.f32 v24, v31  }
0x5e: {  	v30 =	vadd.f32 $-1.258291200e+07, v15;
	v17 =	vadd.f32 $1.000000000e+00, v17;
	v29 =	vmul.f32 $5.587553610e-02, v19  }
0x5f: {  	v31 =	vadd.f32 $1.258291200e+07, v23;
	v12 =	vmul.f32 v16, v12;
	v32 =	vmul.f32 $5.587553610e-02, v24  }
0x60: {  	v10 =	vmul.f32 v21, v10;
	v28 =	vmul.f32 $1.442695020e+00, v28;
	v16 =	vadd.f32 $2.422946240e-01, v29  }
0x61: {  	v21 =	vadd.f32 $1.258291200e+07, v25;
	v11 =	vmul.f32 v17, v11;
	v29 =	vadd.f32 $2.422946240e-01, v32  }
0x62: {  	v17 =	vshll.u32 v31, $0x17;
	v32 =	vmul.f32 $1.442695020e+00, v18;
	v16 =	vmul.f32 v16, v19  }
0x63: {  	v33 =	vadd.f32 $-1.258291200e+07, v21;
	v18 =	vadd.f32 $1.258291200e+07, v28;
	v29 =	vmul.f32 v29, v24  }
0x64: {  	v31 =	vadd.f32 $-1.258291200e+07, v31;
	v34 =	vadd.f32 $6.931272750e-01, v16;
	v16 =	vshll.u32 v21, $0x17  }
0x65: {  	v35 =	vadd.f32 $1.258291200e+07, v32;
	v21 =	vshll.u32 v18, $0x17;
	v29 =	vadd.f32 $6.931272750e-01, v29  }
0x66: {  	v33 =	vsub.f32 v25, v33;
	v18 =	vadd.f32 $-1.258291200e+07, v18;
	v19 =	vmul.f32 v34, v19  }
0x67: {  	v27 =	vshll.u32 v27, $0x17;
	v25 =	vadd.f32 $1.258291200e+07, v26;
	v24 =	vmul.f32 v29, v24  }
0x68: {  	v28 =	vsub.f32 v28, v18;
	v18 =	vadd.f32 $9.999482630e-01, v19;
	v19 =	vadd.s32 $0x3F800000, v22  }
0x69: {  	v22 =	vsub.f32 v23, v31;
	v23 =	vadd.s32 $0x3F800000, v27;
	v24 =	vadd.f32 $9.999482630e-01, v24  }
0x6a: {  	v27 =	vadd.f32 $-1.258291200e+07, v35;
	v29 =	vmul.f32 $5.587553610e-02, v28;
	v23 =	vmul.f32 v23, v18  }
0x6b: {  	v31 =	vmul.f32 $5.587553610e-02, v33;
	v18 =	vsub.f32 v20, v30;
	v20 =	vmul.f32 v19, v24  }
0x6c: {  	v19 =	vshll.u32 v25, $0x17;
	v24 =	vadd.f32 $2.422946240e-01, v29;
	v23 =	vadd.f32 $1.000000000e+00, v23  }
0x6d: {  	v30 =	vadd.f32 $2.422946240e-01, v31;
	v29 =	vmul.f32 $5.587553610e-02, v22;
	v20 =	vadd.f32 $1.000000000e+00, v20  }
0x6e: {  	v25 =	vadd.f32 $-1.258291200e+07, v25;
	v31 =	vmul.f32 v24, v28;
	v7 =	vmul.f32 v23, v7  }
0x6f: {  	v23 =	vadd.f32 $2.422946240e-01, v29;
	v29 =	vmul.f32 v30, v33;
	v6 =	vmul.f32 v20, v6  }
.Ltmp2:
0x70: {  	v24 =	vsub.f32 v26, v25;
	v25 =	vadd.s32 $0x3F800000, v21;
	v20 =	vadd.f32 $6.931272750e-01, v31;
	(pc) =	sbr.rel @p1 .LBB2_4-.Ltmp2, $4  }
0x71: {  	v26 =	vmul.f32 $5.587553610e-02, v18;
	v23 =	vmul.f32 v23, v22;
	v29 =	vadd.f32 $6.931272750e-01, v29  }
0x72: {  	v21 =	vsub.f32 v32, v27;
	v30 =	vmul.f32 $5.587553610e-02, v24;
	v31 =	vmul.f32 v20, v28  }
0x73: {  	v27 =	vadd.f32 $6.931272750e-01, v23;
	v23 =	vshll.u32 v35, $0x17;
	v20 =	vmul.f32 v29, v33  }
0x74: {  	v28 =	vmul.f32 $5.587553610e-02, v21;
	v29 =	vadd.f32 $2.422946240e-01, v30;
	v30 =	vadd.f32 $9.999482630e-01, v31  }
0x75: {  	s22 =	sor.u32 s22, s23;
	v22 =	vmul.f32 v27, v22  }
0x76: {  	v26 =	vadd.f32 $2.422946240e-01, v26;
	v17 =	vadd.s32 $0x3F800000, v17;
	v15 =	vshll.u32 v15, $0x17;
	s23 =	sor.u32 $0x1C00, s22  }
0x77: {  	v16 =	vadd.s32 $0x3F800000, v16;
	v19 =	vadd.s32 $0x3F800000, v19;
	v57 =	vadd.f32 $9.999482630e-01, v20;
	s26 =	sor.u32 $0x1C10, s22;
	v9 =	vld [tilespmem:s23+$0x0]  }
0x78: {  	v46 =	vmul.f32 v29, v24;
	v25 =	vmul.f32 v25, v30;
	v28 =	vadd.f32 $2.422946240e-01, v28;
	s28 =	sor.u32 $0x1C20, s22;
	v50 =	vld [tilespmem:s26+$0x0]  }
0x79: {  	s29 =	sor.u32 $0x1C30, s22;
	v22 =	vadd.f32 $9.999482630e-01, v22;
	v26 =	vmul.f32 v26, v18;
	v56 =	vld [tilespmem:s28+$0x0];
	v16 =	vmul.f32 v16, v57  }
0x7a: {  	s30 =	sor.u32 $0x1C60, s22;
	v62 =	vld [tilespmem:s29+$0x0];
	v27 =	vadd.f32 $6.931272750e-01, v46;
	v25 =	vadd.f32 $1.000000000e+00, v25;
	v47 =	vmul.f32 v28, v21  }
0x7b: {  	s31 =	sor.u32 $0x1C40, s22;
	v29 =	vld.msk [tilespmem:s30+$0x0], $0xff;
	v17 =	vmul.f32 v17, v22;
	v26 =	vadd.f32 $6.931272750e-01, v26;
	v16 =	vadd.f32 $1.000000000e+00, v16  }
0x7c: {  	v33 =	vld [tilespmem:s31+$0x0];
	v48 =	vmul.f32 v27, v24;
	v8 =	vmul.f32 v25, v8;
	v22 =	vadd.f32 $6.931272750e-01, v47  }
0x7d: {  	v23 =	vadd.s32 $0x3F800000, v23;
	v52 =	vmul.f32 v26, v18;
	v12 =	vmul.f32 v16, v12  }
0x7e: {  	v15 =	vadd.s32 $0x3F800000, v15;
	v9 =	vmul.f32 $1.442695020e+00, v9;
	v53 =	vmul.f32 v22, v21  }
0x7f: {  	v17 =	vadd.f32 $1.000000000e+00, v17;
	v55 =	vmul.f32 $1.442695020e+00, v50;
	v61 =	vmul.f32 $1.442695020e+00, v56  }
0x80: {  	v24 =	vadd.f32 $9.999482630e-01, v48;
	v37 =	vmul.f32 $1.442695020e+00, v62;
	v38 =	vmul.f32 $1.442695020e+00, v29  }
0x81: {  	v39 =	vmul.f32 $1.442695020e+00, v33;
	v18 =	vadd.f32 $9.999482630e-01, v52;
	v31 =	vadd.f32 $1.258291200e+07, v9  }
0x82: {  	v14 =	vmul.f32 v17, v14;
	v21 =	vadd.f32 $9.999482630e-01, v53;
	v58 =	vadd.f32 $1.258291200e+07, v55  }
0x83: {  	v19 =	vmul.f32 v19, v24;
	v63 =	vadd.f32 $1.258291200e+07, v61;
	v40 =	vadd.f32 $1.258291200e+07, v38  }
0x84: {  	v42 =	vadd.f32 $1.258291200e+07, v39;
	v15 =	vmul.f32 v15, v18;
	v32 =	vadd.f32 $-1.258291200e+07, v31  }
0x85: {  	v19 =	vadd.f32 $1.000000000e+00, v19;
	v21 =	vmul.f32 v23, v21;
	v59 =	vadd.f32 $-1.258291200e+07, v58  }
0x86: {  	s22 =	sor.u32 $0x1C50, s22;
	v60 =	vshll.u32 v31, $0x17;
	v23 =	vadd.f32 $1.258291200e+07, v37;
	v43 =	vadd.f32 $-1.258291200e+07, v40  }
0x87: {  	v35 =	vld [tilespmem:s22+$0x0];
	v20 =	vshll.u32 v58, $0x17;
	v45 =	vadd.f32 $-1.258291200e+07, v42;
	v9 =	vsub.f32 v9, v32  }
0x88: {  	v56 =	vshll.u32 v40, $0x17;
	v58 =	vshll.u32 v42, $0x17;
	v15 =	vadd.f32 $1.000000000e+00, v15  }
0x89: {  	v18 =	vadd.s32 $0x3F800000, v60;
	v20 =	vadd.s32 $0x3F800000, v20;
	v49 =	vmul.f32 $5.587553610e-02, v9  }
0x8a: {  	v57 =	vadd.s32 $0x3F800000, v56;
	v17 =	vsub.f32 v55, v59;
	v30 =	vadd.f32 $1.000000000e+00, v21  }
0x8b: {  	v13 =	vmul.f32 v19, v13;
	v32 =	vadd.f32 $-1.258291200e+07, v63;
	v51 =	vadd.f32 $2.422946240e-01, v49  }
0x8c: {  	v41 =	vadd.f32 $-1.258291200e+07, v23;
	v19 =	vmul.f32 $1.442695020e+00, v35;
	v31 =	vmul.f32 $5.587553610e-02, v17  }
0x8d: {  	v21 =	vsub.f32 v38, v43;
	v24 =	vsub.f32 v39, v45;
	v54 =	vmul.f32 v51, v9  }
0x8e: {  	v23 =	vshll.u32 v23, $0x17;
	v36 =	vsub.f32 v61, v32;
	v34 =	vadd.f32 $2.422946240e-01, v31  }
0x8f: {  	v10 =	vmul.f32 v15, v10;
	v44 =	vadd.f32 $1.258291200e+07, v19;
	v22 =	vadd.f32 $6.931272750e-01, v54  }
0x90: {  	v16 =	vsub.f32 v37, v41;
	v48 =	vmul.f32 $5.587553610e-02, v21;
	v15 =	vmul.f32 v34, v17  }
0x91: {  	v47 =	vadd.f32 $-1.258291200e+07, v44;
	v9 =	vmul.f32 v22, v9;
	v22 =	vmul.f32 $5.587553610e-02, v36  }
0x92: {  	v59 =	vadd.s32 $0x3F800000, v58;
	v26 =	vadd.f32 $2.422946240e-01, v48;
	v15 =	vadd.f32 $6.931272750e-01, v15  }
0x93: {  	v46 =	vmul.f32 $5.587553610e-02, v16;
	v9 =	vadd.f32 $9.999482630e-01, v9;
	v22 =	vadd.f32 $2.422946240e-01, v22  }
0x94: {  	v19 =	vsub.f32 v19, v47;
	v26 =	vmul.f32 v26, v21;
	v15 =	vmul.f32 v15, v17  }
0x95: {  	v49 =	vadd.f32 $2.422946240e-01, v46;
	v9 =	vmul.f32 v18, v9;
	v22 =	vmul.f32 v22, v36  }
0x96: {  	v51 =	vmul.f32 $5.587553610e-02, v19;
	v53 =	vadd.f32 $6.931272750e-01, v26;
	v15 =	vadd.f32 $9.999482630e-01, v15  }
0x97: {  	v50 =	vmul.f32 $5.587553610e-02, v24;
	v9 =	vadd.f32 $1.000000000e+00, v9;
	v22 =	vadd.f32 $6.931272750e-01, v22  }
0x98: {  	v28 =	vadd.f32 $2.422946240e-01, v51;
	v15 =	vmul.f32 v20, v15;
	v20 =	vmul.f32 v49, v16  }
0x99: {  	v9 =	vmul.f32 v9, v14;
	v14 =	vmul.f32 v22, v36;
	v22 =	vadd.f32 $2.422946240e-01, v50  }
0x9a: {  	v21 =	vmul.f32 v53, v21;
	v54 =	vmul.f32 v28, v19;
	v20 =	vadd.f32 $6.931272750e-01, v20  }
0x9b: {  	v18 =	vshll.u32 v63, $0x17;
	v14 =	vadd.f32 $9.999482630e-01, v14;
	v52 =	vmul.f32 v22, v24  }
0x9c: {  	v18 =	vadd.s32 $0x3F800000, v18;
	v16 =	vmul.f32 v20, v16;
	v20 =	vadd.f32 $6.931272750e-01, v54  }
0x9d: {  	v21 =	vadd.f32 $9.999482630e-01, v21;
	v14 =	vmul.f32 v18, v14;
	v18 =	vadd.f32 $6.931272750e-01, v52  }
0x9e: {  	v55 =	vadd.s32 $0x3F800000, v23;
	v11 =	vmul.f32 v30, v11;
	v19 =	vmul.f32 v20, v19  }
0x9f: {  	v15 =	vadd.f32 $1.000000000e+00, v15;
	v20 =	vmul.f32 v57, v21;
	v18 =	vmul.f32 v18, v24  }
0xa0: {  	v17 =	vshll.u32 v44, $0x17;
	v16 =	vadd.f32 $9.999482630e-01, v16;
	v19 =	vadd.f32 $9.999482630e-01, v19  }
0xa1: {  	v17 =	vadd.s32 $0x3F800000, v17;
	v20 =	vadd.f32 $1.000000000e+00, v20;
	v18 =	vadd.f32 $9.999482630e-01, v18  }
0xa2: {  	v16 =	vmul.f32 v55, v16;
	v14 =	vadd.f32 $1.000000000e+00, v14;
	v17 =	vmul.f32 v17, v19  }
0xa3: {  	v60 =	vperm.xlane v20, v0;
	v18 =	vmul.f32 v59, v18  }
0xa4: {  	v13 =	vmul.f32 v15, v13;
	v16 =	vadd.f32 $1.000000000e+00, v16;
	v11 =	vmul.f32 v14, v11  }
0xa5: {  	v61 =	vadd.f32 $1.000000000e+00, v17;
	v62 =	vsel vm0, $0x3F800000, v60;
	v18 =	vadd.f32 $1.000000000e+00, v18  }
0xa6: {  	v8 =	vmul.f32 v16, v8;
	v10 =	vmul.f32 v62, v10  }
0xa7: {  	v12 =	vmul.f32 v61, v12;
	v7 =	vmul.f32 v18, v7  }
0xa8: {  	v9 =	vmul.f32 v13, v9;
	v8 =	vmul.f32 v8, v11  }
0xa9: {  	v6 =	vmul.f32 v10, v6;
	v7 =	vmul.f32 v12, v7;
	_ =	sdelay $0x1  }
0xaa: {  	v8 =	vmul.f32 v8, v9;
	v6 =	vmul.f32 v7, v6;
	_ =	sdelay $0x1  }
0xab: {  	v6 =	vmul.f32 v6, v8;
	_ =	sdelay $0x1  }
0xac: {  	(erf) = vrcp.f32 v6;
	_ =	sdelay $0x8  }
0xad: {  	v6 =	vpop (erf)  }
0xae: {  	v7 =	vperm.xlane v6, v1;
	_ =	sdelay $0x1  }
0xaf: {  	v6 =	vmul.f32 v6, v7;
	_ =	sdelay $0x1  }
0xb0: {  	v7 =	vperm.xlane v6, v2;
	_ =	sdelay $0x1  }
0xb1: {  	v6 =	vmul.f32 v6, v7;
	_ =	sdelay $0x1  }
0xb2: {  	v7 =	vperm.xlane v6, v3  }
0xb3: {  	v63 =	vld [tilespmem:s21+$0x0]  }
0xb4: {  	v6 =	vmul.f32 v6, v7;
	_ =	sdelay $0x1  }
0xb5: {  	v7 =	vperm.xlane v6, v0;
	_ =	sdelay $0x1  }
0xb6: {  	v6 =	vmul.f32 v6, v7;
	v7 =	vperm.xlane v63, v4;
	_ =	sdelay $0x1  }
0xb7: {  	v6 =	vsel vm1, v6, v7  }
0xb8: {  	v6 =	vnsel vm2, $0x0, v6  }
0xb9: {  	[tilespmem:s20+$0x8000] =	vst v6  }
0xba: {  	v6 =	vld [tilespmem:s21+$0x0]  }
0xbb: {  	v7 =	vld.msk [tilespmem:s21+$0x10], $0x7fff;
	_ =	sdelay $0x4  }
0xbc: {  	v6 =	vperm.xlane v6, v5;
	v7 =	vperm.xlane v7, v5;
	_ =	sdelay $0x1  }
0xbd: {  	v6 =	vsel vm1, v6, v7  }
0xbe: {  	[tilespmem:s20+$0x8010] =	vst v6  }
0xbf: {  	v6 =	vld [tilespmem:s21+$0x10]  }
0xc0: {  	v7 =	vld.msk [tilespmem:s21+$0x20], $0x7fff;
	_ =	sdelay $0x4  }
0xc1: {  	v6 =	vperm.xlane v6, v5;
	v7 =	vperm.xlane v7, v5;
	_ =	sdelay $0x1  }
0xc2: {  	v6 =	vsel vm1, v6, v7  }
0xc3: {  	[tilespmem:s20+$0x8020] =	vst v6  }
0xc4: {  	v6 =	vld [tilespmem:s21+$0x20]  }
0xc5: {  	v7 =	vld.msk [tilespmem:s21+$0x30], $0x7fff;
	_ =	sdelay $0x4  }
0xc6: {  	v6 =	vperm.xlane v6, v5;
	v7 =	vperm.xlane v7, v5;
	_ =	sdelay $0x1  }
0xc7: {  	v6 =	vsel vm1, v6, v7  }
0xc8: {  	[tilespmem:s20+$0x8030] =	vst v6  }
0xc9: {  	v6 =	vld [tilespmem:s21+$0x30]  }
0xca: {  	v7 =	vld.msk [tilespmem:s21+$0x40], $0x7fff;
	_ =	sdelay $0x4  }
0xcb: {  	v6 =	vperm.xlane v6, v5;
	v7 =	vperm.xlane v7, v5;
	_ =	sdelay $0x1  }
0xcc: {  	v6 =	vsel vm1, v6, v7  }
0xcd: {  	[tilespmem:s20+$0x8040] =	vst v6  }
0xce: {  	v6 =	vld [tilespmem:s21+$0x40]  }
0xcf: {  	v7 =	vld.msk [tilespmem:s21+$0x50], $0x7fff;
	_ =	sdelay $0x4  }
0xd0: {  	v6 =	vperm.xlane v6, v5;
	v7 =	vperm.xlane v7, v5;
	_ =	sdelay $0x1  }
0xd1: {  	v6 =	vsel vm1, v6, v7  }
0xd2: {  	[tilespmem:s20+$0x8050] =	vst v6  }
0xd3: {  	v6 =	vld [tilespmem:s21+$0x50]  }
0xd4: {  	v7 =	vld.msk [tilespmem:s21+$0x60], $0x7fff;
	_ =	sdelay $0x4  }
0xd5: {  	v6 =	vperm.xlane v6, v5;
	v7 =	vperm.xlane v7, v5;
	_ =	sdelay $0x1  }
0xd6: {  	v6 =	vsel vm1, v6, v7  }
0xd7: {  	[tilespmem:s20+$0x8060] =	vst v6  }
0xd8: {  	v6 =	vld [tilespmem:s21+$0x60]  }
0xd9: {  	v7 =	vld.msk [tilespmem:s21+$0x70], $0x7fff;
	_ =	sdelay $0x1  }
0xda: {  	s19 =	sadd.s32 $0x1, s19  }
0xdb: {  	p1 =	sne.s32 s19, $0x10  }
.Ltmp3:
0xdc: {  	_ = 	snop;
	(pc) =	sbr.rel @p1 .LBB2_3-.Ltmp3, $3  }
0xdd: {  	v6 =	vperm.xlane v6, v5;
	v7 =	vperm.xlane v7, v5;
	_ =	sdelay $0x1  }
0xde: {  	v6 =	vsel vm1, v6, v7  }
0xdf: {  	s18 =	sadd.s32 $0x400, s18;
	s17 =	sadd.s32 $0x1, s17;
	[tilespmem:s20+$0x8070] =	vst v6  }
0xe0: {  	s17 =	sadd.s32 @!p0 s16, s6;
	s18 =	simm.s32 @!p0 $0x0;
	s19 =	simm.s32 @!p0 $0x8000  }
0xe1: {  	[hbm4b:s17+s18] =	stream.linear.scatter @!p0 [tilespmem:s19], [sflag:$0x3], $0x800, $0x38;
	[tilespmem:$0x9000] =	vst v63  }
0xe2: {  	s17 =	simm.s32 @!p0 $0x2  }
0xe3: {  	_ =	swait.ge @!p0 [sflag:s17], $0x4000  }
0xe4: {  	[sflag:s17] =	ssyncset.done @!p0 $0x0  }
0xe5: {  	[sflag:s17] =	ssyncadd.s32 @!p0 $0xFFFFC000;
	s17 =	simm.s32 @!p0 $0x4  }
0xe6: {  	_ =	swait.ge @!p0 [sflag:s17], $0x800  }
0xe7: {  	[sflag:s17] =	ssyncset.done @!p0 $0x0  }
0xe8: {  	[sflag:s17] =	ssyncadd.s32 @!p0 $0xFFFFF800;
	s17 =	simm.s32 @p0 $0x0  }
0xe9: {  	[tilespmem:s17], [sflag:$0x1] =	stream.linear.gather @p0 [hbm4b:s5+s17], $0x4000, $0x38;
	[tilespmem:$0x9000] =	vst v63  }
0xea: {  	s18 =	sadd.s32 @p0 s16, s6;
	s19 =	simm.s32 @p0 $0x8000  }
0xeb: {  	[hbm4b:s18+s17] =	stream.linear.scatter @p0 [tilespmem:s19], [sflag:$0x3], $0x800, $0x38;
	[tilespmem:$0x9000] =	vst v63  }
0xec: {  	s17 =	simm.s32 @p0 $0x2  }
0xed: {  	_ =	swait.ge @p0 [sflag:s17], $0x4000  }
0xee: {  	s18 =	simm.s32 $0x0;
	[sflag:s17] =	ssyncset.done @p0 $0x0  }
0xef: {  	s19 =	simm.s32 $0x0;
	[sflag:s17] =	ssyncadd.s32 @p0 $0xFFFFC000;
	s17 =	simm.s32 $0x0  }
.LBB2_7:
0xf0: {  	s20 =	sshll.u32 s18, $0x2;
	s21 =	sand.u32 $0x7, s17  }
0xf1: {  	s20 =	sand.u32 $0xFFFF8000, s20;
	s21 =	sshll.u32 s21, $0x9  }
0xf2: {  	s20 =	sor.u32 s21, s20  }
0xf3: {  	s20 =	sshrl.u32 s20, $0x2  }
0xf4: {  	s20 =	sadd.s32 $0x4040, s20  }
0xf5: {  	v9 =	vmov s20;
	_ =	sdelay $0x3  }
0xf6: {  	s30 =	simm.s32 $0x0  }
0xf7: {  	v6 =	vld.idx.msk [tilespmem:v9+s30+$0x0 ss:$0x1], $0xffff  }
0xf8: {  	v7 =	vld.idx.msk [tilespmem:v9+s30+$0x30 ss:$0x1], $0xffff  }
0xf9: {  	v10 =	vld.idx.msk [tilespmem:v9+s30+$0x20 ss:$0x1], $0xffff  }
0xfa: {  	v11 =	vld.idx.msk [tilespmem:v9+s30+$0xFFFFFFD0 ss:$0x1], $0xffff  }
0xfb: {  	v14 =	vld.idx.msk [tilespmem:v9+s30+$0x10 ss:$0x1], $0xffff  }
0xfc: {  	v17 =	vld.idx.msk [tilespmem:v9+s30+$0xFFFFFFF0 ss:$0x1], $0xffff;
	v6 =	vmul.f32 $1.442695020e+00, v6  }
0xfd: {  	v18 =	vld.idx.msk [tilespmem:v9+s30+$0xFFFFFFE0 ss:$0x1], $0xffff;
	v7 =	vmul.f32 $1.442695020e+00, v7  }
0xfe: {  	v13 =	vld.idx.msk [tilespmem:v9+s30+$0xFFFFFFC0 ss:$0x1], $0xffff;
	v12 =	vadd.f32 $1.258291200e+07, v6  }
0xff: {  	v16 =	vadd.f32 $1.258291200e+07, v7  }
0x100: {  	v10 =	vmul.f32 $1.442695020e+00, v10;
	v14 =	vmul.f32 $1.442695020e+00, v14;
	v8 =	vadd.f32 $-1.258291200e+07, v12  }
0x101: {  	v11 =	vmul.f32 $1.442695020e+00, v11;
	v22 =	vmul.f32 $1.442695020e+00, v17;
	v15 =	vadd.f32 $-1.258291200e+07, v16  }
0x102: {  	v27 =	vmul.f32 $1.442695020e+00, v18;
	v24 =	vadd.f32 $1.258291200e+07, v14;
	v6 =	vsub.f32 v6, v8  }
0x103: {  	v13 =	vmul.f32 $1.442695020e+00, v13;
	v18 =	vadd.f32 $1.258291200e+07, v22;
	v7 =	vsub.f32 v7, v15  }
0x104: {  	v28 =	vadd.f32 $1.258291200e+07, v27;
	v20 =	vshll.u32 v16, $0x17;
	v19 =	vmul.f32 $5.587553610e-02, v6  }
0x105: {  	v16 =	vadd.f32 $1.258291200e+07, v13;
	v25 =	vadd.f32 $-1.258291200e+07, v24;
	v21 =	vmul.f32 $5.587553610e-02, v7  }
0x106: {  	v29 =	vshll.u32 v18, $0x17;
	v12 =	vshll.u32 v12, $0x17;
	v19 =	vadd.f32 $2.422946240e-01, v19  }
0x107: {  	v18 =	vadd.f32 $-1.258291200e+07, v18;
	v12 =	vadd.s32 $0x3F800000, v12;
	v21 =	vadd.f32 $2.422946240e-01, v21  }
0x108: {  	v15 =	vadd.f32 $1.258291200e+07, v10;
	v17 =	vshll.u32 v16, $0x17;
	v19 =	vmul.f32 v19, v6  }
0x109: {  	v26 =	vadd.f32 $-1.258291200e+07, v16;
	v14 =	vsub.f32 v14, v25;
	v21 =	vmul.f32 v21, v7  }
0x10a: {  	v16 =	vshll.u32 v24, $0x17;
	v24 =	vadd.f32 $1.258291200e+07, v11;
	v19 =	vadd.f32 $6.931272750e-01, v19  }
0x10b: {  	v8 =	vimm.f32 $1.000000000e+00;
	v23 =	vadd.f32 $-1.258291200e+07, v15;
	v21 =	vadd.f32 $6.931272750e-01, v21  }
0x10c: {  	v30 =	vsub.f32 v22, v18;
	v25 =	vadd.s32 $0x3F800000, v29;
	v6 =	vmul.f32 v19, v6  }
0x10d: {  	v22 =	vsub.f32 v13, v26;
	v18 =	vsub.f32 v10, v23;
	v7 =	vmul.f32 v21, v7  }
0x10e: {  	v19 =	vadd.s32 $0x3F800000, v20;
	v20 =	vmul.f32 $5.587553610e-02, v30;
	v6 =	vadd.f32 $9.999482630e-01, v6  }
0x10f: {  	v13 =	vadd.f32 $-1.258291200e+07, v28;
	v26 =	vmul.f32 $5.587553610e-02, v18;
	v7 =	vadd.f32 $9.999482630e-01, v7  }
0x110: {  	v10 =	vadd.f32 $2.422946240e-01, v20;
	v20 =	vmul.f32 $5.587553610e-02, v22;
	v6 =	vmul.f32 v12, v6  }
0x111: {  	v23 =	vadd.f32 $-1.258291200e+07, v24;
	v12 =	vmul.f32 $5.587553610e-02, v14;
	v7 =	vmul.f32 v19, v7  }
0x112: {  	v19 =	vshll.u32 v24, $0x17;
	v10 =	vmul.f32 v10, v30;
	v20 =	vadd.f32 $2.422946240e-01, v20  }
0x113: {  	v24 =	vsub.f32 v11, v23;
	v23 =	vshll.u32 v28, $0x17;
	v6 =	vadd.f32 $1.000000000e+00, v6  }
0x114: {  	v12 =	vadd.f32 $2.422946240e-01, v12;
	v21 =	vadd.f32 $1.000000000e+00, v7;
	v11 =	vmul.f32 v20, v22  }
0x115: {  	v10 =	vadd.f32 $6.931272750e-01, v10;
	v29 =	vmul.f32 $5.587553610e-02, v24;
	v7 =	vmul.f32 v6, v8  }
0x116: {  	v12 =	vmul.f32 v12, v14;
	v6 =	vmul.f32 v21, v8;
	v21 =	vsub.f32 v27, v13  }
0x117: {  	s22 =	sshll.u32 s19, $0xA;
	s20 =	sshll.u32 s19, $0x7;
	v10 =	vmul.f32 v10, v30;
	v27 =	vadd.f32 $6.931272750e-01, v11;
	v29 =	vadd.f32 $2.422946240e-01, v29  }
0x118: {  	s31 =	sand.u32 $0x2000, s22;
	s23 =	sand.u32 $0x380, s20;
	v13 =	vimm.f32 $1.000000000e+00;
	v11 =	vimm.f32 $1.000000000e+00;
	v12 =	vadd.f32 $6.931272750e-01, v12  }
0x119: {  	s21 =	sor.u32 s23, s31;
	v28 =	vmul.f32 $5.587553610e-02, v21;
	v30 =	vadd.f32 $9.999482630e-01, v10;
	v10 =	vimm.f32 $1.000000000e+00  }
0x11a: {  	s24 =	simm.s32 $0x1000;
	s21 =	sor.u32 $0x4000, s21;
	v20 =	vmul.f32 v12, v14;
	v14 =	vimm.f32 $1.000000000e+00;
	v12 =	vimm.f32 $1.000000000e+00  }
.LBB2_8:
0x11b: {  	s25 =	sshra.s32 s24, $0x2;
	p1 =	sne.s32 s24, $0x6000;
	s24 =	sadd.s32 $0x1000, s24;
	v22 =	vmul.f32 v27, v22;
	v15 =	vshll.u32 v15, $0x17;
	v26 =	vadd.f32 $2.422946240e-01, v26  }
0x11c: {  	v27 =	vld.idx.msk [tilespmem:v9+s25+$0x20 ss:$0x1], $0xffff;
	v29 =	vmul.f32 v29, v24;
	v28 =	vadd.f32 $2.422946240e-01, v28;
	v25 =	vmul.f32 v25, v30  }
0x11d: {  	v31 =	vadd.s32 $0x3F800000, v15;
	v30 =	vld.idx.msk [tilespmem:v9+s25+$0x30 ss:$0x1], $0xffff;
	v22 =	vadd.f32 $9.999482630e-01, v22;
	v15 =	vmul.f32 v26, v18  }
0x11e: {  	v17 =	vadd.s32 $0x3F800000, v17;
	v26 =	vld.idx.msk [tilespmem:v9+s25+$0x0 ss:$0x1], $0xffff;
	v29 =	vadd.f32 $6.931272750e-01, v29;
	v25 =	vadd.f32 $1.000000000e+00, v25  }
0x11f: {  	v32 =	vld.idx.msk [tilespmem:v9+s25+$0xFFFFFFD0 ss:$0x1], $0xffff;
	v17 =	vmul.f32 v17, v22;
	v22 =	vmul.f32 v28, v21;
	v15 =	vadd.f32 $6.931272750e-01, v15  }
0x120: {  	v16 =	vadd.s32 $0x3F800000, v16;
	v28 =	vld.idx.msk [tilespmem:v9+s25+$0xFFFFFFC0 ss:$0x1], $0xffff;
	v24 =	vmul.f32 v29, v24;
	v8 =	vmul.f32 v25, v8  }
0x121: {  	v25 =	vld.idx.msk [tilespmem:v9+s25+$0x10 ss:$0x1], $0xffff;
	v17 =	vadd.f32 $1.000000000e+00, v17;
	v22 =	vadd.f32 $6.931272750e-01, v22;
	v15 =	vmul.f32 v15, v18  }
0x122: {  	v19 =	vadd.s32 $0x3F800000, v19;
	v23 =	vadd.s32 $0x3F800000, v23;
	v18 =	vld.idx.msk [tilespmem:v9+s25+$0xFFFFFFE0 ss:$0x1], $0xffff;
	v24 =	vadd.f32 $9.999482630e-01, v24  }
0x123: {  	v14 =	vmul.f32 v17, v14;
	v17 =	vmul.f32 v22, v21;
	v21 =	vadd.f32 $9.999482630e-01, v15  }
0x124: {  	v22 =	vmul.f32 $1.442695020e+00, v26;
	v15 =	vmul.f32 v19, v24;
	v19 =	vadd.f32 $9.999482630e-01, v20  }
0x125: {  	v20 =	vmul.f32 $1.442695020e+00, v27;
	v24 =	vmul.f32 $1.442695020e+00, v30;
	v17 =	vadd.f32 $9.999482630e-01, v17  }
0x126: {  	v26 =	vmul.f32 $1.442695020e+00, v32;
	v27 =	vadd.f32 $1.258291200e+07, v22;
	v29 =	vadd.f32 $1.000000000e+00, v15  }
0x127: {  	v15 =	vadd.f32 $1.258291200e+07, v20;
	v30 =	vadd.f32 $1.258291200e+07, v24;
	v17 =	vmul.f32 v23, v17  }
0x128: {  	v21 =	vmul.f32 v31, v21;
	v23 =	vmul.f32 $1.442695020e+00, v28;
	v32 =	vadd.f32 $-1.258291200e+07, v27;
	v28 =	vld.idx.msk [tilespmem:v9+s25+$0xFFFFFFF0 ss:$0x1], $0xffff  }
0x129: {  	v25 =	vmul.f32 $1.442695020e+00, v25;
	v16 =	vmul.f32 v16, v19;
	v31 =	vadd.f32 $-1.258291200e+07, v30  }
0x12a: {  	v21 =	vadd.f32 $1.000000000e+00, v21;
	v19 =	vsub.f32 v22, v32;
	v22 =	vshll.u32 v30, $0x17  }
0x12b: {  	v13 =	vmul.f32 v29, v13;
	v16 =	vadd.f32 $1.000000000e+00, v16;
	v24 =	vsub.f32 v24, v31  }
0x12c: {  	v30 =	vadd.f32 $-1.258291200e+07, v15;
	v17 =	vadd.f32 $1.000000000e+00, v17;
	v29 =	vmul.f32 $5.587553610e-02, v19  }
0x12d: {  	v31 =	vadd.f32 $1.258291200e+07, v23;
	v12 =	vmul.f32 v16, v12;
	v32 =	vmul.f32 $5.587553610e-02, v24  }
0x12e: {  	v10 =	vmul.f32 v21, v10;
	v28 =	vmul.f32 $1.442695020e+00, v28;
	v16 =	vadd.f32 $2.422946240e-01, v29  }
0x12f: {  	v21 =	vadd.f32 $1.258291200e+07, v25;
	v11 =	vmul.f32 v17, v11;
	v29 =	vadd.f32 $2.422946240e-01, v32  }
0x130: {  	v17 =	vshll.u32 v31, $0x17;
	v32 =	vmul.f32 $1.442695020e+00, v18;
	v16 =	vmul.f32 v16, v19  }
0x131: {  	v33 =	vadd.f32 $-1.258291200e+07, v21;
	v18 =	vadd.f32 $1.258291200e+07, v28;
	v29 =	vmul.f32 v29, v24  }
0x132: {  	v31 =	vadd.f32 $-1.258291200e+07, v31;
	v34 =	vadd.f32 $6.931272750e-01, v16;
	v16 =	vshll.u32 v21, $0x17  }
0x133: {  	v35 =	vadd.f32 $1.258291200e+07, v32;
	v21 =	vshll.u32 v18, $0x17;
	v29 =	vadd.f32 $6.931272750e-01, v29  }
0x134: {  	v33 =	vsub.f32 v25, v33;
	v18 =	vadd.f32 $-1.258291200e+07, v18;
	v19 =	vmul.f32 v34, v19  }
0x135: {  	v27 =	vshll.u32 v27, $0x17;
	v25 =	vadd.f32 $1.258291200e+07, v26;
	v24 =	vmul.f32 v29, v24  }
0x136: {  	v28 =	vsub.f32 v28, v18;
	v18 =	vadd.f32 $9.999482630e-01, v19;
	v19 =	vadd.s32 $0x3F800000, v22  }
0x137: {  	v22 =	vsub.f32 v23, v31;
	v23 =	vadd.s32 $0x3F800000, v27;
	v24 =	vadd.f32 $9.999482630e-01, v24  }
0x138: {  	v27 =	vadd.f32 $-1.258291200e+07, v35;
	v29 =	vmul.f32 $5.587553610e-02, v28;
	v23 =	vmul.f32 v23, v18  }
0x139: {  	v31 =	vmul.f32 $5.587553610e-02, v33;
	v18 =	vsub.f32 v20, v30;
	v20 =	vmul.f32 v19, v24  }
0x13a: {  	v19 =	vshll.u32 v25, $0x17;
	v24 =	vadd.f32 $2.422946240e-01, v29;
	v23 =	vadd.f32 $1.000000000e+00, v23  }
0x13b: {  	v30 =	vadd.f32 $2.422946240e-01, v31;
	v29 =	vmul.f32 $5.587553610e-02, v22;
	v20 =	vadd.f32 $1.000000000e+00, v20  }
0x13c: {  	v25 =	vadd.f32 $-1.258291200e+07, v25;
	v31 =	vmul.f32 v24, v28;
	v7 =	vmul.f32 v23, v7  }
0x13d: {  	v23 =	vadd.f32 $2.422946240e-01, v29;
	v29 =	vmul.f32 v30, v33;
	v6 =	vmul.f32 v20, v6  }
.Ltmp4:
0x13e: {  	v24 =	vsub.f32 v26, v25;
	v25 =	vadd.s32 $0x3F800000, v21;
	v20 =	vadd.f32 $6.931272750e-01, v31;
	(pc) =	sbr.rel @p1 .LBB2_8-.Ltmp4, $4  }
0x13f: {  	v26 =	vmul.f32 $5.587553610e-02, v18;
	v23 =	vmul.f32 v23, v22;
	v29 =	vadd.f32 $6.931272750e-01, v29  }
0x140: {  	v21 =	vsub.f32 v32, v27;
	v30 =	vmul.f32 $5.587553610e-02, v24;
	v31 =	vmul.f32 v20, v28  }
0x141: {  	v27 =	vadd.f32 $6.931272750e-01, v23;
	v23 =	vshll.u32 v35, $0x17;
	v20 =	vmul.f32 v29, v33  }
0x142: {  	v28 =	vmul.f32 $5.587553610e-02, v21;
	v29 =	vadd.f32 $2.422946240e-01, v30;
	v30 =	vadd.f32 $9.999482630e-01, v31  }
0x143: {  	s22 =	sor.u32 s22, s23;
	v22 =	vmul.f32 v27, v22  }
0x144: {  	v26 =	vadd.f32 $2.422946240e-01, v26;
	v17 =	vadd.s32 $0x3F800000, v17;
	v15 =	vshll.u32 v15, $0x17;
	s23 =	sor.u32 $0x1C00, s22  }
0x145: {  	v16 =	vadd.s32 $0x3F800000, v16;
	v19 =	vadd.s32 $0x3F800000, v19;
	v57 =	vadd.f32 $9.999482630e-01, v20;
	s26 =	sor.u32 $0x1C10, s22;
	v9 =	vld [tilespmem:s23+$0x4000]  }
0x146: {  	v46 =	vmul.f32 v29, v24;
	v25 =	vmul.f32 v25, v30;
	v28 =	vadd.f32 $2.422946240e-01, v28;
	s28 =	sor.u32 $0x1C20, s22;
	v50 =	vld [tilespmem:s26+$0x4000]  }
0x147: {  	s29 =	sor.u32 $0x1C30, s22;
	v22 =	vadd.f32 $9.999482630e-01, v22;
	v26 =	vmul.f32 v26, v18;
	v56 =	vld [tilespmem:s28+$0x4000];
	v16 =	vmul.f32 v16, v57  }
0x148: {  	s30 =	sor.u32 $0x1C60, s22;
	v62 =	vld [tilespmem:s29+$0x4000];
	v27 =	vadd.f32 $6.931272750e-01, v46;
	v25 =	vadd.f32 $1.000000000e+00, v25;
	v47 =	vmul.f32 v28, v21  }
0x149: {  	s31 =	sor.u32 $0x1C40, s22;
	v29 =	vld.msk [tilespmem:s30+$0x4000], $0xff;
	v17 =	vmul.f32 v17, v22;
	v26 =	vadd.f32 $6.931272750e-01, v26;
	v16 =	vadd.f32 $1.000000000e+00, v16  }
0x14a: {  	v33 =	vld [tilespmem:s31+$0x4000];
	v48 =	vmul.f32 v27, v24;
	v8 =	vmul.f32 v25, v8;
	v22 =	vadd.f32 $6.931272750e-01, v47  }
0x14b: {  	v23 =	vadd.s32 $0x3F800000, v23;
	v52 =	vmul.f32 v26, v18;
	v12 =	vmul.f32 v16, v12  }
0x14c: {  	v15 =	vadd.s32 $0x3F800000, v15;
	v9 =	vmul.f32 $1.442695020e+00, v9;
	v53 =	vmul.f32 v22, v21  }
0x14d: {  	v17 =	vadd.f32 $1.000000000e+00, v17;
	v55 =	vmul.f32 $1.442695020e+00, v50;
	v61 =	vmul.f32 $1.442695020e+00, v56  }
0x14e: {  	v24 =	vadd.f32 $9.999482630e-01, v48;
	v37 =	vmul.f32 $1.442695020e+00, v62;
	v38 =	vmul.f32 $1.442695020e+00, v29  }
0x14f: {  	v39 =	vmul.f32 $1.442695020e+00, v33;
	v18 =	vadd.f32 $9.999482630e-01, v52;
	v31 =	vadd.f32 $1.258291200e+07, v9  }
0x150: {  	v14 =	vmul.f32 v17, v14;
	v21 =	vadd.f32 $9.999482630e-01, v53;
	v58 =	vadd.f32 $1.258291200e+07, v55  }
0x151: {  	v19 =	vmul.f32 v19, v24;
	v63 =	vadd.f32 $1.258291200e+07, v61;
	v40 =	vadd.f32 $1.258291200e+07, v38  }
0x152: {  	v42 =	vadd.f32 $1.258291200e+07, v39;
	v15 =	vmul.f32 v15, v18;
	v32 =	vadd.f32 $-1.258291200e+07, v31  }
0x153: {  	v19 =	vadd.f32 $1.000000000e+00, v19;
	v21 =	vmul.f32 v23, v21;
	v59 =	vadd.f32 $-1.258291200e+07, v58  }
0x154: {  	s22 =	sor.u32 $0x1C50, s22;
	v60 =	vshll.u32 v31, $0x17;
	v23 =	vadd.f32 $1.258291200e+07, v37;
	v43 =	vadd.f32 $-1.258291200e+07, v40  }
0x155: {  	v35 =	vld [tilespmem:s22+$0x4000];
	v20 =	vshll.u32 v58, $0x17;
	v45 =	vadd.f32 $-1.258291200e+07, v42;
	v9 =	vsub.f32 v9, v32  }
0x156: {  	v56 =	vshll.u32 v40, $0x17;
	v58 =	vshll.u32 v42, $0x17;
	v15 =	vadd.f32 $1.000000000e+00, v15  }
0x157: {  	v18 =	vadd.s32 $0x3F800000, v60;
	v20 =	vadd.s32 $0x3F800000, v20;
	v49 =	vmul.f32 $5.587553610e-02, v9  }
0x158: {  	v57 =	vadd.s32 $0x3F800000, v56;
	v17 =	vsub.f32 v55, v59;
	v30 =	vadd.f32 $1.000000000e+00, v21  }
0x159: {  	v13 =	vmul.f32 v19, v13;
	v32 =	vadd.f32 $-1.258291200e+07, v63;
	v51 =	vadd.f32 $2.422946240e-01, v49  }
0x15a: {  	v41 =	vadd.f32 $-1.258291200e+07, v23;
	v19 =	vmul.f32 $1.442695020e+00, v35;
	v31 =	vmul.f32 $5.587553610e-02, v17  }
0x15b: {  	v21 =	vsub.f32 v38, v43;
	v24 =	vsub.f32 v39, v45;
	v54 =	vmul.f32 v51, v9  }
0x15c: {  	v23 =	vshll.u32 v23, $0x17;
	v36 =	vsub.f32 v61, v32;
	v34 =	vadd.f32 $2.422946240e-01, v31  }
0x15d: {  	v10 =	vmul.f32 v15, v10;
	v44 =	vadd.f32 $1.258291200e+07, v19;
	v22 =	vadd.f32 $6.931272750e-01, v54  }
0x15e: {  	v16 =	vsub.f32 v37, v41;
	v48 =	vmul.f32 $5.587553610e-02, v21;
	v15 =	vmul.f32 v34, v17  }
0x15f: {  	v47 =	vadd.f32 $-1.258291200e+07, v44;
	v9 =	vmul.f32 v22, v9;
	v22 =	vmul.f32 $5.587553610e-02, v36  }
0x160: {  	v59 =	vadd.s32 $0x3F800000, v58;
	v26 =	vadd.f32 $2.422946240e-01, v48;
	v15 =	vadd.f32 $6.931272750e-01, v15  }
0x161: {  	v46 =	vmul.f32 $5.587553610e-02, v16;
	v9 =	vadd.f32 $9.999482630e-01, v9;
	v22 =	vadd.f32 $2.422946240e-01, v22  }
0x162: {  	v19 =	vsub.f32 v19, v47;
	v26 =	vmul.f32 v26, v21;
	v15 =	vmul.f32 v15, v17  }
0x163: {  	v49 =	vadd.f32 $2.422946240e-01, v46;
	v9 =	vmul.f32 v18, v9;
	v22 =	vmul.f32 v22, v36  }
0x164: {  	v51 =	vmul.f32 $5.587553610e-02, v19;
	v53 =	vadd.f32 $6.931272750e-01, v26;
	v15 =	vadd.f32 $9.999482630e-01, v15  }
0x165: {  	v50 =	vmul.f32 $5.587553610e-02, v24;
	v9 =	vadd.f32 $1.000000000e+00, v9;
	v22 =	vadd.f32 $6.931272750e-01, v22  }
0x166: {  	v28 =	vadd.f32 $2.422946240e-01, v51;
	v15 =	vmul.f32 v20, v15;
	v20 =	vmul.f32 v49, v16  }
0x167: {  	v9 =	vmul.f32 v9, v14;
	v14 =	vmul.f32 v22, v36;
	v22 =	vadd.f32 $2.422946240e-01, v50  }
0x168: {  	v21 =	vmul.f32 v53, v21;
	v54 =	vmul.f32 v28, v19;
	v20 =	vadd.f32 $6.931272750e-01, v20  }
0x169: {  	v18 =	vshll.u32 v63, $0x17;
	v14 =	vadd.f32 $9.999482630e-01, v14;
	v52 =	vmul.f32 v22, v24  }
0x16a: {  	v18 =	vadd.s32 $0x3F800000, v18;
	v16 =	vmul.f32 v20, v16;
	v20 =	vadd.f32 $6.931272750e-01, v54  }
0x16b: {  	v21 =	vadd.f32 $9.999482630e-01, v21;
	v14 =	vmul.f32 v18, v14;
	v18 =	vadd.f32 $6.931272750e-01, v52  }
0x16c: {  	v55 =	vadd.s32 $0x3F800000, v23;
	v11 =	vmul.f32 v30, v11;
	v19 =	vmul.f32 v20, v19  }
0x16d: {  	v15 =	vadd.f32 $1.000000000e+00, v15;
	v20 =	vmul.f32 v57, v21;
	v18 =	vmul.f32 v18, v24  }
0x16e: {  	v17 =	vshll.u32 v44, $0x17;
	v16 =	vadd.f32 $9.999482630e-01, v16;
	v19 =	vadd.f32 $9.999482630e-01, v19  }
0x16f: {  	v17 =	vadd.s32 $0x3F800000, v17;
	v20 =	vadd.f32 $1.000000000e+00, v20;
	v18 =	vadd.f32 $9.999482630e-01, v18  }
0x170: {  	v16 =	vmul.f32 v55, v16;
	v14 =	vadd.f32 $1.000000000e+00, v14;
	v17 =	vmul.f32 v17, v19  }
0x171: {  	v60 =	vperm.xlane v20, v0;
	v18 =	vmul.f32 v59, v18  }
0x172: {  	v13 =	vmul.f32 v15, v13;
	v16 =	vadd.f32 $1.000000000e+00, v16;
	v11 =	vmul.f32 v14, v11  }
0x173: {  	v61 =	vadd.f32 $1.000000000e+00, v17;
	v62 =	vsel vm0, $0x3F800000, v60;
	v18 =	vadd.f32 $1.000000000e+00, v18  }
0x174: {  	v8 =	vmul.f32 v16, v8;
	v10 =	vmul.f32 v62, v10  }
0x175: {  	v12 =	vmul.f32 v61, v12;
	v7 =	vmul.f32 v18, v7  }
0x176: {  	v9 =	vmul.f32 v13, v9;
	v8 =	vmul.f32 v8, v11  }
0x177: {  	v6 =	vmul.f32 v10, v6;
	v7 =	vmul.f32 v12, v7;
	_ =	sdelay $0x1  }
0x178: {  	v8 =	vmul.f32 v8, v9;
	v6 =	vmul.f32 v7, v6;
	_ =	sdelay $0x1  }
0x179: {  	v6 =	vmul.f32 v6, v8;
	_ =	sdelay $0x1  }
0x17a: {  	(erf) = vrcp.f32 v6;
	_ =	sdelay $0x8  }
0x17b: {  	v6 =	vpop (erf)  }
0x17c: {  	v7 =	vperm.xlane v6, v1;
	_ =	sdelay $0x1  }
0x17d: {  	v6 =	vmul.f32 v6, v7;
	_ =	sdelay $0x1  }
0x17e: {  	v7 =	vperm.xlane v6, v2;
	_ =	sdelay $0x1  }
0x17f: {  	v6 =	vmul.f32 v6, v7;
	_ =	sdelay $0x1  }
0x180: {  	v7 =	vperm.xlane v6, v3  }
0x181: {  	v63 =	vld [tilespmem:s21+$0x0]  }
0x182: {  	v6 =	vmul.f32 v6, v7;
	_ =	sdelay $0x1  }
0x183: {  	v7 =	vperm.xlane v6, v0;
	_ =	sdelay $0x1  }
0x184: {  	v6 =	vmul.f32 v6, v7;
	v7 =	vperm.xlane v63, v4;
	_ =	sdelay $0x1  }
0x185: {  	v6 =	vsel vm1, v6, v7  }
0x186: {  	v6 =	vnsel vm2, $0x0, v6  }
0x187: {  	[tilespmem:s20+$0x8800] =	vst v6  }
0x188: {  	v6 =	vld [tilespmem:s21+$0x0]  }
0x189: {  	v7 =	vld.msk [tilespmem:s21+$0x10], $0x7fff;
	_ =	sdelay $0x4  }
0x18a: {  	v6 =	vperm.xlane v6, v5;
	v7 =	vperm.xlane v7, v5;
	_ =	sdelay $0x1  }
0x18b: {  	v6 =	vsel vm1, v6, v7  }
0x18c: {  	[tilespmem:s20+$0x8810] =	vst v6  }
0x18d: {  	v6 =	vld [tilespmem:s21+$0x10]  }
0x18e: {  	v7 =	vld.msk [tilespmem:s21+$0x20], $0x7fff;
	_ =	sdelay $0x4  }
0x18f: {  	v6 =	vperm.xlane v6, v5;
	v7 =	vperm.xlane v7, v5;
	_ =	sdelay $0x1  }
0x190: {  	v6 =	vsel vm1, v6, v7  }
0x191: {  	[tilespmem:s20+$0x8820] =	vst v6  }
0x192: {  	v6 =	vld [tilespmem:s21+$0x20]  }
0x193: {  	v7 =	vld.msk [tilespmem:s21+$0x30], $0x7fff;
	_ =	sdelay $0x4  }
0x194: {  	v6 =	vperm.xlane v6, v5;
	v7 =	vperm.xlane v7, v5;
	_ =	sdelay $0x1  }
0x195: {  	v6 =	vsel vm1, v6, v7  }
0x196: {  	[tilespmem:s20+$0x8830] =	vst v6  }
0x197: {  	v6 =	vld [tilespmem:s21+$0x30]  }
0x198: {  	v7 =	vld.msk [tilespmem:s21+$0x40], $0x7fff;
	_ =	sdelay $0x4  }
0x199: {  	v6 =	vperm.xlane v6, v5;
	v7 =	vperm.xlane v7, v5;
	_ =	sdelay $0x1  }
0x19a: {  	v6 =	vsel vm1, v6, v7  }
0x19b: {  	[tilespmem:s20+$0x8840] =	vst v6  }
0x19c: {  	v6 =	vld [tilespmem:s21+$0x40]  }
0x19d: {  	v7 =	vld.msk [tilespmem:s21+$0x50], $0x7fff;
	_ =	sdelay $0x4  }
0x19e: {  	v6 =	vperm.xlane v6, v5;
	v7 =	vperm.xlane v7, v5;
	_ =	sdelay $0x1  }
0x19f: {  	v6 =	vsel vm1, v6, v7  }
0x1a0: {  	[tilespmem:s20+$0x8850] =	vst v6  }
0x1a1: {  	v6 =	vld [tilespmem:s21+$0x50]  }
0x1a2: {  	v7 =	vld.msk [tilespmem:s21+$0x60], $0x7fff;
	_ =	sdelay $0x4  }
0x1a3: {  	v6 =	vperm.xlane v6, v5;
	v7 =	vperm.xlane v7, v5;
	_ =	sdelay $0x1  }
0x1a4: {  	v6 =	vsel vm1, v6, v7  }
0x1a5: {  	[tilespmem:s20+$0x8860] =	vst v6  }
0x1a6: {  	v6 =	vld [tilespmem:s21+$0x60]  }
0x1a7: {  	v7 =	vld.msk [tilespmem:s21+$0x70], $0x7fff;
	_ =	sdelay $0x1  }
0x1a8: {  	s19 =	sadd.s32 $0x1, s19  }
0x1a9: {  	p1 =	sne.s32 s19, $0x10  }
.Ltmp5:
0x1aa: {  	_ = 	snop;
	(pc) =	sbr.rel @p1 .LBB2_7-.Ltmp5, $3  }
0x1ab: {  	v6 =	vperm.xlane v6, v5;
	v7 =	vperm.xlane v7, v5;
	_ =	sdelay $0x1  }
0x1ac: {  	v6 =	vsel vm1, v6, v7  }
0x1ad: {  	s18 =	sadd.s32 $0x400, s18;
	s17 =	sadd.s32 $0x1, s17;
	[tilespmem:s20+$0x8870] =	vst v6  }
.Ltmp6:
0x1ae: {  	(pc) =	sbr.rel @!p0 .LBB2_12-.Ltmp6, $2  }
0x1af: {  	_ =	sdelay $0x2  }
0x1b0: {  	s16 =	sadd.s32 s9, s16  }
.Ltmp7:
0x1b1: {  	(pc) =	sbr.rel .LBB2_2-.Ltmp7, $4  }
0x1b2: {  	[tilespmem:s10], [sflag:$0x2] =	stream.linear.gather [hbm4b:s7+s2], $0x4000, $0x38;
	[tilespmem:$0x9000] =	vst v63  }
0x1b3: {  	_ = 	snop  }
0x1b4: {  	[hbm4b:s16+s2] =	stream.linear.scatter [tilespmem:s12], [sflag:$0x4], $0x800, $0x38;
	[tilespmem:$0x9000] =	vst v63  }
0x1b5: {  	p0 =	por $0x0, $0x0;
	s16 =	simm.s32 $0x200  }
.LBB2_13:
0x1b6: {  	_ =	sfence.sel $0x180000  }
0x1b7: {  	[bflag:$0x0] =	sbarrier.arrive $0xFFFF  }
0x1b8: {  	p0 =	sne.s32 s1, $0x0;
	_ =	strace $0x90000047  }
0x1b9: {  	s0 =	sadd.s32 @!p0 $0x100000, s0;
	[bflag:$0x2] =	sbarrier.arrive $0xFFFF  }
0x1ba: {  	[sflag:s0] =	ssyncadd.tile.s32 @!p0 $0x1;
	_ =	shalt  }
.Lfunc_end2:
_tile_overlayer_lowered:
.L_overlay_start_2:
0x1bb: {  	(tag) =	ssettag $0x2  }
0x1bc: {  	s0 =	rddreg [dreg:$0x0];
	s2 =	stileid.u32  }
0x1bd: {  	s1 =	rddreg [dreg:$0x1];
	p0 =	sne.s32 s2, $0x0  }
0x1be: {  	s3 =	rddreg [dreg:$0x2];
	[bflag:$0x3] =	sbarrier.arrive $0xFFFF;
	s2 =	simm.s32 @!p0 $0x1C05  }
0x1bf: {  	[timem:s3], [sflag:s2] =	dma.local @!p0 [hbm:s0], s1  }
0x1c0: {  	s0 =	simm.s32 @!p0 $0x5  }
0x1c1: {  	_ =	swait.ge @!p0 [sflag:s0], s1  }
0x1c2: {  	s1 =	ssub.s32 @!p0 $0x0, s1;
	[sflag:s0] =	ssyncset.done @!p0 $0x0  }
0x1c3: {  	[sflag:s0] =	ssyncadd.s32 @!p0 s1  }
0x1c4: {  	[bflag:$0x3] =	sbarrier.arrive $0xFFFF  }
0x1c5: {  	_ =	shalt  }

</sc_bundles>
